<compile_context>
chip_gen: v7x
topology: tpu7x:2x2x1
jax: 0.10.2.dev20260603
libtpu: 0.0.44.dev20260713+nightly
codegen_flags: <defaults>
</compile_context>

<pallas_src>
import functools

import jax
import jax.numpy as jnp
from jax import lax
from jax.experimental import pallas as pl
from jax.experimental.pallas import tpu as pltpu
from jax.experimental.pallas import tpu_sc as plsc

VOCAB = 1000000
EMBED_DIM = 32
PAD_DIM = 128
BATCH = 16384
HIST = 50
HIST_PAD = 56

_info = plsc.get_sparse_core_info()
NUM_CORES = _info.num_cores
NUM_SUBCORES = _info.num_subcores
NUM_WORKERS = NUM_CORES * NUM_SUBCORES

ROWS_PER_W = BATCH // NUM_WORKERS
RCHUNK = 32
N_CHUNKS = ROWS_PER_W // RCHUNK
NBUF = 2

_mesh = plsc.VectorSubcoreMesh(core_axis_name="c", subcore_axis_name="s")


@functools.partial(
    pl.kernel,
    mesh=_mesh,
    compiler_params=pltpu.CompilerParams(use_tc_tiling_on_sc=False),
    out_type=jax.ShapeDtypeStruct((BATCH, HIST_PAD, PAD_DIM), jnp.float32),
    scratch_types=[
        pltpu.VMEM((ROWS_PER_W, HIST), jnp.int32),
        pltpu.VMEM((RCHUNK, HIST, EMBED_DIM), jnp.float32),
        pltpu.VMEM((RCHUNK, HIST, EMBED_DIM), jnp.float32),
        pltpu.SemaphoreType.DMA,
        pltpu.SemaphoreType.DMA,
        pltpu.SemaphoreType.DMA,
        pltpu.SemaphoreType.DMA,
    ],
)
def _gather_kernel(idx_hbm, table_hbm, out_hbm, idx_all, rows0, rows1,
                   g0, g1, s0, s1):
    wid = lax.axis_index("s") * NUM_CORES + lax.axis_index("c")
    wbase = wid * ROWS_PER_W

    row_bufs = (rows0, rows1)
    g_sems = (g0, g1)
    s_sems = (s0, s1)

    pltpu.sync_copy(idx_hbm.at[pl.ds(wbase, ROWS_PER_W), :], idx_all)

    def start_gather(c):
        b = c % NBUF

        def issue_row(r, carry):
            pltpu.async_copy(
                table_hbm.at[idx_all.at[c * RCHUNK + r]],
                row_bufs[b].at[r], g_sems[b])
            return carry

        lax.fori_loop(0, RCHUNK, issue_row, 0)

    def wait_gather(c):
        b = c % NBUF

        def wait_row(r, carry):
            pltpu.make_async_copy(
                table_hbm.at[idx_all.at[c * RCHUNK + r]],
                row_bufs[b].at[r], g_sems[b]).wait()
            return carry

        lax.fori_loop(0, RCHUNK, wait_row, 0)

    stores = {}
    for c in range(min(NBUF, N_CHUNKS)):
        start_gather(c)
    for c in range(N_CHUNKS):
        b = c % NBUF
        wait_gather(c)
        stores[c] = pltpu.async_copy(
            row_bufs[b],
            out_hbm.at[pl.ds(wbase + c * RCHUNK, RCHUNK),
                       pl.ds(0, HIST), pl.ds(0, EMBED_DIM)],
            s_sems[b])
        nc = c + NBUF
        if nc < N_CHUNKS:
            stores[c].wait()
            start_gather(nc)
    for c in range(max(0, N_CHUNKS - NBUF), N_CHUNKS):
        stores[c].wait()


def kernel(x, table):
    out_p = _gather_kernel(x.astype(jnp.int32), table)
    return out_p[:, :HIST, :EMBED_DIM]

# --- scband reference (transcript-rebuilt; emitter-appended) ---
"""Pipeline reference for scband-digit-embedding-18150531793222 (READ-ONLY COPY).

The authoritative reference and input builder live on the scoring server;
editing this copy changes nothing except your own understanding.
"""

import jax, jax.numpy as jnp
import numpy as np

VOCAB = 1000000
EMBED_DIM = 32
PADDING_IDX = 0
BATCH = 16384
HIST = 50

def setup_inputs(seed: int = 0) -> dict:
    key = jax.random.key(seed)
    k_idx, k_tab = jax.random.split(key)
    x = jax.random.randint(k_idx, (BATCH, HIST), 0, VOCAB, dtype=jnp.int64)
    table = jax.random.normal(k_tab, (VOCAB, EMBED_DIM), dtype=jnp.float32)
    # torch nn.Embedding zeros the padding_idx row at init
    table = table.at[PADDING_IDX].set(0.0)
    return {"x": x, "table": table}

def reference(x, table) -> jnp.ndarray:
    # nn.Embedding forward: gather rows by index (padding row is zero in the table)
    eff_table = table.at[PADDING_IDX].set(0.0)
    return jnp.take(eff_table, x, axis=0)

if __name__ == "__main__":
    import jax
    _d = setup_inputs()
    print(jax.jit(kernel)(*tuple(_d.values())))

</pallas_src>

<mosaic_0001>
#map = affine_map<(d0, d1) -> (0, 0)>
#map1 = affine_map<(d0, d1) -> (0, 0, 0)>
module attributes {stable_mosaic.version = 14 : i64} {
  func.func @_gather_kernel(%arg0: i32, %arg1: i32, %arg2: memref<16384x50xi32, #tpu.memory_space<hbm>>, %arg3: memref<1000000x32xf32, #tpu.memory_space<hbm>>, %arg4: memref<16384x56x128xf32, #tpu.memory_space<hbm>>, %arg5: memref<512x50xi32, #tpu.memory_space<vmem>>, %arg6: memref<32x50x32xf32, #tpu.memory_space<vmem>>, %arg7: memref<32x50x32xf32, #tpu.memory_space<vmem>>, %arg8: memref<!tpu.dma_semaphore, #tpu.memory_space<semaphore_mem>>, %arg9: memref<!tpu.dma_semaphore, #tpu.memory_space<semaphore_mem>>, %arg10: memref<!tpu.dma_semaphore, #tpu.memory_space<semaphore_mem>>, %arg11: memref<!tpu.dma_semaphore, #tpu.memory_space<semaphore_mem>>) attributes {dimension_semantics = [#tpu.dimension_semantics<core_parallel>, #tpu.dimension_semantics<subcore_parallel>], iteration_bounds = array<i64: 2, 16>, scalar_prefetch = 0 : i64, scratch_operands = 7 : i64, tpu.core_type = #tpu.core_type<sc_vector_subcore>, window_params = [{transform_indices = #map}, {transform_indices = #map}, {transform_indices = #map1}]} {
    %mul3A = arith.constant 2 : i32
    %mul3A_0 = arith.muli %arg1, %mul3A : i32
    %add3A = arith.addi %mul3A_0, %arg0 : i32
    %mul3A_1 = arith.constant 512 : i32
    %mul3A_2 = arith.muli %add3A, %mul3A_1 : i32
    "tpu.region"() ({
      %run_scoped3A = tpu.sem_alloc : memref<!tpu.dma_semaphore, #tpu.memory_space<semaphore_mem>>
      %dma_start3A_416 = arith.constant 0 : i32
      %dma_start3A_417 = tpu.memref_slice %arg2[%mul3A_2, %dma_start3A_416] : memref<16384x50xi32, #tpu.memory_space<hbm>> -> memref<512x50xi32, #tpu.memory_space<hbm>>
      %dma_start3A_418 = arith.constant 0 : i32
      %dma_start3A_419 = tpu.memref_slice %arg2[%mul3A_2, %dma_start3A_418] : memref<16384x50xi32, #tpu.memory_space<hbm>> -> memref<512x50xi32, #tpu.memory_space<hbm>>
      tpu.enqueue_dma source(%dma_start3A_419 : memref<512x50xi32, #tpu.memory_space<hbm>>) target(%arg5 : memref<512x50xi32, #tpu.memory_space<vmem>>) target_semaphore(%run_scoped3A : memref<!tpu.dma_semaphore, #tpu.memory_space<semaphore_mem>>)
      %dma_wait3A_420 = arith.constant 0 : i32
      %dma_wait3A_421 = tpu.memref_slice %arg2[%mul3A_2, %dma_wait3A_420] : memref<16384x50xi32, #tpu.memory_space<hbm>> -> memref<512x50xi32, #tpu.memory_space<hbm>>
      %dma_wait3A_422 = arith.constant 0 : i32
      %dma_wait3A_423 = tpu.memref_slice %arg2[%mul3A_2, %dma_wait3A_422] : memref<16384x50xi32, #tpu.memory_space<hbm>> -> memref<512x50xi32, #tpu.memory_space<hbm>>
      tpu.wait_dma2 semaphore(%run_scoped3A : memref<!tpu.dma_semaphore, #tpu.memory_space<semaphore_mem>>) src(%dma_wait3A_423 : memref<512x50xi32, #tpu.memory_space<hbm>>) dst(%arg5 : memref<512x50xi32, #tpu.memory_space<vmem>>)
      tpu.yield
    }) : () -> ()
    %scan3A = arith.constant 0 : i32
    %scan3A_3 = arith.constant 0 : i32
    %scan3A_4 = arith.constant 32 : i32
    %scan3A_5 = arith.addi %scan3A_3, %scan3A_4 : i32
    %scan3A_6 = arith.constant 1 : i32
    scf.for %scan3A_416 = %scan3A_3 to %scan3A_5 step %scan3A_6  : i32 {
      %add3A_417 = arith.constant 0 : i32
      %add3A_418 = arith.addi %add3A_417, %scan3A_416 : i32
      %dma_start3A_419 = arith.constant 0 : i32
      %dma_start3A_420 = arith.constant 0 : i32
      %dma_start3A_421 = tpu.memref_slice %arg6[%scan3A_416, %dma_start3A_419, %dma_start3A_420] : memref<32x50x32xf32, #tpu.memory_space<vmem>> -> memref<1x50x32xf32, #tpu.memory_space<vmem>>
      %dma_start3A_422 = tpu.memref_squeeze %dma_start3A_421 : memref<1x50x32xf32, #tpu.memory_space<vmem>> -> memref<50x32xf32, #tpu.memory_space<vmem>>
      %dma_start3A_423 = arith.constant 0 : i32
      %dma_start3A_424 = tpu.memref_slice %arg5[%add3A_418, %dma_start3A_423] : memref<512x50xi32, #tpu.memory_space<vmem>> -> memref<1x50xi32, #tpu.memory_space<vmem>>
      %dma_start3A_425 = tpu.memref_squeeze %dma_start3A_424 : memref<1x50xi32, #tpu.memory_space<vmem>> -> memref<50xi32, #tpu.memory_space<vmem>>
      %dma_start3A_426 = arith.constant 0 : i32
      %dma_start3A_427 = arith.constant 0 : i32
      %dma_start3A_428 = tpu.memref_slice %arg3[%dma_start3A_426, %dma_start3A_427] : memref<1000000x32xf32, #tpu.memory_space<hbm>> -> memref<1000000x32xf32, #tpu.memory_space<hbm>>
      tpu.enqueue_indirect_dma source(%dma_start3A_428 : memref<1000000x32xf32, #tpu.memory_space<hbm>>) target(%dma_start3A_422 : memref<50x32xf32, #tpu.memory_space<vmem>>) offsets(%dma_start3A_425 : memref<50xi32, #tpu.memory_space<vmem>>) semaphore(%arg8 : memref<!tpu.dma_semaphore, #tpu.memory_space<semaphore_mem>>)
    }
    %scan3A_7 = arith.constant 32 : i32
    %scan3A_8 = arith.constant 0 : i32
    %scan3A_9 = arith.constant 0 : i32
    %scan3A_10 = arith.constant 32 : i32
    %scan3A_11 = arith.addi %scan3A_9, %scan3A_10 : i32
    %scan3A_12 = arith.constant 1 : i32
    scf.for %scan3A_416 = %scan3A_9 to %scan3A_11 step %scan3A_12  : i32 {
      %add3A_417 = arith.constant 32 : i32
      %add3A_418 = arith.addi %add3A_417, %scan3A_416 : i32
      %dma_start3A_419 = arith.constant 0 : i32
      %dma_start3A_420 = arith.constant 0 : i32
      %dma_start3A_421 = tpu.memref_slice %arg7[%scan3A_416, %dma_start3A_419, %dma_start3A_420] : memref<32x50x32xf32, #tpu.memory_space<vmem>> -> memref<1x50x32xf32, #tpu.memory_space<vmem>>
      %dma_start3A_422 = tpu.memref_squeeze %dma_start3A_421 : memref<1x50x32xf32, #tpu.memory_space<vmem>> -> memref<50x32xf32, #tpu.memory_space<vmem>>
      %dma_start3A_423 = arith.constant 0 : i32
      %dma_start3A_424 = tpu.memref_slice %arg5[%add3A_418, %dma_start3A_423] : memref<512x50xi32, #tpu.memory_space<vmem>> -> memref<1x50xi32, #tpu.memory_space<vmem>>
      %dma_start3A_425 = tpu.memref_squeeze %dma_start3A_424 : memref<1x50xi32, #tpu.memory_space<vmem>> -> memref<50xi32, #tpu.memory_space<vmem>>
      %dma_start3A_426 = arith.constant 0 : i32
      %dma_start3A_427 = arith.constant 0 : i32
      %dma_start3A_428 = tpu.memref_slice %arg3[%dma_start3A_426, %dma_start3A_427] : memref<1000000x32xf32, #tpu.memory_space<hbm>> -> memref<1000000x32xf32, #tpu.memory_space<hbm>>
      tpu.enqueue_indirect_dma source(%dma_start3A_428 : memref<1000000x32xf32, #tpu.memory_space<hbm>>) target(%dma_start3A_422 : memref<50x32xf32, #tpu.memory_space<vmem>>) offsets(%dma_start3A_425 : memref<50xi32, #tpu.memory_space<vmem>>) semaphore(%arg9 : memref<!tpu.dma_semaphore, #tpu.memory_space<semaphore_mem>>)
    }
    %scan3A_13 = arith.constant 32 : i32
    %scan3A_14 = arith.constant 0 : i32
    %scan3A_15 = arith.constant 0 : i32
    %scan3A_16 = arith.constant 32 : i32
    %scan3A_17 = arith.addi %scan3A_15, %scan3A_16 : i32
    %scan3A_18 = arith.constant 1 : i32
    scf.for %scan3A_416 = %scan3A_15 to %scan3A_17 step %scan3A_18  : i32 {
      %add3A_417 = arith.constant 0 : i32
      %add3A_418 = arith.addi %add3A_417, %scan3A_416 : i32
      %dma_wait3A_419 = arith.constant 0 : i32
      %dma_wait3A_420 = arith.constant 0 : i32
      %dma_wait3A_421 = tpu.memref_slice %arg6[%scan3A_416, %dma_wait3A_419, %dma_wait3A_420] : memref<32x50x32xf32, #tpu.memory_space<vmem>> -> memref<1x50x32xf32, #tpu.memory_space<vmem>>
      %dma_wait3A_422 = tpu.memref_squeeze %dma_wait3A_421 : memref<1x50x32xf32, #tpu.memory_space<vmem>> -> memref<50x32xf32, #tpu.memory_space<vmem>>
      %dma_wait3A_423 = arith.constant 0 : i32
      %dma_wait3A_424 = tpu.memref_slice %arg5[%add3A_418, %dma_wait3A_423] : memref<512x50xi32, #tpu.memory_space<vmem>> -> memref<1x50xi32, #tpu.memory_space<vmem>>
      %dma_wait3A_425 = tpu.memref_squeeze %dma_wait3A_424 : memref<1x50xi32, #tpu.memory_space<vmem>> -> memref<50xi32, #tpu.memory_space<vmem>>
      %dma_wait3A_426 = arith.constant 0 : i32
      %dma_wait3A_427 = arith.constant 0 : i32
      %dma_wait3A_428 = tpu.memref_slice %arg3[%dma_wait3A_426, %dma_wait3A_427] : memref<1000000x32xf32, #tpu.memory_space<hbm>> -> memref<1000000x32xf32, #tpu.memory_space<hbm>>
      tpu.wait_indirect_dma semaphore(%arg8 : memref<!tpu.dma_semaphore, #tpu.memory_space<semaphore_mem>>) src(%dma_wait3A_428 : memref<1000000x32xf32, #tpu.memory_space<hbm>>) dst(%dma_wait3A_422 : memref<50x32xf32, #tpu.memory_space<vmem>>)
    }
    %scan3A_19 = arith.constant 32 : i32
    %add3A_20 = arith.constant 0 : i32
    %add3A_21 = arith.addi %mul3A_2, %add3A_20 : i32
    %dma_start3A = arith.constant 0 : i32
    %dma_start3A_22 = arith.constant 0 : i32
    %dma_start3A_23 = tpu.memref_slice %arg4[%add3A_21, %dma_start3A, %dma_start3A_22] : memref<16384x56x128xf32, #tpu.memory_space<hbm>> -> memref<32x50x32xf32, #tpu.memory_space<hbm>>
    %dma_start3A_24 = arith.constant 0 : i32
    %dma_start3A_25 = arith.constant 0 : i32
    %dma_start3A_26 = tpu.memref_slice %arg4[%add3A_21, %dma_start3A_24, %dma_start3A_25] : memref<16384x56x128xf32, #tpu.memory_space<hbm>> -> memref<32x50x32xf32, #tpu.memory_space<hbm>>
    tpu.enqueue_dma source(%arg6 : memref<32x50x32xf32, #tpu.memory_space<vmem>>) target(%dma_start3A_26 : memref<32x50x32xf32, #tpu.memory_space<hbm>>) target_semaphore(%arg10 : memref<!tpu.dma_semaphore, #tpu.memory_space<semaphore_mem>>)
    %dma_wait3A = arith.constant 0 : i32
    %dma_wait3A_27 = arith.constant 0 : i32
    %dma_wait3A_28 = tpu.memref_slice %arg4[%add3A_21, %dma_wait3A, %dma_wait3A_27] : memref<16384x56x128xf32, #tpu.memory_space<hbm>> -> memref<32x50x32xf32, #tpu.memory_space<hbm>>
    %dma_wait3A_29 = arith.constant 0 : i32
    %dma_wait3A_30 = arith.constant 0 : i32
    %dma_wait3A_31 = tpu.memref_slice %arg4[%add3A_21, %dma_wait3A_29, %dma_wait3A_30] : memref<16384x56x128xf32, #tpu.memory_space<hbm>> -> memref<32x50x32xf32, #tpu.memory_space<hbm>>
    tpu.wait_dma2 semaphore(%arg10 : memref<!tpu.dma_semaphore, #tpu.memory_space<semaphore_mem>>) src(%arg6 : memref<32x50x32xf32, #tpu.memory_space<vmem>>) dst(%dma_wait3A_31 : memref<32x50x32xf32, #tpu.memory_space<hbm>>)
    %scan3A_32 = arith.constant 0 : i32
    %scan3A_33 = arith.constant 0 : i32
    %scan3A_34 = arith.constant 32 : i32
    %scan3A_35 = arith.addi %scan3A_33, %scan3A_34 : i32
    %scan3A_36 = arith.constant 1 : i32
    scf.for %scan3A_416 = %scan3A_33 to %scan3A_35 step %scan3A_36  : i32 {
      %add3A_417 = arith.constant 64 : i32
      %add3A_418 = arith.addi %add3A_417, %scan3A_416 : i32
      %dma_start3A_419 = arith.constant 0 : i32
      %dma_start3A_420 = arith.constant 0 : i32
      %dma_start3A_421 = tpu.memref_slice %arg6[%scan3A_416, %dma_start3A_419, %dma_start3A_420] : memref<32x50x32xf32, #tpu.memory_space<vmem>> -> memref<1x50x32xf32, #tpu.memory_space<vmem>>
      %dma_start3A_422 = tpu.memref_squeeze %dma_start3A_421 : memref<1x50x32xf32, #tpu.memory_space<vmem>> -> memref<50x32xf32, #tpu.memory_space<vmem>>
      %dma_start3A_423 = arith.constant 0 : i32
      %dma_start3A_424 = tpu.memref_slice %arg5[%add3A_418, %dma_start3A_423] : memref<512x50xi32, #tpu.memory_space<vmem>> -> memref<1x50xi32, #tpu.memory_space<vmem>>
      %dma_start3A_425 = tpu.memref_squeeze %dma_start3A_424 : memref<1x50xi32, #tpu.memory_space<vmem>> -> memref<50xi32, #tpu.memory_space<vmem>>
      %dma_start3A_426 = arith.constant 0 : i32
      %dma_start3A_427 = arith.constant 0 : i32
      %dma_start3A_428 = tpu.memref_slice %arg3[%dma_start3A_426, %dma_start3A_427] : memref<1000000x32xf32, #tpu.memory_space<hbm>> -> memref<1000000x32xf32, #tpu.memory_space<hbm>>
      tpu.enqueue_indirect_dma source(%dma_start3A_428 : memref<1000000x32xf32, #tpu.memory_space<hbm>>) target(%dma_start3A_422 : memref<50x32xf32, #tpu.memory_space<vmem>>) offsets(%dma_start3A_425 : memref<50xi32, #tpu.memory_space<vmem>>) semaphore(%arg8 : memref<!tpu.dma_semaphore, #tpu.memory_space<semaphore_mem>>)
    }
    %scan3A_37 = arith.constant 32 : i32
    %scan3A_38 = arith.constant 0 : i32
    %scan3A_39 = arith.constant 0 : i32
    %scan3A_40 = arith.constant 32 : i32
    %scan3A_41 = arith.addi %scan3A_39, %scan3A_40 : i32
    %scan3A_42 = arith.constant 1 : i32
    scf.for %scan3A_416 = %scan3A_39 to %scan3A_41 step %scan3A_42  : i32 {
      %add3A_417 = arith.constant 32 : i32
      %add3A_418 = arith.addi %add3A_417, %scan3A_416 : i32
      %dma_wait3A_419 = arith.constant 0 : i32
      %dma_wait3A_420 = arith.constant 0 : i32
      %dma_wait3A_421 = tpu.memref_slice %arg7[%scan3A_416, %dma_wait3A_419, %dma_wait3A_420] : memref<32x50x32xf32, #tpu.memory_space<vmem>> -> memref<1x50x32xf32, #tpu.memory_space<vmem>>
      %dma_wait3A_422 = tpu.memref_squeeze %dma_wait3A_421 : memref<1x50x32xf32, #tpu.memory_space<vmem>> -> memref<50x32xf32, #tpu.memory_space<vmem>>
      %dma_wait3A_423 = arith.constant 0 : i32
      %dma_wait3A_424 = tpu.memref_slice %arg5[%add3A_418, %dma_wait3A_423] : memref<512x50xi32, #tpu.memory_space<vmem>> -> memref<1x50xi32, #tpu.memory_space<vmem>>
      %dma_wait3A_425 = tpu.memref_squeeze %dma_wait3A_424 : memref<1x50xi32, #tpu.memory_space<vmem>> -> memref<50xi32, #tpu.memory_space<vmem>>
      %dma_wait3A_426 = arith.constant 0 : i32
      %dma_wait3A_427 = arith.constant 0 : i32
      %dma_wait3A_428 = tpu.memref_slice %arg3[%dma_wait3A_426, %dma_wait3A_427] : memref<1000000x32xf32, #tpu.memory_space<hbm>> -> memref<1000000x32xf32, #tpu.memory_space<hbm>>
      tpu.wait_indirect_dma semaphore(%arg9 : memref<!tpu.dma_semaphore, #tpu.memory_space<semaphore_mem>>) src(%dma_wait3A_428 : memref<1000000x32xf32, #tpu.memory_space<hbm>>) dst(%dma_wait3A_422 : memref<50x32xf32, #tpu.memory_space<vmem>>)
    }
    %scan3A_43 = arith.constant 32 : i32
    %add3A_44 = arith.constant 32 : i32
    %add3A_45 = arith.addi %mul3A_2, %add3A_44 : i32
    %dma_start3A_46 = arith.constant 0 : i32
    %dma_start3A_47 = arith.constant 0 : i32
    %dma_start3A_48 = tpu.memref_slice %arg4[%add3A_45, %dma_start3A_46, %dma_start3A_47] : memref<16384x56x128xf32, #tpu.memory_space<hbm>> -> memref<32x50x32xf32, #tpu.memory_space<hbm>>
    %dma_start3A_49 = arith.constant 0 : i32
    %dma_start3A_50 = arith.constant 0 : i32
    %dma_start3A_51 = tpu.memref_slice %arg4[%add3A_45, %dma_start3A_49, %dma_start3A_50] : memref<16384x56x128xf32, #tpu.memory_space<hbm>> -> memref<32x50x32xf32, #tpu.memory_space<hbm>>
    tpu.enqueue_dma source(%arg7 : memref<32x50x32xf32, #tpu.memory_space<vmem>>) target(%dma_start3A_51 : memref<32x50x32xf32, #tpu.memory_space<hbm>>) target_semaphore(%arg11 : memref<!tpu.dma_semaphore, #tpu.memory_space<semaphore_mem>>)
    %dma_wait3A_52 = arith.constant 0 : i32
    %dma_wait3A_53 = arith.constant 0 : i32
    %dma_wait3A_54 = tpu.memref_slice %arg4[%add3A_45, %dma_wait3A_52, %dma_wait3A_53] : memref<16384x56x128xf32, #tpu.memory_space<hbm>> -> memref<32x50x32xf32, #tpu.memory_space<hbm>>
    %dma_wait3A_55 = arith.constant 0 : i32
    %dma_wait3A_56 = arith.constant 0 : i32
    %dma_wait3A_57 = tpu.memref_slice %arg4[%add3A_45, %dma_wait3A_55, %dma_wait3A_56] : memref<16384x56x128xf32, #tpu.memory_space<hbm>> -> memref<32x50x32xf32, #tpu.memory_space<hbm>>
    tpu.wait_dma2 semaphore(%arg11 : memref<!tpu.dma_semaphore, #tpu.memory_space<semaphore_mem>>) src(%arg7 : memref<32x50x32xf32, #tpu.memory_space<vmem>>) dst(%dma_wait3A_57 : memref<32x50x32xf32, #tpu.memory_space<hbm>>)
    %scan3A_58 = arith.constant 0 : i32
    %scan3A_59 = arith.constant 0 : i32
    %scan3A_60 = arith.constant 32 : i32
    %scan3A_61 = arith.addi %scan3A_59, %scan3A_60 : i32
    %scan3A_62 = arith.constant 1 : i32
    scf.for %scan3A_416 = %scan3A_59 to %scan3A_61 step %scan3A_62  : i32 {
      %add3A_417 = arith.constant 96 : i32
      %add3A_418 = arith.addi %add3A_417, %scan3A_416 : i32
      %dma_start3A_419 = arith.constant 0 : i32
      %dma_start3A_420 = arith.constant 0 : i32
      %dma_start3A_421 = tpu.memref_slice %arg7[%scan3A_416, %dma_start3A_419, %dma_start3A_420] : memref<32x50x32xf32, #tpu.memory_space<vmem>> -> memref<1x50x32xf32, #tpu.memory_space<vmem>>
      %dma_start3A_422 = tpu.memref_squeeze %dma_start3A_421 : memref<1x50x32xf32, #tpu.memory_space<vmem>> -> memref<50x32xf32, #tpu.memory_space<vmem>>
      %dma_start3A_423 = arith.constant 0 : i32
      %dma_start3A_424 = tpu.memref_slice %arg5[%add3A_418, %dma_start3A_423] : memref<512x50xi32, #tpu.memory_space<vmem>> -> memref<1x50xi32, #tpu.memory_space<vmem>>
      %dma_start3A_425 = tpu.memref_squeeze %dma_start3A_424 : memref<1x50xi32, #tpu.memory_space<vmem>> -> memref<50xi32, #tpu.memory_space<vmem>>
      %dma_start3A_426 = arith.constant 0 : i32
      %dma_start3A_427 = arith.constant 0 : i32
      %dma_start3A_428 = tpu.memref_slice %arg3[%dma_start3A_426, %dma_start3A_427] : memref<1000000x32xf32, #tpu.memory_space<hbm>> -> memref<1000000x32xf32, #tpu.memory_space<hbm>>
      tpu.enqueue_indirect_dma source(%dma_start3A_428 : memref<1000000x32xf32, #tpu.memory_space<hbm>>) target(%dma_start3A_422 : memref<50x32xf32, #tpu.memory_space<vmem>>) offsets(%dma_start3A_425 : memref<50xi32, #tpu.memory_space<vmem>>) semaphore(%arg9 : memref<!tpu.dma_semaphore, #tpu.memory_space<semaphore_mem>>)
    }
    %scan3A_63 = arith.constant 32 : i32
    %scan3A_64 = arith.constant 0 : i32
    %scan3A_65 = arith.constant 0 : i32
    %scan3A_66 = arith.constant 32 : i32
    %scan3A_67 = arith.addi %scan3A_65, %scan3A_66 : i32
    %scan3A_68 = arith.constant 1 : i32
    scf.for %scan3A_416 = %scan3A_65 to %scan3A_67 step %scan3A_68  : i32 {
      %add3A_417 = arith.constant 64 : i32
      %add3A_418 = arith.addi %add3A_417, %scan3A_416 : i32
      %dma_wait3A_419 = arith.constant 0 : i32
      %dma_wait3A_420 = arith.constant 0 : i32
      %dma_wait3A_421 = tpu.memref_slice %arg6[%scan3A_416, %dma_wait3A_419, %dma_wait3A_420] : memref<32x50x32xf32, #tpu.memory_space<vmem>> -> memref<1x50x32xf32, #tpu.memory_space<vmem>>
      %dma_wait3A_422 = tpu.memref_squeeze %dma_wait3A_421 : memref<1x50x32xf32, #tpu.memory_space<vmem>> -> memref<50x32xf32, #tpu.memory_space<vmem>>
      %dma_wait3A_423 = arith.constant 0 : i32
      %dma_wait3A_424 = tpu.memref_slice %arg5[%add3A_418, %dma_wait3A_423] : memref<512x50xi32, #tpu.memory_space<vmem>> -> memref<1x50xi32, #tpu.memory_space<vmem>>
      %dma_wait3A_425 = tpu.memref_squeeze %dma_wait3A_424 : memref<1x50xi32, #tpu.memory_space<vmem>> -> memref<50xi32, #tpu.memory_space<vmem>>
      %dma_wait3A_426 = arith.constant 0 : i32
      %dma_wait3A_427 = arith.constant 0 : i32
      %dma_wait3A_428 = tpu.memref_slice %arg3[%dma_wait3A_426, %dma_wait3A_427] : memref<1000000x32xf32, #tpu.memory_space<hbm>> -> memref<1000000x32xf32, #tpu.memory_space<hbm>>
      tpu.wait_indirect_dma semaphore(%arg8 : memref<!tpu.dma_semaphore, #tpu.memory_space<semaphore_mem>>) src(%dma_wait3A_428 : memref<1000000x32xf32, #tpu.memory_space<hbm>>) dst(%dma_wait3A_422 : memref<50x32xf32, #tpu.memory_space<vmem>>)
    }
    %scan3A_69 = arith.constant 32 : i32
    %add3A_70 = arith.constant 64 : i32
    %add3A_71 = arith.addi %mul3A_2, %add3A_70 : i32
    %dma_start3A_72 = arith.constant 0 : i32
    %dma_start3A_73 = arith.constant 0 : i32
    %dma_start3A_74 = tpu.memref_slice %arg4[%add3A_71, %dma_start3A_72, %dma_start3A_73] : memref<16384x56x128xf32, #tpu.memory_space<hbm>> -> memref<32x50x32xf32, #tpu.memory_space<hbm>>
    %dma_start3A_75 = arith.constant 0 : i32
    %dma_start3A_76 = arith.constant 0 : i32
    %dma_start3A_77 = tpu.memref_slice %arg4[%add3A_71, %dma_start3A_75, %dma_start3A_76] : memref<16384x56x128xf32, #tpu.memory_space<hbm>> -> memref<32x50x32xf32, #tpu.memory_space<hbm>>
    tpu.enqueue_dma source(%arg6 : memref<32x50x32xf32, #tpu.memory_space<vmem>>) target(%dma_start3A_77 : memref<32x50x32xf32, #tpu.memory_space<hbm>>) target_semaphore(%arg10 : memref<!tpu.dma_semaphore, #tpu.memory_space<semaphore_mem>>)
    %dma_wait3A_78 = arith.constant 0 : i32
    %dma_wait3A_79 = arith.constant 0 : i32
    %dma_wait3A_80 = tpu.memref_slice %arg4[%add3A_71, %dma_wait3A_78, %dma_wait3A_79] : memref<16384x56x128xf32, #tpu.memory_space<hbm>> -> memref<32x50x32xf32, #tpu.memory_space<hbm>>
    %dma_wait3A_81 = arith.constant 0 : i32
    %dma_wait3A_82 = arith.constant 0 : i32
    %dma_wait3A_83 = tpu.memref_slice %arg4[%add3A_71, %dma_wait3A_81, %dma_wait3A_82] : memref<16384x56x128xf32, #tpu.memory_space<hbm>> -> memref<32x50x32xf32, #tpu.memory_space<hbm>>
    tpu.wait_dma2 semaphore(%arg10 : memref<!tpu.dma_semaphore, #tpu.memory_space<semaphore_mem>>) src(%arg6 : memref<32x50x32xf32, #tpu.memory_space<vmem>>) dst(%dma_wait3A_83 : memref<32x50x32xf32, #tpu.memory_space<hbm>>)
    %scan3A_84 = arith.constant 0 : i32
    %scan3A_85 = arith.constant 0 : i32
    %scan3A_86 = arith.constant 32 : i32
    %scan3A_87 = arith.addi %scan3A_85, %scan3A_86 : i32
    %scan3A_88 = arith.constant 1 : i32
    scf.for %scan3A_416 = %scan3A_85 to %scan3A_87 step %scan3A_88  : i32 {
      %add3A_417 = arith.constant 128 : i32
      %add3A_418 = arith.addi %add3A_417, %scan3A_416 : i32
      %dma_start3A_419 = arith.constant 0 : i32
      %dma_start3A_420 = arith.constant 0 : i32
      %dma_start3A_421 = tpu.memref_slice %arg6[%scan3A_416, %dma_start3A_419, %dma_start3A_420] : memref<32x50x32xf32, #tpu.memory_space<vmem>> -> memref<1x50x32xf32, #tpu.memory_space<vmem>>
      %dma_start3A_422 = tpu.memref_squeeze %dma_start3A_421 : memref<1x50x32xf32, #tpu.memory_space<vmem>> -> memref<50x32xf32, #tpu.memory_space<vmem>>
      %dma_start3A_423 = arith.constant 0 : i32
      %dma_start3A_424 = tpu.memref_slice %arg5[%add3A_418, %dma_start3A_423] : memref<512x50xi32, #tpu.memory_space<vmem>> -> memref<1x50xi32, #tpu.memory_space<vmem>>
      %dma_start3A_425 = tpu.memref_squeeze %dma_start3A_424 : memref<1x50xi32, #tpu.memory_space<vmem>> -> memref<50xi32, #tpu.memory_space<vmem>>
      %dma_start3A_426 = arith.constant 0 : i32
      %dma_start3A_427 = arith.constant 0 : i32
      %dma_start3A_428 = tpu.memref_slice %arg3[%dma_start3A_426, %dma_start3A_427] : memref<1000000x32xf32, #tpu.memory_space<hbm>> -> memref<1000000x32xf32, #tpu.memory_space<hbm>>
      tpu.enqueue_indirect_dma source(%dma_start3A_428 : memref<1000000x32xf32, #tpu.memory_space<hbm>>) target(%dma_start3A_422 : memref<50x32xf32, #tpu.memory_space<vmem>>) offsets(%dma_start3A_425 : memref<50xi32, #tpu.memory_space<vmem>>) semaphore(%arg8 : memref<!tpu.dma_semaphore, #tpu.memory_space<semaphore_mem>>)
    }
    %scan3A_89 = arith.constant 32 : i32
    %scan3A_90 = arith.constant 0 : i32
    %scan3A_91 = arith.constant 0 : i32
    %scan3A_92 = arith.constant 32 : i32
    %scan3A_93 = arith.addi %scan3A_91, %scan3A_92 : i32
    %scan3A_94 = arith.constant 1 : i32
    scf.for %scan3A_416 = %scan3A_91 to %scan3A_93 step %scan3A_94  : i32 {
      %add3A_417 = arith.constant 96 : i32
      %add3A_418 = arith.addi %add3A_417, %scan3A_416 : i32
      %dma_wait3A_419 = arith.constant 0 : i32
      %dma_wait3A_420 = arith.constant 0 : i32
      %dma_wait3A_421 = tpu.memref_slice %arg7[%scan3A_416, %dma_wait3A_419, %dma_wait3A_420] : memref<32x50x32xf32, #tpu.memory_space<vmem>> -> memref<1x50x32xf32, #tpu.memory_space<vmem>>
      %dma_wait3A_422 = tpu.memref_squeeze %dma_wait3A_421 : memref<1x50x32xf32, #tpu.memory_space<vmem>> -> memref<50x32xf32, #tpu.memory_space<vmem>>
      %dma_wait3A_423 = arith.constant 0 : i32
      %dma_wait3A_424 = tpu.memref_slice %arg5[%add3A_418, %dma_wait3A_423] : memref<512x50xi32, #tpu.memory_space<vmem>> -> memref<1x50xi32, #tpu.memory_space<vmem>>
      %dma_wait3A_425 = tpu.memref_squeeze %dma_wait3A_424 : memref<1x50xi32, #tpu.memory_space<vmem>> -> memref<50xi32, #tpu.memory_space<vmem>>
      %dma_wait3A_426 = arith.constant 0 : i32
      %dma_wait3A_427 = arith.constant 0 : i32
      %dma_wait3A_428 = tpu.memref_slice %arg3[%dma_wait3A_426, %dma_wait3A_427] : memref<1000000x32xf32, #tpu.memory_space<hbm>> -> memref<1000000x32xf32, #tpu.memory_space<hbm>>
      tpu.wait_indirect_dma semaphore(%arg9 : memref<!tpu.dma_semaphore, #tpu.memory_space<semaphore_mem>>) src(%dma_wait3A_428 : memref<1000000x32xf32, #tpu.memory_space<hbm>>) dst(%dma_wait3A_422 : memref<50x32xf32, #tpu.memory_space<vmem>>)
    }
    %scan3A_95 = arith.constant 32 : i32
    %add3A_96 = arith.constant 96 : i32
    %add3A_97 = arith.addi %mul3A_2, %add3A_96 : i32
    %dma_start3A_98 = arith.constant 0 : i32
    %dma_start3A_99 = arith.constant 0 : i32
    %dma_start3A_100 = tpu.memref_slice %arg4[%add3A_97, %dma_start3A_98, %dma_start3A_99] : memref<16384x56x128xf32, #tpu.memory_space<hbm>> -> memref<32x50x32xf32, #tpu.memory_space<hbm>>
    %dma_start3A_101 = arith.constant 0 : i32
    %dma_start3A_102 = arith.constant 0 : i32
    %dma_start3A_103 = tpu.memref_slice %arg4[%add3A_97, %dma_start3A_101, %dma_start3A_102] : memref<16384x56x128xf32, #tpu.memory_space<hbm>> -> memref<32x50x32xf32, #tpu.memory_space<hbm>>
    tpu.enqueue_dma source(%arg7 : memref<32x50x32xf32, #tpu.memory_space<vmem>>) target(%dma_start3A_103 : memref<32x50x32xf32, #tpu.memory_space<hbm>>) target_semaphore(%arg11 : memref<!tpu.dma_semaphore, #tpu.memory_space<semaphore_mem>>)
    %dma_wait3A_104 = arith.constant 0 : i32
    %dma_wait3A_105 = arith.constant 0 : i32
    %dma_wait3A_106 = tpu.memref_slice %arg4[%add3A_97, %dma_wait3A_104, %dma_wait3A_105] : memref<16384x56x128xf32, #tpu.memory_space<hbm>> -> memref<32x50x32xf32, #tpu.memory_space<hbm>>
    %dma_wait3A_107 = arith.constant 0 : i32
    %dma_wait3A_108 = arith.constant 0 : i32
    %dma_wait3A_109 = tpu.memref_slice %arg4[%add3A_97, %dma_wait3A_107, %dma_wait3A_108] : memref<16384x56x128xf32, #tpu.memory_space<hbm>> -> memref<32x50x32xf32, #tpu.memory_space<hbm>>
    tpu.wait_dma2 semaphore(%arg11 : memref<!tpu.dma_semaphore, #tpu.memory_space<semaphore_mem>>) src(%arg7 : memref<32x50x32xf32, #tpu.memory_space<vmem>>) dst(%dma_wait3A_109 : memref<32x50x32xf32, #tpu.memory_space<hbm>>)
    %scan3A_110 = arith.constant 0 : i32
    %scan3A_111 = arith.constant 0 : i32
    %scan3A_112 = arith.constant 32 : i32
    %scan3A_113 = arith.addi %scan3A_111, %scan3A_112 : i32
    %scan3A_114 = arith.constant 1 : i32
    scf.for %scan3A_416 = %scan3A_111 to %scan3A_113 step %scan3A_114  : i32 {
      %add3A_417 = arith.constant 160 : i32
      %add3A_418 = arith.addi %add3A_417, %scan3A_416 : i32
      %dma_start3A_419 = arith.constant 0 : i32
      %dma_start3A_420 = arith.constant 0 : i32
      %dma_start3A_421 = tpu.memref_slice %arg7[%scan3A_416, %dma_start3A_419, %dma_start3A_420] : memref<32x50x32xf32, #tpu.memory_space<vmem>> -> memref<1x50x32xf32, #tpu.memory_space<vmem>>
      %dma_start3A_422 = tpu.memref_squeeze %dma_start3A_421 : memref<1x50x32xf32, #tpu.memory_space<vmem>> -> memref<50x32xf32, #tpu.memory_space<vmem>>
      %dma_start3A_423 = arith.constant 0 : i32
      %dma_start3A_424 = tpu.memref_slice %arg5[%add3A_418, %dma_start3A_423] : memref<512x50xi32, #tpu.memory_space<vmem>> -> memref<1x50xi32, #tpu.memory_space<vmem>>
      %dma_start3A_425 = tpu.memref_squeeze %dma_start3A_424 : memref<1x50xi32, #tpu.memory_space<vmem>> -> memref<50xi32, #tpu.memory_space<vmem>>
      %dma_start3A_426 = arith.constant 0 : i32
      %dma_start3A_427 = arith.constant 0 : i32
      %dma_start3A_428 = tpu.memref_slice %arg3[%dma_start3A_426, %dma_start3A_427] : memref<1000000x32xf32, #tpu.memory_space<hbm>> -> memref<1000000x32xf32, #tpu.memory_space<hbm>>
      tpu.enqueue_indirect_dma source(%dma_start3A_428 : memref<1000000x32xf32, #tpu.memory_space<hbm>>) target(%dma_start3A_422 : memref<50x32xf32, #tpu.memory_space<vmem>>) offsets(%dma_start3A_425 : memref<50xi32, #tpu.memory_space<vmem>>) semaphore(%arg9 : memref<!tpu.dma_semaphore, #tpu.memory_space<semaphore_mem>>)
    }
    %scan3A_115 = arith.constant 32 : i32
    %scan3A_116 = arith.constant 0 : i32
    %scan3A_117 = arith.constant 0 : i32
    %scan3A_118 = arith.constant 32 : i32
    %scan3A_119 = arith.addi %scan3A_117, %scan3A_118 : i32
    %scan3A_120 = arith.constant 1 : i32
    scf.for %scan3A_416 = %scan3A_117 to %scan3A_119 step %scan3A_120  : i32 {
      %add3A_417 = arith.constant 128 : i32
      %add3A_418 = arith.addi %add3A_417, %scan3A_416 : i32
      %dma_wait3A_419 = arith.constant 0 : i32
      %dma_wait3A_420 = arith.constant 0 : i32
      %dma_wait3A_421 = tpu.memref_slice %arg6[%scan3A_416, %dma_wait3A_419, %dma_wait3A_420] : memref<32x50x32xf32, #tpu.memory_space<vmem>> -> memref<1x50x32xf32, #tpu.memory_space<vmem>>
      %dma_wait3A_422 = tpu.memref_squeeze %dma_wait3A_421 : memref<1x50x32xf32, #tpu.memory_space<vmem>> -> memref<50x32xf32, #tpu.memory_space<vmem>>
      %dma_wait3A_423 = arith.constant 0 : i32
      %dma_wait3A_424 = tpu.memref_slice %arg5[%add3A_418, %dma_wait3A_423] : memref<512x50xi32, #tpu.memory_space<vmem>> -> memref<1x50xi32, #tpu.memory_space<vmem>>
      %dma_wait3A_425 = tpu.memref_squeeze %dma_wait3A_424 : memref<1x50xi32, #tpu.memory_space<vmem>> -> memref<50xi32, #tpu.memory_space<vmem>>
      %dma_wait3A_426 = arith.constant 0 : i32
      %dma_wait3A_427 = arith.constant 0 : i32
      %dma_wait3A_428 = tpu.memref_slice %arg3[%dma_wait3A_426, %dma_wait3A_427] : memref<1000000x32xf32, #tpu.memory_space<hbm>> -> memref<1000000x32xf32, #tpu.memory_space<hbm>>
      tpu.wait_indirect_dma semaphore(%arg8 : memref<!tpu.dma_semaphore, #tpu.memory_space<semaphore_mem>>) src(%dma_wait3A_428 : memref<1000000x32xf32, #tpu.memory_space<hbm>>) dst(%dma_wait3A_422 : memref<50x32xf32, #tpu.memory_space<vmem>>)
    }
    %scan3A_121 = arith.constant 32 : i32
    %add3A_122 = arith.constant 128 : i32
    %add3A_123 = arith.addi %mul3A_2, %add3A_122 : i32
    %dma_start3A_124 = arith.constant 0 : i32
    %dma_start3A_125 = arith.constant 0 : i32
    %dma_start3A_126 = tpu.memref_slice %arg4[%add3A_123, %dma_start3A_124, %dma_start3A_125] : memref<16384x56x128xf32, #tpu.memory_space<hbm>> -> memref<32x50x32xf32, #tpu.memory_space<hbm>>
    %dma_start3A_127 = arith.constant 0 : i32
    %dma_start3A_128 = arith.constant 0 : i32
    %dma_start3A_129 = tpu.memref_slice %arg4[%add3A_123, %dma_start3A_127, %dma_start3A_128] : memref<16384x56x128xf32, #tpu.memory_space<hbm>> -> memref<32x50x32xf32, #tpu.memory_space<hbm>>
    tpu.enqueue_dma source(%arg6 : memref<32x50x32xf32, #tpu.memory_space<vmem>>) target(%dma_start3A_129 : memref<32x50x32xf32, #tpu.memory_space<hbm>>) target_semaphore(%arg10 : memref<!tpu.dma_semaphore, #tpu.memory_space<semaphore_mem>>)
    %dma_wait3A_130 = arith.constant 0 : i32
    %dma_wait3A_131 = arith.constant 0 : i32
    %dma_wait3A_132 = tpu.memref_slice %arg4[%add3A_123, %dma_wait3A_130, %dma_wait3A_131] : memref<16384x56x128xf32, #tpu.memory_space<hbm>> -> memref<32x50x32xf32, #tpu.memory_space<hbm>>
    %dma_wait3A_133 = arith.constant 0 : i32
    %dma_wait3A_134 = arith.constant 0 : i32
    %dma_wait3A_135 = tpu.memref_slice %arg4[%add3A_123, %dma_wait3A_133, %dma_wait3A_134] : memref<16384x56x128xf32, #tpu.memory_space<hbm>> -> memref<32x50x32xf32, #tpu.memory_space<hbm>>
    tpu.wait_dma2 semaphore(%arg10 : memref<!tpu.dma_semaphore, #tpu.memory_space<semaphore_mem>>) src(%arg6 : memref<32x50x32xf32, #tpu.memory_space<vmem>>) dst(%dma_wait3A_135 : memref<32x50x32xf32, #tpu.memory_space<hbm>>)
    %scan3A_136 = arith.constant 0 : i32
    %scan3A_137 = arith.constant 0 : i32
    %scan3A_138 = arith.constant 32 : i32
    %scan3A_139 = arith.addi %scan3A_137, %scan3A_138 : i32
    %scan3A_140 = arith.constant 1 : i32
    scf.for %scan3A_416 = %scan3A_137 to %scan3A_139 step %scan3A_140  : i32 {
      %add3A_417 = arith.constant 192 : i32
      %add3A_418 = arith.addi %add3A_417, %scan3A_416 : i32
      %dma_start3A_419 = arith.constant 0 : i32
      %dma_start3A_420 = arith.constant 0 : i32
      %dma_start3A_421 = tpu.memref_slice %arg6[%scan3A_416, %dma_start3A_419, %dma_start3A_420] : memref<32x50x32xf32, #tpu.memory_space<vmem>> -> memref<1x50x32xf32, #tpu.memory_space<vmem>>
      %dma_start3A_422 = tpu.memref_squeeze %dma_start3A_421 : memref<1x50x32xf32, #tpu.memory_space<vmem>> -> memref<50x32xf32, #tpu.memory_space<vmem>>
      %dma_start3A_423 = arith.constant 0 : i32
      %dma_start3A_424 = tpu.memref_slice %arg5[%add3A_418, %dma_start3A_423] : memref<512x50xi32, #tpu.memory_space<vmem>> -> memref<1x50xi32, #tpu.memory_space<vmem>>
      %dma_start3A_425 = tpu.memref_squeeze %dma_start3A_424 : memref<1x50xi32, #tpu.memory_space<vmem>> -> memref<50xi32, #tpu.memory_space<vmem>>
      %dma_start3A_426 = arith.constant 0 : i32
      %dma_start3A_427 = arith.constant 0 : i32
      %dma_start3A_428 = tpu.memref_slice %arg3[%dma_start3A_426, %dma_start3A_427] : memref<1000000x32xf32, #tpu.memory_space<hbm>> -> memref<1000000x32xf32, #tpu.memory_space<hbm>>
      tpu.enqueue_indirect_dma source(%dma_start3A_428 : memref<1000000x32xf32, #tpu.memory_space<hbm>>) target(%dma_start3A_422 : memref<50x32xf32, #tpu.memory_space<vmem>>) offsets(%dma_start3A_425 : memref<50xi32, #tpu.memory_space<vmem>>) semaphore(%arg8 : memref<!tpu.dma_semaphore, #tpu.memory_space<semaphore_mem>>)
    }
    %scan3A_141 = arith.constant 32 : i32
    %scan3A_142 = arith.constant 0 : i32
    %scan3A_143 = arith.constant 0 : i32
    %scan3A_144 = arith.constant 32 : i32
    %scan3A_145 = arith.addi %scan3A_143, %scan3A_144 : i32
    %scan3A_146 = arith.constant 1 : i32
    scf.for %scan3A_416 = %scan3A_143 to %scan3A_145 step %scan3A_146  : i32 {
      %add3A_417 = arith.constant 160 : i32
      %add3A_418 = arith.addi %add3A_417, %scan3A_416 : i32
      %dma_wait3A_419 = arith.constant 0 : i32
      %dma_wait3A_420 = arith.constant 0 : i32
      %dma_wait3A_421 = tpu.memref_slice %arg7[%scan3A_416, %dma_wait3A_419, %dma_wait3A_420] : memref<32x50x32xf32, #tpu.memory_space<vmem>> -> memref<1x50x32xf32, #tpu.memory_space<vmem>>
      %dma_wait3A_422 = tpu.memref_squeeze %dma_wait3A_421 : memref<1x50x32xf32, #tpu.memory_space<vmem>> -> memref<50x32xf32, #tpu.memory_space<vmem>>
      %dma_wait3A_423 = arith.constant 0 : i32
      %dma_wait3A_424 = tpu.memref_slice %arg5[%add3A_418, %dma_wait3A_423] : memref<512x50xi32, #tpu.memory_space<vmem>> -> memref<1x50xi32, #tpu.memory_space<vmem>>
      %dma_wait3A_425 = tpu.memref_squeeze %dma_wait3A_424 : memref<1x50xi32, #tpu.memory_space<vmem>> -> memref<50xi32, #tpu.memory_space<vmem>>
      %dma_wait3A_426 = arith.constant 0 : i32
      %dma_wait3A_427 = arith.constant 0 : i32
      %dma_wait3A_428 = tpu.memref_slice %arg3[%dma_wait3A_426, %dma_wait3A_427] : memref<1000000x32xf32, #tpu.memory_space<hbm>> -> memref<1000000x32xf32, #tpu.memory_space<hbm>>
      tpu.wait_indirect_dma semaphore(%arg9 : memref<!tpu.dma_semaphore, #tpu.memory_space<semaphore_mem>>) src(%dma_wait3A_428 : memref<1000000x32xf32, #tpu.memory_space<hbm>>) dst(%dma_wait3A_422 : memref<50x32xf32, #tpu.memory_space<vmem>>)
    }
    %scan3A_147 = arith.constant 32 : i32
    %add3A_148 = arith.constant 160 : i32
    %add3A_149 = arith.addi %mul3A_2, %add3A_148 : i32
    %dma_start3A_150 = arith.constant 0 : i32
    %dma_start3A_151 = arith.constant 0 : i32
    %dma_start3A_152 = tpu.memref_slice %arg4[%add3A_149, %dma_start3A_150, %dma_start3A_151] : memref<16384x56x128xf32, #tpu.memory_space<hbm>> -> memref<32x50x32xf32, #tpu.memory_space<hbm>>
    %dma_start3A_153 = arith.constant 0 : i32
    %dma_start3A_154 = arith.constant 0 : i32
    %dma_start3A_155 = tpu.memref_slice %arg4[%add3A_149, %dma_start3A_153, %dma_start3A_154] : memref<16384x56x128xf32, #tpu.memory_space<hbm>> -> memref<32x50x32xf32, #tpu.memory_space<hbm>>
    tpu.enqueue_dma source(%arg7 : memref<32x50x32xf32, #tpu.memory_space<vmem>>) target(%dma_start3A_155 : memref<32x50x32xf32, #tpu.memory_space<hbm>>) target_semaphore(%arg11 : memref<!tpu.dma_semaphore, #tpu.memory_space<semaphore_mem>>)
    %dma_wait3A_156 = arith.constant 0 : i32
    %dma_wait3A_157 = arith.constant 0 : i32
    %dma_wait3A_158 = tpu.memref_slice %arg4[%add3A_149, %dma_wait3A_156, %dma_wait3A_157] : memref<16384x56x128xf32, #tpu.memory_space<hbm>> -> memref<32x50x32xf32, #tpu.memory_space<hbm>>
    %dma_wait3A_159 = arith.constant 0 : i32
    %dma_wait3A_160 = arith.constant 0 : i32
    %dma_wait3A_161 = tpu.memref_slice %arg4[%add3A_149, %dma_wait3A_159, %dma_wait3A_160] : memref<16384x56x128xf32, #tpu.memory_space<hbm>> -> memref<32x50x32xf32, #tpu.memory_space<hbm>>
    tpu.wait_dma2 semaphore(%arg11 : memref<!tpu.dma_semaphore, #tpu.memory_space<semaphore_mem>>) src(%arg7 : memref<32x50x32xf32, #tpu.memory_space<vmem>>) dst(%dma_wait3A_161 : memref<32x50x32xf32, #tpu.memory_space<hbm>>)
    %scan3A_162 = arith.constant 0 : i32
    %scan3A_163 = arith.constant 0 : i32
    %scan3A_164 = arith.constant 32 : i32
    %scan3A_165 = arith.addi %scan3A_163, %scan3A_164 : i32
    %scan3A_166 = arith.constant 1 : i32
    scf.for %scan3A_416 = %scan3A_163 to %scan3A_165 step %scan3A_166  : i32 {
      %add3A_417 = arith.constant 224 : i32
      %add3A_418 = arith.addi %add3A_417, %scan3A_416 : i32
      %dma_start3A_419 = arith.constant 0 : i32
      %dma_start3A_420 = arith.constant 0 : i32
      %dma_start3A_421 = tpu.memref_slice %arg7[%scan3A_416, %dma_start3A_419, %dma_start3A_420] : memref<32x50x32xf32, #tpu.memory_space<vmem>> -> memref<1x50x32xf32, #tpu.memory_space<vmem>>
      %dma_start3A_422 = tpu.memref_squeeze %dma_start3A_421 : memref<1x50x32xf32, #tpu.memory_space<vmem>> -> memref<50x32xf32, #tpu.memory_space<vmem>>
      %dma_start3A_423 = arith.constant 0 : i32
      %dma_start3A_424 = tpu.memref_slice %arg5[%add3A_418, %dma_start3A_423] : memref<512x50xi32, #tpu.memory_space<vmem>> -> memref<1x50xi32, #tpu.memory_space<vmem>>
      %dma_start3A_425 = tpu.memref_squeeze %dma_start3A_424 : memref<1x50xi32, #tpu.memory_space<vmem>> -> memref<50xi32, #tpu.memory_space<vmem>>
      %dma_start3A_426 = arith.constant 0 : i32
      %dma_start3A_427 = arith.constant 0 : i32
      %dma_start3A_428 = tpu.memref_slice %arg3[%dma_start3A_426, %dma_start3A_427] : memref<1000000x32xf32, #tpu.memory_space<hbm>> -> memref<1000000x32xf32, #tpu.memory_space<hbm>>
      tpu.enqueue_indirect_dma source(%dma_start3A_428 : memref<1000000x32xf32, #tpu.memory_space<hbm>>) target(%dma_start3A_422 : memref<50x32xf32, #tpu.memory_space<vmem>>) offsets(%dma_start3A_425 : memref<50xi32, #tpu.memory_space<vmem>>) semaphore(%arg9 : memref<!tpu.dma_semaphore, #tpu.memory_space<semaphore_mem>>)
    }
    %scan3A_167 = arith.constant 32 : i32
    %scan3A_168 = arith.constant 0 : i32
    %scan3A_169 = arith.constant 0 : i32
    %scan3A_170 = arith.constant 32 : i32
    %scan3A_171 = arith.addi %scan3A_169, %scan3A_170 : i32
    %scan3A_172 = arith.constant 1 : i32
    scf.for %scan3A_416 = %scan3A_169 to %scan3A_171 step %scan3A_172  : i32 {
      %add3A_417 = arith.constant 192 : i32
      %add3A_418 = arith.addi %add3A_417, %scan3A_416 : i32
      %dma_wait3A_419 = arith.constant 0 : i32
      %dma_wait3A_420 = arith.constant 0 : i32
      %dma_wait3A_421 = tpu.memref_slice %arg6[%scan3A_416, %dma_wait3A_419, %dma_wait3A_420] : memref<32x50x32xf32, #tpu.memory_space<vmem>> -> memref<1x50x32xf32, #tpu.memory_space<vmem>>
      %dma_wait3A_422 = tpu.memref_squeeze %dma_wait3A_421 : memref<1x50x32xf32, #tpu.memory_space<vmem>> -> memref<50x32xf32, #tpu.memory_space<vmem>>
      %dma_wait3A_423 = arith.constant 0 : i32
      %dma_wait3A_424 = tpu.memref_slice %arg5[%add3A_418, %dma_wait3A_423] : memref<512x50xi32, #tpu.memory_space<vmem>> -> memref<1x50xi32, #tpu.memory_space<vmem>>
      %dma_wait3A_425 = tpu.memref_squeeze %dma_wait3A_424 : memref<1x50xi32, #tpu.memory_space<vmem>> -> memref<50xi32, #tpu.memory_space<vmem>>
      %dma_wait3A_426 = arith.constant 0 : i32
      %dma_wait3A_427 = arith.constant 0 : i32
      %dma_wait3A_428 = tpu.memref_slice %arg3[%dma_wait3A_426, %dma_wait3A_427] : memref<1000000x32xf32, #tpu.memory_space<hbm>> -> memref<1000000x32xf32, #tpu.memory_space<hbm>>
      tpu.wait_indirect_dma semaphore(%arg8 : memref<!tpu.dma_semaphore, #tpu.memory_space<semaphore_mem>>) src(%dma_wait3A_428 : memref<1000000x32xf32, #tpu.memory_space<hbm>>) dst(%dma_wait3A_422 : memref<50x32xf32, #tpu.memory_space<vmem>>)
    }
    %scan3A_173 = arith.constant 32 : i32
    %add3A_174 = arith.constant 192 : i32
    %add3A_175 = arith.addi %mul3A_2, %add3A_174 : i32
    %dma_start3A_176 = arith.constant 0 : i32
    %dma_start3A_177 = arith.constant 0 : i32
    %dma_start3A_178 = tpu.memref_slice %arg4[%add3A_175, %dma_start3A_176, %dma_start3A_177] : memref<16384x56x128xf32, #tpu.memory_space<hbm>> -> memref<32x50x32xf32, #tpu.memory_space<hbm>>
    %dma_start3A_179 = arith.constant 0 : i32
    %dma_start3A_180 = arith.constant 0 : i32
    %dma_start3A_181 = tpu.memref_slice %arg4[%add3A_175, %dma_start3A_179, %dma_start3A_180] : memref<16384x56x128xf32, #tpu.memory_space<hbm>> -> memref<32x50x32xf32, #tpu.memory_space<hbm>>
    tpu.enqueue_dma source(%arg6 : memref<32x50x32xf32, #tpu.memory_space<vmem>>) target(%dma_start3A_181 : memref<32x50x32xf32, #tpu.memory_space<hbm>>) target_semaphore(%arg10 : memref<!tpu.dma_semaphore, #tpu.memory_space<semaphore_mem>>)
    %dma_wait3A_182 = arith.constant 0 : i32
    %dma_wait3A_183 = arith.constant 0 : i32
    %dma_wait3A_184 = tpu.memref_slice %arg4[%add3A_175, %dma_wait3A_182, %dma_wait3A_183] : memref<16384x56x128xf32, #tpu.memory_space<hbm>> -> memref<32x50x32xf32, #tpu.memory_space<hbm>>
    %dma_wait3A_185 = arith.constant 0 : i32
    %dma_wait3A_186 = arith.constant 0 : i32
    %dma_wait3A_187 = tpu.memref_slice %arg4[%add3A_175, %dma_wait3A_185, %dma_wait3A_186] : memref<16384x56x128xf32, #tpu.memory_space<hbm>> -> memref<32x50x32xf32, #tpu.memory_space<hbm>>
    tpu.wait_dma2 semaphore(%arg10 : memref<!tpu.dma_semaphore, #tpu.memory_space<semaphore_mem>>) src(%arg6 : memref<32x50x32xf32, #tpu.memory_space<vmem>>) dst(%dma_wait3A_187 : memref<32x50x32xf32, #tpu.memory_space<hbm>>)
    %scan3A_188 = arith.constant 0 : i32
    %scan3A_189 = arith.constant 0 : i32
    %scan3A_190 = arith.constant 32 : i32
    %scan3A_191 = arith.addi %scan3A_189, %scan3A_190 : i32
    %scan3A_192 = arith.constant 1 : i32
    scf.for %scan3A_416 = %scan3A_189 to %scan3A_191 step %scan3A_192  : i32 {
      %add3A_417 = arith.constant 256 : i32
      %add3A_418 = arith.addi %add3A_417, %scan3A_416 : i32
      %dma_start3A_419 = arith.constant 0 : i32
      %dma_start3A_420 = arith.constant 0 : i32
      %dma_start3A_421 = tpu.memref_slice %arg6[%scan3A_416, %dma_start3A_419, %dma_start3A_420] : memref<32x50x32xf32, #tpu.memory_space<vmem>> -> memref<1x50x32xf32, #tpu.memory_space<vmem>>
      %dma_start3A_422 = tpu.memref_squeeze %dma_start3A_421 : memref<1x50x32xf32, #tpu.memory_space<vmem>> -> memref<50x32xf32, #tpu.memory_space<vmem>>
      %dma_start3A_423 = arith.constant 0 : i32
      %dma_start3A_424 = tpu.memref_slice %arg5[%add3A_418, %dma_start3A_423] : memref<512x50xi32, #tpu.memory_space<vmem>> -> memref<1x50xi32, #tpu.memory_space<vmem>>
      %dma_start3A_425 = tpu.memref_squeeze %dma_start3A_424 : memref<1x50xi32, #tpu.memory_space<vmem>> -> memref<50xi32, #tpu.memory_space<vmem>>
      %dma_start3A_426 = arith.constant 0 : i32
      %dma_start3A_427 = arith.constant 0 : i32
      %dma_start3A_428 = tpu.memref_slice %arg3[%dma_start3A_426, %dma_start3A_427] : memref<1000000x32xf32, #tpu.memory_space<hbm>> -> memref<1000000x32xf32, #tpu.memory_space<hbm>>
      tpu.enqueue_indirect_dma source(%dma_start3A_428 : memref<1000000x32xf32, #tpu.memory_space<hbm>>) target(%dma_start3A_422 : memref<50x32xf32, #tpu.memory_space<vmem>>) offsets(%dma_start3A_425 : memref<50xi32, #tpu.memory_space<vmem>>) semaphore(%arg8 : memref<!tpu.dma_semaphore, #tpu.memory_space<semaphore_mem>>)
    }
    %scan3A_193 = arith.constant 32 : i32
    %scan3A_194 = arith.constant 0 : i32
    %scan3A_195 = arith.constant 0 : i32
    %scan3A_196 = arith.constant 32 : i32
    %scan3A_197 = arith.addi %scan3A_195, %scan3A_196 : i32
    %scan3A_198 = arith.constant 1 : i32
    scf.for %scan3A_416 = %scan3A_195 to %scan3A_197 step %scan3A_198  : i32 {
      %add3A_417 = arith.constant 224 : i32
      %add3A_418 = arith.addi %add3A_417, %scan3A_416 : i32
      %dma_wait3A_419 = arith.constant 0 : i32
      %dma_wait3A_420 = arith.constant 0 : i32
      %dma_wait3A_421 = tpu.memref_slice %arg7[%scan3A_416, %dma_wait3A_419, %dma_wait3A_420] : memref<32x50x32xf32, #tpu.memory_space<vmem>> -> memref<1x50x32xf32, #tpu.memory_space<vmem>>
      %dma_wait3A_422 = tpu.memref_squeeze %dma_wait3A_421 : memref<1x50x32xf32, #tpu.memory_space<vmem>> -> memref<50x32xf32, #tpu.memory_space<vmem>>
      %dma_wait3A_423 = arith.constant 0 : i32
      %dma_wait3A_424 = tpu.memref_slice %arg5[%add3A_418, %dma_wait3A_423] : memref<512x50xi32, #tpu.memory_space<vmem>> -> memref<1x50xi32, #tpu.memory_space<vmem>>
      %dma_wait3A_425 = tpu.memref_squeeze %dma_wait3A_424 : memref<1x50xi32, #tpu.memory_space<vmem>> -> memref<50xi32, #tpu.memory_space<vmem>>
      %dma_wait3A_426 = arith.constant 0 : i32
      %dma_wait3A_427 = arith.constant 0 : i32
      %dma_wait3A_428 = tpu.memref_slice %arg3[%dma_wait3A_426, %dma_wait3A_427] : memref<1000000x32xf32, #tpu.memory_space<hbm>> -> memref<1000000x32xf32, #tpu.memory_space<hbm>>
      tpu.wait_indirect_dma semaphore(%arg9 : memref<!tpu.dma_semaphore, #tpu.memory_space<semaphore_mem>>) src(%dma_wait3A_428 : memref<1000000x32xf32, #tpu.memory_space<hbm>>) dst(%dma_wait3A_422 : memref<50x32xf32, #tpu.memory_space<vmem>>)
    }
    %scan3A_199 = arith.constant 32 : i32
    %add3A_200 = arith.constant 224 : i32
    %add3A_201 = arith.addi %mul3A_2, %add3A_200 : i32
    %dma_start3A_202 = arith.constant 0 : i32
    %dma_start3A_203 = arith.constant 0 : i32
    %dma_start3A_204 = tpu.memref_slice %arg4[%add3A_201, %dma_start3A_202, %dma_start3A_203] : memref<16384x56x128xf32, #tpu.memory_space<hbm>> -> memref<32x50x32xf32, #tpu.memory_space<hbm>>
    %dma_start3A_205 = arith.constant 0 : i32
    %dma_start3A_206 = arith.constant 0 : i32
    %dma_start3A_207 = tpu.memref_slice %arg4[%add3A_201, %dma_start3A_205, %dma_start3A_206] : memref<16384x56x128xf32, #tpu.memory_space<hbm>> -> memref<32x50x32xf32, #tpu.memory_space<hbm>>
    tpu.enqueue_dma source(%arg7 : memref<32x50x32xf32, #tpu.memory_space<vmem>>) target(%dma_start3A_207 : memref<32x50x32xf32, #tpu.memory_space<hbm>>) target_semaphore(%arg11 : memref<!tpu.dma_semaphore, #tpu.memory_space<semaphore_mem>>)
    %dma_wait3A_208 = arith.constant 0 : i32
    %dma_wait3A_209 = arith.constant 0 : i32
    %dma_wait3A_210 = tpu.memref_slice %arg4[%add3A_201, %dma_wait3A_208, %dma_wait3A_209] : memref<16384x56x128xf32, #tpu.memory_space<hbm>> -> memref<32x50x32xf32, #tpu.memory_space<hbm>>
    %dma_wait3A_211 = arith.constant 0 : i32
    %dma_wait3A_212 = arith.constant 0 : i32
    %dma_wait3A_213 = tpu.memref_slice %arg4[%add3A_201, %dma_wait3A_211, %dma_wait3A_212] : memref<16384x56x128xf32, #tpu.memory_space<hbm>> -> memref<32x50x32xf32, #tpu.memory_space<hbm>>
    tpu.wait_dma2 semaphore(%arg11 : memref<!tpu.dma_semaphore, #tpu.memory_space<semaphore_mem>>) src(%arg7 : memref<32x50x32xf32, #tpu.memory_space<vmem>>) dst(%dma_wait3A_213 : memref<32x50x32xf32, #tpu.memory_space<hbm>>)
    %scan3A_214 = arith.constant 0 : i32
    %scan3A_215 = arith.constant 0 : i32
    %scan3A_216 = arith.constant 32 : i32
    %scan3A_217 = arith.addi %scan3A_215, %scan3A_216 : i32
    %scan3A_218 = arith.constant 1 : i32
    scf.for %scan3A_416 = %scan3A_215 to %scan3A_217 step %scan3A_218  : i32 {
      %add3A_417 = arith.constant 288 : i32
      %add3A_418 = arith.addi %add3A_417, %scan3A_416 : i32
      %dma_start3A_419 = arith.constant 0 : i32
      %dma_start3A_420 = arith.constant 0 : i32
      %dma_start3A_421 = tpu.memref_slice %arg7[%scan3A_416, %dma_start3A_419, %dma_start3A_420] : memref<32x50x32xf32, #tpu.memory_space<vmem>> -> memref<1x50x32xf32, #tpu.memory_space<vmem>>
      %dma_start3A_422 = tpu.memref_squeeze %dma_start3A_421 : memref<1x50x32xf32, #tpu.memory_space<vmem>> -> memref<50x32xf32, #tpu.memory_space<vmem>>
      %dma_start3A_423 = arith.constant 0 : i32
      %dma_start3A_424 = tpu.memref_slice %arg5[%add3A_418, %dma_start3A_423] : memref<512x50xi32, #tpu.memory_space<vmem>> -> memref<1x50xi32, #tpu.memory_space<vmem>>
      %dma_start3A_425 = tpu.memref_squeeze %dma_start3A_424 : memref<1x50xi32, #tpu.memory_space<vmem>> -> memref<50xi32, #tpu.memory_space<vmem>>
      %dma_start3A_426 = arith.constant 0 : i32
      %dma_start3A_427 = arith.constant 0 : i32
      %dma_start3A_428 = tpu.memref_slice %arg3[%dma_start3A_426, %dma_start3A_427] : memref<1000000x32xf32, #tpu.memory_space<hbm>> -> memref<1000000x32xf32, #tpu.memory_space<hbm>>
      tpu.enqueue_indirect_dma source(%dma_start3A_428 : memref<1000000x32xf32, #tpu.memory_space<hbm>>) target(%dma_start3A_422 : memref<50x32xf32, #tpu.memory_space<vmem>>) offsets(%dma_start3A_425 : memref<50xi32, #tpu.memory_space<vmem>>) semaphore(%arg9 : memref<!tpu.dma_semaphore, #tpu.memory_space<semaphore_mem>>)
    }
    %scan3A_219 = arith.constant 32 : i32
    %scan3A_220 = arith.constant 0 : i32
    %scan3A_221 = arith.constant 0 : i32
    %scan3A_222 = arith.constant 32 : i32
    %scan3A_223 = arith.addi %scan3A_221, %scan3A_222 : i32
    %scan3A_224 = arith.constant 1 : i32
    scf.for %scan3A_416 = %scan3A_221 to %scan3A_223 step %scan3A_224  : i32 {
      %add3A_417 = arith.constant 256 : i32
      %add3A_418 = arith.addi %add3A_417, %scan3A_416 : i32
      %dma_wait3A_419 = arith.constant 0 : i32
      %dma_wait3A_420 = arith.constant 0 : i32
      %dma_wait3A_421 = tpu.memref_slice %arg6[%scan3A_416, %dma_wait3A_419, %dma_wait3A_420] : memref<32x50x32xf32, #tpu.memory_space<vmem>> -> memref<1x50x32xf32, #tpu.memory_space<vmem>>
      %dma_wait3A_422 = tpu.memref_squeeze %dma_wait3A_421 : memref<1x50x32xf32, #tpu.memory_space<vmem>> -> memref<50x32xf32, #tpu.memory_space<vmem>>
      %dma_wait3A_423 = arith.constant 0 : i32
      %dma_wait3A_424 = tpu.memref_slice %arg5[%add3A_418, %dma_wait3A_423] : memref<512x50xi32, #tpu.memory_space<vmem>> -> memref<1x50xi32, #tpu.memory_space<vmem>>
      %dma_wait3A_425 = tpu.memref_squeeze %dma_wait3A_424 : memref<1x50xi32, #tpu.memory_space<vmem>> -> memref<50xi32, #tpu.memory_space<vmem>>
      %dma_wait3A_426 = arith.constant 0 : i32
      %dma_wait3A_427 = arith.constant 0 : i32
      %dma_wait3A_428 = tpu.memref_slice %arg3[%dma_wait3A_426, %dma_wait3A_427] : memref<1000000x32xf32, #tpu.memory_space<hbm>> -> memref<1000000x32xf32, #tpu.memory_space<hbm>>
      tpu.wait_indirect_dma semaphore(%arg8 : memref<!tpu.dma_semaphore, #tpu.memory_space<semaphore_mem>>) src(%dma_wait3A_428 : memref<1000000x32xf32, #tpu.memory_space<hbm>>) dst(%dma_wait3A_422 : memref<50x32xf32, #tpu.memory_space<vmem>>)
    }
    %scan3A_225 = arith.constant 32 : i32
    %add3A_226 = arith.constant 256 : i32
    %add3A_227 = arith.addi %mul3A_2, %add3A_226 : i32
    %dma_start3A_228 = arith.constant 0 : i32
    %dma_start3A_229 = arith.constant 0 : i32
    %dma_start3A_230 = tpu.memref_slice %arg4[%add3A_227, %dma_start3A_228, %dma_start3A_229] : memref<16384x56x128xf32, #tpu.memory_space<hbm>> -> memref<32x50x32xf32, #tpu.memory_space<hbm>>
    %dma_start3A_231 = arith.constant 0 : i32
    %dma_start3A_232 = arith.constant 0 : i32
    %dma_start3A_233 = tpu.memref_slice %arg4[%add3A_227, %dma_start3A_231, %dma_start3A_232] : memref<16384x56x128xf32, #tpu.memory_space<hbm>> -> memref<32x50x32xf32, #tpu.memory_space<hbm>>
    tpu.enqueue_dma source(%arg6 : memref<32x50x32xf32, #tpu.memory_space<vmem>>) target(%dma_start3A_233 : memref<32x50x32xf32, #tpu.memory_space<hbm>>) target_semaphore(%arg10 : memref<!tpu.dma_semaphore, #tpu.memory_space<semaphore_mem>>)
    %dma_wait3A_234 = arith.constant 0 : i32
    %dma_wait3A_235 = arith.constant 0 : i32
    %dma_wait3A_236 = tpu.memref_slice %arg4[%add3A_227, %dma_wait3A_234, %dma_wait3A_235] : memref<16384x56x128xf32, #tpu.memory_space<hbm>> -> memref<32x50x32xf32, #tpu.memory_space<hbm>>
    %dma_wait3A_237 = arith.constant 0 : i32
    %dma_wait3A_238 = arith.constant 0 : i32
    %dma_wait3A_239 = tpu.memref_slice %arg4[%add3A_227, %dma_wait3A_237, %dma_wait3A_238] : memref<16384x56x128xf32, #tpu.memory_space<hbm>> -> memref<32x50x32xf32, #tpu.memory_space<hbm>>
    tpu.wait_dma2 semaphore(%arg10 : memref<!tpu.dma_semaphore, #tpu.memory_space<semaphore_mem>>) src(%arg6 : memref<32x50x32xf32, #tpu.memory_space<vmem>>) dst(%dma_wait3A_239 : memref<32x50x32xf32, #tpu.memory_space<hbm>>)
    %scan3A_240 = arith.constant 0 : i32
    %scan3A_241 = arith.constant 0 : i32
    %scan3A_242 = arith.constant 32 : i32
    %scan3A_243 = arith.addi %scan3A_241, %scan3A_242 : i32
    %scan3A_244 = arith.constant 1 : i32
    scf.for %scan3A_416 = %scan3A_241 to %scan3A_243 step %scan3A_244  : i32 {
      %add3A_417 = arith.constant 320 : i32
      %add3A_418 = arith.addi %add3A_417, %scan3A_416 : i32
      %dma_start3A_419 = arith.constant 0 : i32
      %dma_start3A_420 = arith.constant 0 : i32
      %dma_start3A_421 = tpu.memref_slice %arg6[%scan3A_416, %dma_start3A_419, %dma_start3A_420] : memref<32x50x32xf32, #tpu.memory_space<vmem>> -> memref<1x50x32xf32, #tpu.memory_space<vmem>>
      %dma_start3A_422 = tpu.memref_squeeze %dma_start3A_421 : memref<1x50x32xf32, #tpu.memory_space<vmem>> -> memref<50x32xf32, #tpu.memory_space<vmem>>
      %dma_start3A_423 = arith.constant 0 : i32
      %dma_start3A_424 = tpu.memref_slice %arg5[%add3A_418, %dma_start3A_423] : memref<512x50xi32, #tpu.memory_space<vmem>> -> memref<1x50xi32, #tpu.memory_space<vmem>>
      %dma_start3A_425 = tpu.memref_squeeze %dma_start3A_424 : memref<1x50xi32, #tpu.memory_space<vmem>> -> memref<50xi32, #tpu.memory_space<vmem>>
      %dma_start3A_426 = arith.constant 0 : i32
      %dma_start3A_427 = arith.constant 0 : i32
      %dma_start3A_428 = tpu.memref_slice %arg3[%dma_start3A_426, %dma_start3A_427] : memref<1000000x32xf32, #tpu.memory_space<hbm>> -> memref<1000000x32xf32, #tpu.memory_space<hbm>>
      tpu.enqueue_indirect_dma source(%dma_start3A_428 : memref<1000000x32xf32, #tpu.memory_space<hbm>>) target(%dma_start3A_422 : memref<50x32xf32, #tpu.memory_space<vmem>>) offsets(%dma_start3A_425 : memref<50xi32, #tpu.memory_space<vmem>>) semaphore(%arg8 : memref<!tpu.dma_semaphore, #tpu.memory_space<semaphore_mem>>)
    }
    %scan3A_245 = arith.constant 32 : i32
    %scan3A_246 = arith.constant 0 : i32
    %scan3A_247 = arith.constant 0 : i32
    %scan3A_248 = arith.constant 32 : i32
    %scan3A_249 = arith.addi %scan3A_247, %scan3A_248 : i32
    %scan3A_250 = arith.constant 1 : i32
    scf.for %scan3A_416 = %scan3A_247 to %scan3A_249 step %scan3A_250  : i32 {
      %add3A_417 = arith.constant 288 : i32
      %add3A_418 = arith.addi %add3A_417, %scan3A_416 : i32
      %dma_wait3A_419 = arith.constant 0 : i32
      %dma_wait3A_420 = arith.constant 0 : i32
      %dma_wait3A_421 = tpu.memref_slice %arg7[%scan3A_416, %dma_wait3A_419, %dma_wait3A_420] : memref<32x50x32xf32, #tpu.memory_space<vmem>> -> memref<1x50x32xf32, #tpu.memory_space<vmem>>
      %dma_wait3A_422 = tpu.memref_squeeze %dma_wait3A_421 : memref<1x50x32xf32, #tpu.memory_space<vmem>> -> memref<50x32xf32, #tpu.memory_space<vmem>>
      %dma_wait3A_423 = arith.constant 0 : i32
      %dma_wait3A_424 = tpu.memref_slice %arg5[%add3A_418, %dma_wait3A_423] : memref<512x50xi32, #tpu.memory_space<vmem>> -> memref<1x50xi32, #tpu.memory_space<vmem>>
      %dma_wait3A_425 = tpu.memref_squeeze %dma_wait3A_424 : memref<1x50xi32, #tpu.memory_space<vmem>> -> memref<50xi32, #tpu.memory_space<vmem>>
      %dma_wait3A_426 = arith.constant 0 : i32
      %dma_wait3A_427 = arith.constant 0 : i32
      %dma_wait3A_428 = tpu.memref_slice %arg3[%dma_wait3A_426, %dma_wait3A_427] : memref<1000000x32xf32, #tpu.memory_space<hbm>> -> memref<1000000x32xf32, #tpu.memory_space<hbm>>
      tpu.wait_indirect_dma semaphore(%arg9 : memref<!tpu.dma_semaphore, #tpu.memory_space<semaphore_mem>>) src(%dma_wait3A_428 : memref<1000000x32xf32, #tpu.memory_space<hbm>>) dst(%dma_wait3A_422 : memref<50x32xf32, #tpu.memory_space<vmem>>)
    }
    %scan3A_251 = arith.constant 32 : i32
    %add3A_252 = arith.constant 288 : i32
    %add3A_253 = arith.addi %mul3A_2, %add3A_252 : i32
    %dma_start3A_254 = arith.constant 0 : i32
    %dma_start3A_255 = arith.constant 0 : i32
    %dma_start3A_256 = tpu.memref_slice %arg4[%add3A_253, %dma_start3A_254, %dma_start3A_255] : memref<16384x56x128xf32, #tpu.memory_space<hbm>> -> memref<32x50x32xf32, #tpu.memory_space<hbm>>
    %dma_start3A_257 = arith.constant 0 : i32
    %dma_start3A_258 = arith.constant 0 : i32
    %dma_start3A_259 = tpu.memref_slice %arg4[%add3A_253, %dma_start3A_257, %dma_start3A_258] : memref<16384x56x128xf32, #tpu.memory_space<hbm>> -> memref<32x50x32xf32, #tpu.memory_space<hbm>>
    tpu.enqueue_dma source(%arg7 : memref<32x50x32xf32, #tpu.memory_space<vmem>>) target(%dma_start3A_259 : memref<32x50x32xf32, #tpu.memory_space<hbm>>) target_semaphore(%arg11 : memref<!tpu.dma_semaphore, #tpu.memory_space<semaphore_mem>>)
    %dma_wait3A_260 = arith.constant 0 : i32
    %dma_wait3A_261 = arith.constant 0 : i32
    %dma_wait3A_262 = tpu.memref_slice %arg4[%add3A_253, %dma_wait3A_260, %dma_wait3A_261] : memref<16384x56x128xf32, #tpu.memory_space<hbm>> -> memref<32x50x32xf32, #tpu.memory_space<hbm>>
    %dma_wait3A_263 = arith.constant 0 : i32
    %dma_wait3A_264 = arith.constant 0 : i32
    %dma_wait3A_265 = tpu.memref_slice %arg4[%add3A_253, %dma_wait3A_263, %dma_wait3A_264] : memref<16384x56x128xf32, #tpu.memory_space<hbm>> -> memref<32x50x32xf32, #tpu.memory_space<hbm>>
    tpu.wait_dma2 semaphore(%arg11 : memref<!tpu.dma_semaphore, #tpu.memory_space<semaphore_mem>>) src(%arg7 : memref<32x50x32xf32, #tpu.memory_space<vmem>>) dst(%dma_wait3A_265 : memref<32x50x32xf32, #tpu.memory_space<hbm>>)
    %scan3A_266 = arith.constant 0 : i32
    %scan3A_267 = arith.constant 0 : i32
    %scan3A_268 = arith.constant 32 : i32
    %scan3A_269 = arith.addi %scan3A_267, %scan3A_268 : i32
    %scan3A_270 = arith.constant 1 : i32
    scf.for %scan3A_416 = %scan3A_267 to %scan3A_269 step %scan3A_270  : i32 {
      %add3A_417 = arith.constant 352 : i32
      %add3A_418 = arith.addi %add3A_417, %scan3A_416 : i32
      %dma_start3A_419 = arith.constant 0 : i32
      %dma_start3A_420 = arith.constant 0 : i32
      %dma_start3A_421 = tpu.memref_slice %arg7[%scan3A_416, %dma_start3A_419, %dma_start3A_420] : memref<32x50x32xf32, #tpu.memory_space<vmem>> -> memref<1x50x32xf32, #tpu.memory_space<vmem>>
      %dma_start3A_422 = tpu.memref_squeeze %dma_start3A_421 : memref<1x50x32xf32, #tpu.memory_space<vmem>> -> memref<50x32xf32, #tpu.memory_space<vmem>>
      %dma_start3A_423 = arith.constant 0 : i32
      %dma_start3A_424 = tpu.memref_slice %arg5[%add3A_418, %dma_start3A_423] : memref<512x50xi32, #tpu.memory_space<vmem>> -> memref<1x50xi32, #tpu.memory_space<vmem>>
      %dma_start3A_425 = tpu.memref_squeeze %dma_start3A_424 : memref<1x50xi32, #tpu.memory_space<vmem>> -> memref<50xi32, #tpu.memory_space<vmem>>
      %dma_start3A_426 = arith.constant 0 : i32
      %dma_start3A_427 = arith.constant 0 : i32
      %dma_start3A_428 = tpu.memref_slice %arg3[%dma_start3A_426, %dma_start3A_427] : memref<1000000x32xf32, #tpu.memory_space<hbm>> -> memref<1000000x32xf32, #tpu.memory_space<hbm>>
      tpu.enqueue_indirect_dma source(%dma_start3A_428 : memref<1000000x32xf32, #tpu.memory_space<hbm>>) target(%dma_start3A_422 : memref<50x32xf32, #tpu.memory_space<vmem>>) offsets(%dma_start3A_425 : memref<50xi32, #tpu.memory_space<vmem>>) semaphore(%arg9 : memref<!tpu.dma_semaphore, #tpu.memory_space<semaphore_mem>>)
    }
    %scan3A_271 = arith.constant 32 : i32
    %scan3A_272 = arith.constant 0 : i32
    %scan3A_273 = arith.constant 0 : i32
    %scan3A_274 = arith.constant 32 : i32
    %scan3A_275 = arith.addi %scan3A_273, %scan3A_274 : i32
    %scan3A_276 = arith.constant 1 : i32
    scf.for %scan3A_416 = %scan3A_273 to %scan3A_275 step %scan3A_276  : i32 {
      %add3A_417 = arith.constant 320 : i32
      %add3A_418 = arith.addi %add3A_417, %scan3A_416 : i32
      %dma_wait3A_419 = arith.constant 0 : i32
      %dma_wait3A_420 = arith.constant 0 : i32
      %dma_wait3A_421 = tpu.memref_slice %arg6[%scan3A_416, %dma_wait3A_419, %dma_wait3A_420] : memref<32x50x32xf32, #tpu.memory_space<vmem>> -> memref<1x50x32xf32, #tpu.memory_space<vmem>>
      %dma_wait3A_422 = tpu.memref_squeeze %dma_wait3A_421 : memref<1x50x32xf32, #tpu.memory_space<vmem>> -> memref<50x32xf32, #tpu.memory_space<vmem>>
      %dma_wait3A_423 = arith.constant 0 : i32
      %dma_wait3A_424 = tpu.memref_slice %arg5[%add3A_418, %dma_wait3A_423] : memref<512x50xi32, #tpu.memory_space<vmem>> -> memref<1x50xi32, #tpu.memory_space<vmem>>
      %dma_wait3A_425 = tpu.memref_squeeze %dma_wait3A_424 : memref<1x50xi32, #tpu.memory_space<vmem>> -> memref<50xi32, #tpu.memory_space<vmem>>
      %dma_wait3A_426 = arith.constant 0 : i32
      %dma_wait3A_427 = arith.constant 0 : i32
      %dma_wait3A_428 = tpu.memref_slice %arg3[%dma_wait3A_426, %dma_wait3A_427] : memref<1000000x32xf32, #tpu.memory_space<hbm>> -> memref<1000000x32xf32, #tpu.memory_space<hbm>>
      tpu.wait_indirect_dma semaphore(%arg8 : memref<!tpu.dma_semaphore, #tpu.memory_space<semaphore_mem>>) src(%dma_wait3A_428 : memref<1000000x32xf32, #tpu.memory_space<hbm>>) dst(%dma_wait3A_422 : memref<50x32xf32, #tpu.memory_space<vmem>>)
    }
    %scan3A_277 = arith.constant 32 : i32
    %add3A_278 = arith.constant 320 : i32
    %add3A_279 = arith.addi %mul3A_2, %add3A_278 : i32
    %dma_start3A_280 = arith.constant 0 : i32
    %dma_start3A_281 = arith.constant 0 : i32
    %dma_start3A_282 = tpu.memref_slice %arg4[%add3A_279, %dma_start3A_280, %dma_start3A_281] : memref<16384x56x128xf32, #tpu.memory_space<hbm>> -> memref<32x50x32xf32, #tpu.memory_space<hbm>>
    %dma_start3A_283 = arith.constant 0 : i32
    %dma_start3A_284 = arith.constant 0 : i32
    %dma_start3A_285 = tpu.memref_slice %arg4[%add3A_279, %dma_start3A_283, %dma_start3A_284] : memref<16384x56x128xf32, #tpu.memory_space<hbm>> -> memref<32x50x32xf32, #tpu.memory_space<hbm>>
    tpu.enqueue_dma source(%arg6 : memref<32x50x32xf32, #tpu.memory_space<vmem>>) target(%dma_start3A_285 : memref<32x50x32xf32, #tpu.memory_space<hbm>>) target_semaphore(%arg10 : memref<!tpu.dma_semaphore, #tpu.memory_space<semaphore_mem>>)
    %dma_wait3A_286 = arith.constant 0 : i32
    %dma_wait3A_287 = arith.constant 0 : i32
    %dma_wait3A_288 = tpu.memref_slice %arg4[%add3A_279, %dma_wait3A_286, %dma_wait3A_287] : memref<16384x56x128xf32, #tpu.memory_space<hbm>> -> memref<32x50x32xf32, #tpu.memory_space<hbm>>
    %dma_wait3A_289 = arith.constant 0 : i32
    %dma_wait3A_290 = arith.constant 0 : i32
    %dma_wait3A_291 = tpu.memref_slice %arg4[%add3A_279, %dma_wait3A_289, %dma_wait3A_290] : memref<16384x56x128xf32, #tpu.memory_space<hbm>> -> memref<32x50x32xf32, #tpu.memory_space<hbm>>
    tpu.wait_dma2 semaphore(%arg10 : memref<!tpu.dma_semaphore, #tpu.memory_space<semaphore_mem>>) src(%arg6 : memref<32x50x32xf32, #tpu.memory_space<vmem>>) dst(%dma_wait3A_291 : memref<32x50x32xf32, #tpu.memory_space<hbm>>)
    %scan3A_292 = arith.constant 0 : i32
    %scan3A_293 = arith.constant 0 : i32
    %scan3A_294 = arith.constant 32 : i32
    %scan3A_295 = arith.addi %scan3A_293, %scan3A_294 : i32
    %scan3A_296 = arith.constant 1 : i32
    scf.for %scan3A_416 = %scan3A_293 to %scan3A_295 step %scan3A_296  : i32 {
      %add3A_417 = arith.constant 384 : i32
      %add3A_418 = arith.addi %add3A_417, %scan3A_416 : i32
      %dma_start3A_419 = arith.constant 0 : i32
      %dma_start3A_420 = arith.constant 0 : i32
      %dma_start3A_421 = tpu.memref_slice %arg6[%scan3A_416, %dma_start3A_419, %dma_start3A_420] : memref<32x50x32xf32, #tpu.memory_space<vmem>> -> memref<1x50x32xf32, #tpu.memory_space<vmem>>
      %dma_start3A_422 = tpu.memref_squeeze %dma_start3A_421 : memref<1x50x32xf32, #tpu.memory_space<vmem>> -> memref<50x32xf32, #tpu.memory_space<vmem>>
      %dma_start3A_423 = arith.constant 0 : i32
      %dma_start3A_424 = tpu.memref_slice %arg5[%add3A_418, %dma_start3A_423] : memref<512x50xi32, #tpu.memory_space<vmem>> -> memref<1x50xi32, #tpu.memory_space<vmem>>
      %dma_start3A_425 = tpu.memref_squeeze %dma_start3A_424 : memref<1x50xi32, #tpu.memory_space<vmem>> -> memref<50xi32, #tpu.memory_space<vmem>>
      %dma_start3A_426 = arith.constant 0 : i32
      %dma_start3A_427 = arith.constant 0 : i32
      %dma_start3A_428 = tpu.memref_slice %arg3[%dma_start3A_426, %dma_start3A_427] : memref<1000000x32xf32, #tpu.memory_space<hbm>> -> memref<1000000x32xf32, #tpu.memory_space<hbm>>
      tpu.enqueue_indirect_dma source(%dma_start3A_428 : memref<1000000x32xf32, #tpu.memory_space<hbm>>) target(%dma_start3A_422 : memref<50x32xf32, #tpu.memory_space<vmem>>) offsets(%dma_start3A_425 : memref<50xi32, #tpu.memory_space<vmem>>) semaphore(%arg8 : memref<!tpu.dma_semaphore, #tpu.memory_space<semaphore_mem>>)
    }
    %scan3A_297 = arith.constant 32 : i32
    %scan3A_298 = arith.constant 0 : i32
    %scan3A_299 = arith.constant 0 : i32
    %scan3A_300 = arith.constant 32 : i32
    %scan3A_301 = arith.addi %scan3A_299, %scan3A_300 : i32
    %scan3A_302 = arith.constant 1 : i32
    scf.for %scan3A_416 = %scan3A_299 to %scan3A_301 step %scan3A_302  : i32 {
      %add3A_417 = arith.constant 352 : i32
      %add3A_418 = arith.addi %add3A_417, %scan3A_416 : i32
      %dma_wait3A_419 = arith.constant 0 : i32
      %dma_wait3A_420 = arith.constant 0 : i32
      %dma_wait3A_421 = tpu.memref_slice %arg7[%scan3A_416, %dma_wait3A_419, %dma_wait3A_420] : memref<32x50x32xf32, #tpu.memory_space<vmem>> -> memref<1x50x32xf32, #tpu.memory_space<vmem>>
      %dma_wait3A_422 = tpu.memref_squeeze %dma_wait3A_421 : memref<1x50x32xf32, #tpu.memory_space<vmem>> -> memref<50x32xf32, #tpu.memory_space<vmem>>
      %dma_wait3A_423 = arith.constant 0 : i32
      %dma_wait3A_424 = tpu.memref_slice %arg5[%add3A_418, %dma_wait3A_423] : memref<512x50xi32, #tpu.memory_space<vmem>> -> memref<1x50xi32, #tpu.memory_space<vmem>>
      %dma_wait3A_425 = tpu.memref_squeeze %dma_wait3A_424 : memref<1x50xi32, #tpu.memory_space<vmem>> -> memref<50xi32, #tpu.memory_space<vmem>>
      %dma_wait3A_426 = arith.constant 0 : i32
      %dma_wait3A_427 = arith.constant 0 : i32
      %dma_wait3A_428 = tpu.memref_slice %arg3[%dma_wait3A_426, %dma_wait3A_427] : memref<1000000x32xf32, #tpu.memory_space<hbm>> -> memref<1000000x32xf32, #tpu.memory_space<hbm>>
      tpu.wait_indirect_dma semaphore(%arg9 : memref<!tpu.dma_semaphore, #tpu.memory_space<semaphore_mem>>) src(%dma_wait3A_428 : memref<1000000x32xf32, #tpu.memory_space<hbm>>) dst(%dma_wait3A_422 : memref<50x32xf32, #tpu.memory_space<vmem>>)
    }
    %scan3A_303 = arith.constant 32 : i32
    %add3A_304 = arith.constant 352 : i32
    %add3A_305 = arith.addi %mul3A_2, %add3A_304 : i32
    %dma_start3A_306 = arith.constant 0 : i32
    %dma_start3A_307 = arith.constant 0 : i32
    %dma_start3A_308 = tpu.memref_slice %arg4[%add3A_305, %dma_start3A_306, %dma_start3A_307] : memref<16384x56x128xf32, #tpu.memory_space<hbm>> -> memref<32x50x32xf32, #tpu.memory_space<hbm>>
    %dma_start3A_309 = arith.constant 0 : i32
    %dma_start3A_310 = arith.constant 0 : i32
    %dma_start3A_311 = tpu.memref_slice %arg4[%add3A_305, %dma_start3A_309, %dma_start3A_310] : memref<16384x56x128xf32, #tpu.memory_space<hbm>> -> memref<32x50x32xf32, #tpu.memory_space<hbm>>
    tpu.enqueue_dma source(%arg7 : memref<32x50x32xf32, #tpu.memory_space<vmem>>) target(%dma_start3A_311 : memref<32x50x32xf32, #tpu.memory_space<hbm>>) target_semaphore(%arg11 : memref<!tpu.dma_semaphore, #tpu.memory_space<semaphore_mem>>)
    %dma_wait3A_312 = arith.constant 0 : i32
    %dma_wait3A_313 = arith.constant 0 : i32
    %dma_wait3A_314 = tpu.memref_slice %arg4[%add3A_305, %dma_wait3A_312, %dma_wait3A_313] : memref<16384x56x128xf32, #tpu.memory_space<hbm>> -> memref<32x50x32xf32, #tpu.memory_space<hbm>>
    %dma_wait3A_315 = arith.constant 0 : i32
    %dma_wait3A_316 = arith.constant 0 : i32
    %dma_wait3A_317 = tpu.memref_slice %arg4[%add3A_305, %dma_wait3A_315, %dma_wait3A_316] : memref<16384x56x128xf32, #tpu.memory_space<hbm>> -> memref<32x50x32xf32, #tpu.memory_space<hbm>>
    tpu.wait_dma2 semaphore(%arg11 : memref<!tpu.dma_semaphore, #tpu.memory_space<semaphore_mem>>) src(%arg7 : memref<32x50x32xf32, #tpu.memory_space<vmem>>) dst(%dma_wait3A_317 : memref<32x50x32xf32, #tpu.memory_space<hbm>>)
    %scan3A_318 = arith.constant 0 : i32
    %scan3A_319 = arith.constant 0 : i32
    %scan3A_320 = arith.constant 32 : i32
    %scan3A_321 = arith.addi %scan3A_319, %scan3A_320 : i32
    %scan3A_322 = arith.constant 1 : i32
    scf.for %scan3A_416 = %scan3A_319 to %scan3A_321 step %scan3A_322  : i32 {
      %add3A_417 = arith.constant 416 : i32
      %add3A_418 = arith.addi %add3A_417, %scan3A_416 : i32
      %dma_start3A_419 = arith.constant 0 : i32
      %dma_start3A_420 = arith.constant 0 : i32
      %dma_start3A_421 = tpu.memref_slice %arg7[%scan3A_416, %dma_start3A_419, %dma_start3A_420] : memref<32x50x32xf32, #tpu.memory_space<vmem>> -> memref<1x50x32xf32, #tpu.memory_space<vmem>>
      %dma_start3A_422 = tpu.memref_squeeze %dma_start3A_421 : memref<1x50x32xf32, #tpu.memory_space<vmem>> -> memref<50x32xf32, #tpu.memory_space<vmem>>
      %dma_start3A_423 = arith.constant 0 : i32
      %dma_start3A_424 = tpu.memref_slice %arg5[%add3A_418, %dma_start3A_423] : memref<512x50xi32, #tpu.memory_space<vmem>> -> memref<1x50xi32, #tpu.memory_space<vmem>>
      %dma_start3A_425 = tpu.memref_squeeze %dma_start3A_424 : memref<1x50xi32, #tpu.memory_space<vmem>> -> memref<50xi32, #tpu.memory_space<vmem>>
      %dma_start3A_426 = arith.constant 0 : i32
      %dma_start3A_427 = arith.constant 0 : i32
      %dma_start3A_428 = tpu.memref_slice %arg3[%dma_start3A_426, %dma_start3A_427] : memref<1000000x32xf32, #tpu.memory_space<hbm>> -> memref<1000000x32xf32, #tpu.memory_space<hbm>>
      tpu.enqueue_indirect_dma source(%dma_start3A_428 : memref<1000000x32xf32, #tpu.memory_space<hbm>>) target(%dma_start3A_422 : memref<50x32xf32, #tpu.memory_space<vmem>>) offsets(%dma_start3A_425 : memref<50xi32, #tpu.memory_space<vmem>>) semaphore(%arg9 : memref<!tpu.dma_semaphore, #tpu.memory_space<semaphore_mem>>)
    }
    %scan3A_323 = arith.constant 32 : i32
    %scan3A_324 = arith.constant 0 : i32
    %scan3A_325 = arith.constant 0 : i32
    %scan3A_326 = arith.constant 32 : i32
    %scan3A_327 = arith.addi %scan3A_325, %scan3A_326 : i32
    %scan3A_328 = arith.constant 1 : i32
    scf.for %scan3A_416 = %scan3A_325 to %scan3A_327 step %scan3A_328  : i32 {
      %add3A_417 = arith.constant 384 : i32
      %add3A_418 = arith.addi %add3A_417, %scan3A_416 : i32
      %dma_wait3A_419 = arith.constant 0 : i32
      %dma_wait3A_420 = arith.constant 0 : i32
      %dma_wait3A_421 = tpu.memref_slice %arg6[%scan3A_416, %dma_wait3A_419, %dma_wait3A_420] : memref<32x50x32xf32, #tpu.memory_space<vmem>> -> memref<1x50x32xf32, #tpu.memory_space<vmem>>
      %dma_wait3A_422 = tpu.memref_squeeze %dma_wait3A_421 : memref<1x50x32xf32, #tpu.memory_space<vmem>> -> memref<50x32xf32, #tpu.memory_space<vmem>>
      %dma_wait3A_423 = arith.constant 0 : i32
      %dma_wait3A_424 = tpu.memref_slice %arg5[%add3A_418, %dma_wait3A_423] : memref<512x50xi32, #tpu.memory_space<vmem>> -> memref<1x50xi32, #tpu.memory_space<vmem>>
      %dma_wait3A_425 = tpu.memref_squeeze %dma_wait3A_424 : memref<1x50xi32, #tpu.memory_space<vmem>> -> memref<50xi32, #tpu.memory_space<vmem>>
      %dma_wait3A_426 = arith.constant 0 : i32
      %dma_wait3A_427 = arith.constant 0 : i32
      %dma_wait3A_428 = tpu.memref_slice %arg3[%dma_wait3A_426, %dma_wait3A_427] : memref<1000000x32xf32, #tpu.memory_space<hbm>> -> memref<1000000x32xf32, #tpu.memory_space<hbm>>
      tpu.wait_indirect_dma semaphore(%arg8 : memref<!tpu.dma_semaphore, #tpu.memory_space<semaphore_mem>>) src(%dma_wait3A_428 : memref<1000000x32xf32, #tpu.memory_space<hbm>>) dst(%dma_wait3A_422 : memref<50x32xf32, #tpu.memory_space<vmem>>)
    }
    %scan3A_329 = arith.constant 32 : i32
    %add3A_330 = arith.constant 384 : i32
    %add3A_331 = arith.addi %mul3A_2, %add3A_330 : i32
    %dma_start3A_332 = arith.constant 0 : i32
    %dma_start3A_333 = arith.constant 0 : i32
    %dma_start3A_334 = tpu.memref_slice %arg4[%add3A_331, %dma_start3A_332, %dma_start3A_333] : memref<16384x56x128xf32, #tpu.memory_space<hbm>> -> memref<32x50x32xf32, #tpu.memory_space<hbm>>
    %dma_start3A_335 = arith.constant 0 : i32
    %dma_start3A_336 = arith.constant 0 : i32
    %dma_start3A_337 = tpu.memref_slice %arg4[%add3A_331, %dma_start3A_335, %dma_start3A_336] : memref<16384x56x128xf32, #tpu.memory_space<hbm>> -> memref<32x50x32xf32, #tpu.memory_space<hbm>>
    tpu.enqueue_dma source(%arg6 : memref<32x50x32xf32, #tpu.memory_space<vmem>>) target(%dma_start3A_337 : memref<32x50x32xf32, #tpu.memory_space<hbm>>) target_semaphore(%arg10 : memref<!tpu.dma_semaphore, #tpu.memory_space<semaphore_mem>>)
    %dma_wait3A_338 = arith.constant 0 : i32
    %dma_wait3A_339 = arith.constant 0 : i32
    %dma_wait3A_340 = tpu.memref_slice %arg4[%add3A_331, %dma_wait3A_338, %dma_wait3A_339] : memref<16384x56x128xf32, #tpu.memory_space<hbm>> -> memref<32x50x32xf32, #tpu.memory_space<hbm>>
    %dma_wait3A_341 = arith.constant 0 : i32
    %dma_wait3A_342 = arith.constant 0 : i32
    %dma_wait3A_343 = tpu.memref_slice %arg4[%add3A_331, %dma_wait3A_341, %dma_wait3A_342] : memref<16384x56x128xf32, #tpu.memory_space<hbm>> -> memref<32x50x32xf32, #tpu.memory_space<hbm>>
    tpu.wait_dma2 semaphore(%arg10 : memref<!tpu.dma_semaphore, #tpu.memory_space<semaphore_mem>>) src(%arg6 : memref<32x50x32xf32, #tpu.memory_space<vmem>>) dst(%dma_wait3A_343 : memref<32x50x32xf32, #tpu.memory_space<hbm>>)
    %scan3A_344 = arith.constant 0 : i32
    %scan3A_345 = arith.constant 0 : i32
    %scan3A_346 = arith.constant 32 : i32
    %scan3A_347 = arith.addi %scan3A_345, %scan3A_346 : i32
    %scan3A_348 = arith.constant 1 : i32
    scf.for %scan3A_416 = %scan3A_345 to %scan3A_347 step %scan3A_348  : i32 {
      %add3A_417 = arith.constant 448 : i32
      %add3A_418 = arith.addi %add3A_417, %scan3A_416 : i32
      %dma_start3A_419 = arith.constant 0 : i32
      %dma_start3A_420 = arith.constant 0 : i32
      %dma_start3A_421 = tpu.memref_slice %arg6[%scan3A_416, %dma_start3A_419, %dma_start3A_420] : memref<32x50x32xf32, #tpu.memory_space<vmem>> -> memref<1x50x32xf32, #tpu.memory_space<vmem>>
      %dma_start3A_422 = tpu.memref_squeeze %dma_start3A_421 : memref<1x50x32xf32, #tpu.memory_space<vmem>> -> memref<50x32xf32, #tpu.memory_space<vmem>>
      %dma_start3A_423 = arith.constant 0 : i32
      %dma_start3A_424 = tpu.memref_slice %arg5[%add3A_418, %dma_start3A_423] : memref<512x50xi32, #tpu.memory_space<vmem>> -> memref<1x50xi32, #tpu.memory_space<vmem>>
      %dma_start3A_425 = tpu.memref_squeeze %dma_start3A_424 : memref<1x50xi32, #tpu.memory_space<vmem>> -> memref<50xi32, #tpu.memory_space<vmem>>
      %dma_start3A_426 = arith.constant 0 : i32
      %dma_start3A_427 = arith.constant 0 : i32
      %dma_start3A_428 = tpu.memref_slice %arg3[%dma_start3A_426, %dma_start3A_427] : memref<1000000x32xf32, #tpu.memory_space<hbm>> -> memref<1000000x32xf32, #tpu.memory_space<hbm>>
      tpu.enqueue_indirect_dma source(%dma_start3A_428 : memref<1000000x32xf32, #tpu.memory_space<hbm>>) target(%dma_start3A_422 : memref<50x32xf32, #tpu.memory_space<vmem>>) offsets(%dma_start3A_425 : memref<50xi32, #tpu.memory_space<vmem>>) semaphore(%arg8 : memref<!tpu.dma_semaphore, #tpu.memory_space<semaphore_mem>>)
    }
    %scan3A_349 = arith.constant 32 : i32
    %scan3A_350 = arith.constant 0 : i32
    %scan3A_351 = arith.constant 0 : i32
    %scan3A_352 = arith.constant 32 : i32
    %scan3A_353 = arith.addi %scan3A_351, %scan3A_352 : i32
    %scan3A_354 = arith.constant 1 : i32
    scf.for %scan3A_416 = %scan3A_351 to %scan3A_353 step %scan3A_354  : i32 {
      %add3A_417 = arith.constant 416 : i32
      %add3A_418 = arith.addi %add3A_417, %scan3A_416 : i32
      %dma_wait3A_419 = arith.constant 0 : i32
      %dma_wait3A_420 = arith.constant 0 : i32
      %dma_wait3A_421 = tpu.memref_slice %arg7[%scan3A_416, %dma_wait3A_419, %dma_wait3A_420] : memref<32x50x32xf32, #tpu.memory_space<vmem>> -> memref<1x50x32xf32, #tpu.memory_space<vmem>>
      %dma_wait3A_422 = tpu.memref_squeeze %dma_wait3A_421 : memref<1x50x32xf32, #tpu.memory_space<vmem>> -> memref<50x32xf32, #tpu.memory_space<vmem>>
      %dma_wait3A_423 = arith.constant 0 : i32
      %dma_wait3A_424 = tpu.memref_slice %arg5[%add3A_418, %dma_wait3A_423] : memref<512x50xi32, #tpu.memory_space<vmem>> -> memref<1x50xi32, #tpu.memory_space<vmem>>
      %dma_wait3A_425 = tpu.memref_squeeze %dma_wait3A_424 : memref<1x50xi32, #tpu.memory_space<vmem>> -> memref<50xi32, #tpu.memory_space<vmem>>
      %dma_wait3A_426 = arith.constant 0 : i32
      %dma_wait3A_427 = arith.constant 0 : i32
      %dma_wait3A_428 = tpu.memref_slice %arg3[%dma_wait3A_426, %dma_wait3A_427] : memref<1000000x32xf32, #tpu.memory_space<hbm>> -> memref<1000000x32xf32, #tpu.memory_space<hbm>>
      tpu.wait_indirect_dma semaphore(%arg9 : memref<!tpu.dma_semaphore, #tpu.memory_space<semaphore_mem>>) src(%dma_wait3A_428 : memref<1000000x32xf32, #tpu.memory_space<hbm>>) dst(%dma_wait3A_422 : memref<50x32xf32, #tpu.memory_space<vmem>>)
    }
    %scan3A_355 = arith.constant 32 : i32
    %add3A_356 = arith.constant 416 : i32
    %add3A_357 = arith.addi %mul3A_2, %add3A_356 : i32
    %dma_start3A_358 = arith.constant 0 : i32
    %dma_start3A_359 = arith.constant 0 : i32
    %dma_start3A_360 = tpu.memref_slice %arg4[%add3A_357, %dma_start3A_358, %dma_start3A_359] : memref<16384x56x128xf32, #tpu.memory_space<hbm>> -> memref<32x50x32xf32, #tpu.memory_space<hbm>>
    %dma_start3A_361 = arith.constant 0 : i32
    %dma_start3A_362 = arith.constant 0 : i32
    %dma_start3A_363 = tpu.memref_slice %arg4[%add3A_357, %dma_start3A_361, %dma_start3A_362] : memref<16384x56x128xf32, #tpu.memory_space<hbm>> -> memref<32x50x32xf32, #tpu.memory_space<hbm>>
    tpu.enqueue_dma source(%arg7 : memref<32x50x32xf32, #tpu.memory_space<vmem>>) target(%dma_start3A_363 : memref<32x50x32xf32, #tpu.memory_space<hbm>>) target_semaphore(%arg11 : memref<!tpu.dma_semaphore, #tpu.memory_space<semaphore_mem>>)
    %dma_wait3A_364 = arith.constant 0 : i32
    %dma_wait3A_365 = arith.constant 0 : i32
    %dma_wait3A_366 = tpu.memref_slice %arg4[%add3A_357, %dma_wait3A_364, %dma_wait3A_365] : memref<16384x56x128xf32, #tpu.memory_space<hbm>> -> memref<32x50x32xf32, #tpu.memory_space<hbm>>
    %dma_wait3A_367 = arith.constant 0 : i32
    %dma_wait3A_368 = arith.constant 0 : i32
    %dma_wait3A_369 = tpu.memref_slice %arg4[%add3A_357, %dma_wait3A_367, %dma_wait3A_368] : memref<16384x56x128xf32, #tpu.memory_space<hbm>> -> memref<32x50x32xf32, #tpu.memory_space<hbm>>
    tpu.wait_dma2 semaphore(%arg11 : memref<!tpu.dma_semaphore, #tpu.memory_space<semaphore_mem>>) src(%arg7 : memref<32x50x32xf32, #tpu.memory_space<vmem>>) dst(%dma_wait3A_369 : memref<32x50x32xf32, #tpu.memory_space<hbm>>)
    %scan3A_370 = arith.constant 0 : i32
    %scan3A_371 = arith.constant 0 : i32
    %scan3A_372 = arith.constant 32 : i32
    %scan3A_373 = arith.addi %scan3A_371, %scan3A_372 : i32
    %scan3A_374 = arith.constant 1 : i32
    scf.for %scan3A_416 = %scan3A_371 to %scan3A_373 step %scan3A_374  : i32 {
      %add3A_417 = arith.constant 480 : i32
      %add3A_418 = arith.addi %add3A_417, %scan3A_416 : i32
      %dma_start3A_419 = arith.constant 0 : i32
      %dma_start3A_420 = arith.constant 0 : i32
      %dma_start3A_421 = tpu.memref_slice %arg7[%scan3A_416, %dma_start3A_419, %dma_start3A_420] : memref<32x50x32xf32, #tpu.memory_space<vmem>> -> memref<1x50x32xf32, #tpu.memory_space<vmem>>
      %dma_start3A_422 = tpu.memref_squeeze %dma_start3A_421 : memref<1x50x32xf32, #tpu.memory_space<vmem>> -> memref<50x32xf32, #tpu.memory_space<vmem>>
      %dma_start3A_423 = arith.constant 0 : i32
      %dma_start3A_424 = tpu.memref_slice %arg5[%add3A_418, %dma_start3A_423] : memref<512x50xi32, #tpu.memory_space<vmem>> -> memref<1x50xi32, #tpu.memory_space<vmem>>
      %dma_start3A_425 = tpu.memref_squeeze %dma_start3A_424 : memref<1x50xi32, #tpu.memory_space<vmem>> -> memref<50xi32, #tpu.memory_space<vmem>>
      %dma_start3A_426 = arith.constant 0 : i32
      %dma_start3A_427 = arith.constant 0 : i32
      %dma_start3A_428 = tpu.memref_slice %arg3[%dma_start3A_426, %dma_start3A_427] : memref<1000000x32xf32, #tpu.memory_space<hbm>> -> memref<1000000x32xf32, #tpu.memory_space<hbm>>
      tpu.enqueue_indirect_dma source(%dma_start3A_428 : memref<1000000x32xf32, #tpu.memory_space<hbm>>) target(%dma_start3A_422 : memref<50x32xf32, #tpu.memory_space<vmem>>) offsets(%dma_start3A_425 : memref<50xi32, #tpu.memory_space<vmem>>) semaphore(%arg9 : memref<!tpu.dma_semaphore, #tpu.memory_space<semaphore_mem>>)
    }
    %scan3A_375 = arith.constant 32 : i32
    %scan3A_376 = arith.constant 0 : i32
    %scan3A_377 = arith.constant 0 : i32
    %scan3A_378 = arith.constant 32 : i32
    %scan3A_379 = arith.addi %scan3A_377, %scan3A_378 : i32
    %scan3A_380 = arith.constant 1 : i32
    scf.for %scan3A_416 = %scan3A_377 to %scan3A_379 step %scan3A_380  : i32 {
      %add3A_417 = arith.constant 448 : i32
      %add3A_418 = arith.addi %add3A_417, %scan3A_416 : i32
      %dma_wait3A_419 = arith.constant 0 : i32
      %dma_wait3A_420 = arith.constant 0 : i32
      %dma_wait3A_421 = tpu.memref_slice %arg6[%scan3A_416, %dma_wait3A_419, %dma_wait3A_420] : memref<32x50x32xf32, #tpu.memory_space<vmem>> -> memref<1x50x32xf32, #tpu.memory_space<vmem>>
      %dma_wait3A_422 = tpu.memref_squeeze %dma_wait3A_421 : memref<1x50x32xf32, #tpu.memory_space<vmem>> -> memref<50x32xf32, #tpu.memory_space<vmem>>
      %dma_wait3A_423 = arith.constant 0 : i32
      %dma_wait3A_424 = tpu.memref_slice %arg5[%add3A_418, %dma_wait3A_423] : memref<512x50xi32, #tpu.memory_space<vmem>> -> memref<1x50xi32, #tpu.memory_space<vmem>>
      %dma_wait3A_425 = tpu.memref_squeeze %dma_wait3A_424 : memref<1x50xi32, #tpu.memory_space<vmem>> -> memref<50xi32, #tpu.memory_space<vmem>>
      %dma_wait3A_426 = arith.constant 0 : i32
      %dma_wait3A_427 = arith.constant 0 : i32
      %dma_wait3A_428 = tpu.memref_slice %arg3[%dma_wait3A_426, %dma_wait3A_427] : memref<1000000x32xf32, #tpu.memory_space<hbm>> -> memref<1000000x32xf32, #tpu.memory_space<hbm>>
      tpu.wait_indirect_dma semaphore(%arg8 : memref<!tpu.dma_semaphore, #tpu.memory_space<semaphore_mem>>) src(%dma_wait3A_428 : memref<1000000x32xf32, #tpu.memory_space<hbm>>) dst(%dma_wait3A_422 : memref<50x32xf32, #tpu.memory_space<vmem>>)
    }
    %scan3A_381 = arith.constant 32 : i32
    %add3A_382 = arith.constant 448 : i32
    %add3A_383 = arith.addi %mul3A_2, %add3A_382 : i32
    %dma_start3A_384 = arith.constant 0 : i32
    %dma_start3A_385 = arith.constant 0 : i32
    %dma_start3A_386 = tpu.memref_slice %arg4[%add3A_383, %dma_start3A_384, %dma_start3A_385] : memref<16384x56x128xf32, #tpu.memory_space<hbm>> -> memref<32x50x32xf32, #tpu.memory_space<hbm>>
    %dma_start3A_387 = arith.constant 0 : i32
    %dma_start3A_388 = arith.constant 0 : i32
    %dma_start3A_389 = tpu.memref_slice %arg4[%add3A_383, %dma_start3A_387, %dma_start3A_388] : memref<16384x56x128xf32, #tpu.memory_space<hbm>> -> memref<32x50x32xf32, #tpu.memory_space<hbm>>
    tpu.enqueue_dma source(%arg6 : memref<32x50x32xf32, #tpu.memory_space<vmem>>) target(%dma_start3A_389 : memref<32x50x32xf32, #tpu.memory_space<hbm>>) target_semaphore(%arg10 : memref<!tpu.dma_semaphore, #tpu.memory_space<semaphore_mem>>)
    %scan3A_390 = arith.constant 0 : i32
    %scan3A_391 = arith.constant 0 : i32
    %scan3A_392 = arith.constant 32 : i32
    %scan3A_393 = arith.addi %scan3A_391, %scan3A_392 : i32
    %scan3A_394 = arith.constant 1 : i32
    scf.for %scan3A_416 = %scan3A_391 to %scan3A_393 step %scan3A_394  : i32 {
      %add3A_417 = arith.constant 480 : i32
      %add3A_418 = arith.addi %add3A_417, %scan3A_416 : i32
      %dma_wait3A_419 = arith.constant 0 : i32
      %dma_wait3A_420 = arith.constant 0 : i32
      %dma_wait3A_421 = tpu.memref_slice %arg7[%scan3A_416, %dma_wait3A_419, %dma_wait3A_420] : memref<32x50x32xf32, #tpu.memory_space<vmem>> -> memref<1x50x32xf32, #tpu.memory_space<vmem>>
      %dma_wait3A_422 = tpu.memref_squeeze %dma_wait3A_421 : memref<1x50x32xf32, #tpu.memory_space<vmem>> -> memref<50x32xf32, #tpu.memory_space<vmem>>
      %dma_wait3A_423 = arith.constant 0 : i32
      %dma_wait3A_424 = tpu.memref_slice %arg5[%add3A_418, %dma_wait3A_423] : memref<512x50xi32, #tpu.memory_space<vmem>> -> memref<1x50xi32, #tpu.memory_space<vmem>>
      %dma_wait3A_425 = tpu.memref_squeeze %dma_wait3A_424 : memref<1x50xi32, #tpu.memory_space<vmem>> -> memref<50xi32, #tpu.memory_space<vmem>>
      %dma_wait3A_426 = arith.constant 0 : i32
      %dma_wait3A_427 = arith.constant 0 : i32
      %dma_wait3A_428 = tpu.memref_slice %arg3[%dma_wait3A_426, %dma_wait3A_427] : memref<1000000x32xf32, #tpu.memory_space<hbm>> -> memref<1000000x32xf32, #tpu.memory_space<hbm>>
      tpu.wait_indirect_dma semaphore(%arg9 : memref<!tpu.dma_semaphore, #tpu.memory_space<semaphore_mem>>) src(%dma_wait3A_428 : memref<1000000x32xf32, #tpu.memory_space<hbm>>) dst(%dma_wait3A_422 : memref<50x32xf32, #tpu.memory_space<vmem>>)
    }
    %scan3A_395 = arith.constant 32 : i32
    %add3A_396 = arith.constant 480 : i32
    %add3A_397 = arith.addi %mul3A_2, %add3A_396 : i32
    %dma_start3A_398 = arith.constant 0 : i32
    %dma_start3A_399 = arith.constant 0 : i32
    %dma_start3A_400 = tpu.memref_slice %arg4[%add3A_397, %dma_start3A_398, %dma_start3A_399] : memref<16384x56x128xf32, #tpu.memory_space<hbm>> -> memref<32x50x32xf32, #tpu.memory_space<hbm>>
    %dma_start3A_401 = arith.constant 0 : i32
    %dma_start3A_402 = arith.constant 0 : i32
    %dma_start3A_403 = tpu.memref_slice %arg4[%add3A_397, %dma_start3A_401, %dma_start3A_402] : memref<16384x56x128xf32, #tpu.memory_space<hbm>> -> memref<32x50x32xf32, #tpu.memory_space<hbm>>
    tpu.enqueue_dma source(%arg7 : memref<32x50x32xf32, #tpu.memory_space<vmem>>) target(%dma_start3A_403 : memref<32x50x32xf32, #tpu.memory_space<hbm>>) target_semaphore(%arg11 : memref<!tpu.dma_semaphore, #tpu.memory_space<semaphore_mem>>)
    %dma_wait3A_404 = arith.constant 0 : i32
    %dma_wait3A_405 = arith.constant 0 : i32
    %dma_wait3A_406 = tpu.memref_slice %arg4[%add3A_383, %dma_wait3A_404, %dma_wait3A_405] : memref<16384x56x128xf32, #tpu.memory_space<hbm>> -> memref<32x50x32xf32, #tpu.memory_space<hbm>>
    %dma_wait3A_407 = arith.constant 0 : i32
    %dma_wait3A_408 = arith.constant 0 : i32
    %dma_wait3A_409 = tpu.memref_slice %arg4[%add3A_383, %dma_wait3A_407, %dma_wait3A_408] : memref<16384x56x128xf32, #tpu.memory_space<hbm>> -> memref<32x50x32xf32, #tpu.memory_space<hbm>>
    tpu.wait_dma2 semaphore(%arg10 : memref<!tpu.dma_semaphore, #tpu.memory_space<semaphore_mem>>) src(%arg6 : memref<32x50x32xf32, #tpu.memory_space<vmem>>) dst(%dma_wait3A_409 : memref<32x50x32xf32, #tpu.memory_space<hbm>>)
    %dma_wait3A_410 = arith.constant 0 : i32
    %dma_wait3A_411 = arith.constant 0 : i32
    %dma_wait3A_412 = tpu.memref_slice %arg4[%add3A_397, %dma_wait3A_410, %dma_wait3A_411] : memref<16384x56x128xf32, #tpu.memory_space<hbm>> -> memref<32x50x32xf32, #tpu.memory_space<hbm>>
    %dma_wait3A_413 = arith.constant 0 : i32
    %dma_wait3A_414 = arith.constant 0 : i32
    %dma_wait3A_415 = tpu.memref_slice %arg4[%add3A_397, %dma_wait3A_413, %dma_wait3A_414] : memref<16384x56x128xf32, #tpu.memory_space<hbm>> -> memref<32x50x32xf32, #tpu.memory_space<hbm>>
    tpu.wait_dma2 semaphore(%arg11 : memref<!tpu.dma_semaphore, #tpu.memory_space<semaphore_mem>>) src(%arg7 : memref<32x50x32xf32, #tpu.memory_space<vmem>>) dst(%dma_wait3A_415 : memref<32x50x32xf32, #tpu.memory_space<hbm>>)
    return
  }
}

</mosaic_0001>

<sc_bundles>
// kernel: kernel.3.cloned.1.call-start
scs
__scs_entry_jumppad:
0x0: {  	(pc) =	sbr.rel $0x88, $3  }
0x1: {  	(tag) =	ssettag $0x0;
	lr =	simm.s32 $0x1  }
0x2: {  	[smem:$0x3F9F] =	sst lr;
	_ =	strace $0xD0000000  }
0x3: {  	_ = 	snop  }
0x4: {  	_ = 	snop  }
0x5: {  	_ = 	snop  }
0x6: {  	_ = 	snop  }
0x7: {  	_ = 	snop  }
__scs_overlays_trampoline_lowered:
0x8: {  	[smem:$0x3FAE] =	sst s0  }
0x9: {  	[smem:$0x3FAF] =	sst s1  }
0xa: {  	[smem:$0x3FB0] =	sst s2  }
0xb: {  	[smem:$0x3FB1] =	sst s3  }
0xc: {  	[smem:$0x3FB2] =	sst s4  }
0xd: {  	[smem:$0x3FB3] =	sst s5  }
0xe: {  	[smem:$0x3FB4] =	sst s6  }
0xf: {  	[smem:$0x3FB5] =	sst s7  }
0x10: {  	[smem:$0x3FB6] =	sst s8  }
0x11: {  	[smem:$0x3FB7] =	sst s9;
	s0 =	simm.s32 @!p0 $0x0  }
0x12: {  	s1 =	sld [smem:$0x3F9D];
	s0 =	simm.s32 @p0 $0x1  }
0x13: {  	[smem:$0x3FB8] =	sst s0;
	s0 =	simm.s32 @!p1 $0x0  }
0x14: {  	s2 =	sld [smem:$0x3F9C];
	s0 =	simm.s32 @p1 $0x1  }
0x15: {  	[smem:$0x3FB9] =	sst s0;
	s0 =	simm.s32 @!p2 $0x0  }
0x16: {  	s3 =	sld [smem:$0x3FDB];
	s0 =	simm.s32 @p2 $0x1  }
0x17: {  	s4 =	simm.s32 $0x1BF5;
	[smem:$0x3FBB] =	sst s0  }
0x18: {  	s0 =	sld [smem:$0x3F9E];
	_ =	swait.ge [sflag:s4], $0x0  }
0x19: {  	s7 =	sld [smem:$0x3F9F]  }
0x1a: {  	s8 =	sadd.s32 $0xFFFFE003, lr  }
0x1b: {  	s9 =	sadd.s32 $0xFFFFFEF7, lr;
	s5 =	simm.s32 $0xFFFFFFFF;
	p2 =	slt.u32 s8, $0xFFFFF086  }
0x1c: {  	p1 =	slt.u32 s9, $0xF7A;
	s5 =	simm.s32 @!p2 $0x0  }
0x1d: {  	s5 =	simm.s32 @p1 $0x1;
	p0 =	seq.s32 s7, s2  }
0x1e: {  	s7 =	smul.u32 @!p0 $0xF7A, s2;
	p2 =	seq.s32 @!p0 s5, $0x0  }
0x1f: {  	s9 =	smul.u32 $0xF7A, s1;
	s8 =	simm.s32 @!p0 $0x1BF5;
	p2 =	por !p2, p0  }
0x20: {  	[sflag:s8] =	ssyncset.s32 @!p0 $0xFFFFF086;
	s6 =	sadd.s32 @!p0 s3, s7;
	s7 =	simm.s32 @!p0 $0x108  }
0x21: {  	s3 =	sadd.s32 s3, s9;
	s6 =	sadd.s32 @!p0 $0x88, s6;
	s7 =	simm.s32 @p2 $0x1082  }
0x22: {  	[simem:s7], [sflag:s8] =	dma.local @!p0 [hbm:s6], $0xF7A  }
0x23: {  	s9 =	sor.u32 $0xD0000000, s2;
	s6 =	simm.s32 $0x108;
	_ =	swait.ge @!p0 [sflag:s8], $0x0  }
0x24: {  	s3 =	sadd.s32 $0x88, s3;
	s6 =	simm.s32 @!p1 $0x1082;
	[sflag:s4] =	ssyncset.s32 $0xFFFFF086  }
0x25: {  	[simem:s6], [sflag:s4] =	dma.local [hbm:s3], $0xF7A  }
0x26: {  	[smem:$0x3F9F] =	sst s1;
	(tag) =	ssettag s2;
	_ =	strace s9  }
0x27: {  	s1 =	sld [smem:$0x3FAF]  }
0x28: {  	s2 =	sld [smem:$0x3FB0]  }
0x29: {  	s4 =	sld [smem:$0x3FB2]  }
0x2a: {  	p0 =	seq.s32 s5, $0x0;
	s5 =	sld [smem:$0x3FB3]  }
0x2b: {  	s6 =	sld [smem:$0x3FB4]  }
0x2c: {  	s7 =	sld [smem:$0x3FB5]  }
0x2d: {  	s3 =	simm.s32 $0x108;
	s8 =	sld [smem:$0x3FB6]  }
0x2e: {  	s3 =	simm.s32 @!p0 $0x1082;
	s9 =	sld [smem:$0x3FB7]  }
0x2f: {  	lr =	sadd.s32 s0, s3;
	s0 =	sld [smem:$0x3FAE]  }
0x30: {  	s3 =	sld [smem:$0x3FB1]  }
0x31: {  	[smem:$0x3FBA] =	sst s10  }
0x32: {  	s10 =	sld [smem:$0x3FB8];
	_ =	sdelay $0x3  }
0x33: {  	p0 =	seq.s32 s10, $0x1;
	s10 =	sld [smem:$0x3FBA];
	_ =	sdelay $0x3  }
0x34: {  	[smem:$0x3FBA] =	sst s10  }
0x35: {  	s10 =	sld [smem:$0x3FB9];
	_ =	sdelay $0x3  }
0x36: {  	p1 =	seq.s32 s10, $0x1;
	s10 =	sld [smem:$0x3FBA];
	_ =	sdelay $0x3  }
0x37: {  	[smem:$0x3FBA] =	sst s10  }
0x38: {  	s10 =	sld [smem:$0x3FBB]  }
0x39: {  	_ = 	snop;
	(pc) =	sbr.ind lr, $3  }
0x3a: {  	_ = 	snop  }
0x3b: {  	_ = 	snop  }
0x3c: {  	p2 =	seq.s32 s10, $0x1;
	s10 =	sld [smem:$0x3FBA]  }
0x3d: {  	_ =	shalt  }
0x3e: {  	_ =	shalt  }
0x3f: {  	_ =	shalt  }
0x40: {  	_ =	shalt  }
0x41: {  	_ =	shalt  }
0x42: {  	_ =	shalt  }
0x43: {  	_ =	shalt  }
0x44: {  	_ =	shalt  }
0x45: {  	_ =	shalt  }
0x46: {  	_ =	shalt  }
0x47: {  	_ =	shalt  }
0x48: {  	_ =	shalt  }
0x49: {  	_ =	shalt  }
0x4a: {  	_ =	shalt  }
0x4b: {  	_ =	shalt  }
0x4c: {  	_ =	shalt  }
0x4d: {  	_ =	shalt  }
0x4e: {  	_ =	shalt  }
0x4f: {  	_ =	shalt  }
0x50: {  	_ =	shalt  }
0x51: {  	_ =	shalt  }
0x52: {  	_ =	shalt  }
0x53: {  	_ =	shalt  }
0x54: {  	_ =	shalt  }
0x55: {  	_ =	shalt  }
0x56: {  	_ =	shalt  }
0x57: {  	_ =	shalt  }
0x58: {  	_ =	shalt  }
0x59: {  	_ =	shalt  }
0x5a: {  	_ =	shalt  }
0x5b: {  	_ =	shalt  }
0x5c: {  	_ =	shalt  }
0x5d: {  	_ =	shalt  }
0x5e: {  	_ =	shalt  }
0x5f: {  	_ =	shalt  }
0x60: {  	_ =	shalt  }
0x61: {  	_ =	shalt  }
0x62: {  	_ =	shalt  }
0x63: {  	_ =	shalt  }
0x64: {  	_ =	shalt  }
0x65: {  	_ =	shalt  }
0x66: {  	_ =	shalt  }
0x67: {  	_ =	shalt  }
0x68: {  	_ =	shalt  }
0x69: {  	_ =	shalt  }
0x6a: {  	_ =	shalt  }
0x6b: {  	_ =	shalt  }
0x6c: {  	_ =	shalt  }
0x6d: {  	_ =	shalt  }
0x6e: {  	_ =	shalt  }
0x6f: {  	_ =	shalt  }
0x70: {  	_ =	shalt  }
0x71: {  	_ =	shalt  }
0x72: {  	_ =	shalt  }
0x73: {  	_ =	shalt  }
0x74: {  	_ =	shalt  }
0x75: {  	_ =	shalt  }
0x76: {  	_ =	shalt  }
0x77: {  	_ =	shalt  }
0x78: {  	_ =	shalt  }
0x79: {  	_ =	shalt  }
0x7a: {  	_ =	shalt  }
0x7b: {  	_ =	shalt  }
0x7c: {  	_ =	shalt  }
0x7d: {  	_ =	shalt  }
0x7e: {  	_ =	shalt  }
0x7f: {  	_ =	shalt  }
0x80: {  	_ =	shalt  }
0x81: {  	_ =	shalt  }
0x82: {  	_ =	shalt  }
0x83: {  	_ =	shalt  }
0x84: {  	_ =	shalt  }
0x85: {  	_ =	shalt  }
0x86: {  	_ =	shalt  }
0x87: {  	_ =	shalt  }
.Lfunc_end0:
.L_simem_size_0:
called_computation.1_lowered:
.L_overlay_start_0:
0x88: {  	s2 =	sld [smem:$0x3FD9]  }
0x89: {  	s3 =	sld [smem:$0x3FFE];
	_ =	sdelay $0x1  }
0x8a: {  	s1 =	srdreg.scid  }
0x8b: {  	s0 =	sand.u32 $0x1, s1  }
0x8c: {  	s17 =	sshll.u32 s0, $0xA;
	s2 =	sadd.s32 s3, s2  }
0x8d: {  	s2 =	sadd.s32 s2, s17  }
0x8e: {  	[smem:$0x3FC6] =	sst s2  }
0x8f: {  	_ = 	snop  }
0x90: {  	s2 =	sld [smem:$0x3FD0];
	(tm) =	ssettm $0x1  }
0x91: {  	s18 =	sld [smem:$0x3FFB];
	_ =	sdelay $0x3  }
0x92: {  	_ =	strace s18  }
0x93: {  	s3 =	sld [smem:$0x3FFC];
	_ =	sdelay $0x3  }
0x94: {  	_ =	strace s3  }
0x95: {  	s3 =	sld [smem:$0x3FFD];
	_ =	sdelay $0x3  }
0x96: {  	_ =	strace s3  }
0x97: {  	_ =	strace $0x8FFFFFFF  }
0x98: {  	s19 =	sld [smem:$0x3FDB];
	_ =	sdelay $0x1  }
0x99: {  	s4 =	simm.s32 $_scs_section_size  }
0x9a: {  	s5 =	simm.s32 $_size__tile_overlayer_lowered;
	s6 =	simm.s32 $_tile_overlayer_lowered  }
0x9b: {  	s22 =	simm.s32 $0x1BFF;
	s21 =	sshll.u32 s6, $0x1;
	s3 =	sadd.s32 s4, s19  }
0x9c: {  	s7 =	simm.s32 $0x0;
	s20 =	sshll.u32 s5, $0x1;
	s5 =	sadd.s32 s21, s3  }
0x9d: {  	[timem:s7], [sflag:s22] =	dma.local [hbm:s5], s20  }
0x9e: {  	_ =	swait.ge [sflag:s22], s20  }
0x9f: {  	s4 =	ssub.s32 $0x0, s20;
	[sflag:s22] =	ssyncset.done $0x0  }
0xa0: {  	[sflag:s22] =	ssyncadd.s32 s4;
	_ =	sdelay $0x1  }
0xa1: {  	s23 =	simm.s32 $0x1B8B  }
0xa2: {  	_ =	swait.ge [sflag:s23], $0x1  }
0xa3: {  	[sflag:s23] =	ssyncset.done $0x0  }
0xa4: {  	s25 =	simm.s32 $0x1B8E;
	s24 =	sld [smem:$0x3FFE];
	[sflag:s23] =	ssyncadd.s32 $0xFFFFFFFF  }
0xa5: {  	s26 =	simm.s32 $execute0_lowered;
	[smem:$0x3FD2] =	sst s25  }
0xa6: {  	s5 =	sshll.u32 s26, $0x1;
	_ =	strace $0x80000046;
	[dreg:$0x1] =	wrdreg $0xFFFFFFFF  }
0xa7: {  	s28 =	simm.s32 $_size_execute0_lowered;
	s3 =	sadd.s32 s3, s5;
	[dreg:$0x0] =	wrdreg $0x0  }
0xa8: {  	s5 =	sshll.u32 s28, $0x1;
	[dreg:$0x2] =	wrdreg s3  }
0xa9: {  	[dreg:$0x3] =	wrdreg s5  }
0xaa: {  	[dreg:$0x4] =	wrdreg $0xC0  }
0xab: {  	_ =	task [dreg:s7], $0x5FFFF  }
0xac: {  	[dreg:$0x1] =	wrdreg $0xFFFFFFFF  }
0xad: {  	[dreg:$0x0] =	wrdreg $0x60  }
0xae: {  	[dreg:$0x2] =	wrdreg s2  }
0xaf: {  	[dreg:$0x3] =	wrdreg s24  }
0xb0: {  	[dreg:$0x4] =	wrdreg $0x9  }
0xb1: {  	_ =	task.clear_ibuf [dreg:s7], $0x5FFFF;
	_ =	strace $0x90000046  }
0xb2: {  	s29 =	simm.s32 $0x9;
	_ =	strace $0x80000048  }
0xb3: {  	_ =	swait.ge [sflag:s29], $0x1  }
0xb4: {  	[sflag:s29] =	ssyncadd.s32 $0xFFFFFFFF  }
0xb5: {  	_ =	strace $0x90000048  }
0xb6: {  	_ =	sfence  }
0xb7: {  	s30 =	sld [smem:$0x0];
	_ =	sdelay $0x2  }
0xb8: {  	s31 =	sshll.u32 s1, $0xD;
	s1 =	sshrl.u32 s1, $0x2  }
0xb9: {  	s3 =	sand.u32 $0x4000, s31;
	s1 =	sadd.s32 s1, s30  }
0xba: {  	s0 =	sor.u32 s3, s0;
	s1 =	sshll.u32 s1, $0x11  }
0xbb: {  	s0 =	sor.u32 s1, s0  }
0xbc: {  	s0 =	sadd.s32 $0x8F2B, s0  }
0xbd: {  	[sflag:s0] =	ssyncadd.remote.s32 $0x1  }
0xbe: {  	_ =	sfence.sel $0xFFFF  }
0xbf: {  	[dreg:$0x0] =	wrdreg $0xFFFFFFFF;
	(pc) =	sbr.abs _section_cstart, $3  }
0xc0: {  	[dreg:$0x1] =	wrdreg $0xFFFFFFFF  }
0xc1: {  	_ =	task.clear_ibuf [dreg:s7], $0x2FFFF;
	_ =	strace $0x9FFFFFFF  }
0xc2: {  	(tm) =	ssettm $0x7FFFFFFF  }
0xc3: {  	_ =	shalt  }
tec
execute0_lowered:
.L_overlay_start_1:
0x0: {  	(tag) =	ssettag $0x1  }
0x1: {  	s0 =	srdreg.scid  }
0x2: {  	s1 =	rddreg [dreg:$0x0];
	s3 =	stileid.u32  }
0x3: {  	s2 =	rddreg [dreg:$0x1];
	s5 =	simm.s32 $0x0;
	s23 =	simm.s32 $0x32  }
0x4: {  	s21 =	simm.s32 $0x1;
	s22 =	simm.s32 $0x20;
	s25 =	simm.s32 $0x80  }
0x5: {  	s28 =	simm.s32 $0x3;
	s30 =	simm.s32 $0x7000;
	s0 =	sand.u32 $0x1, s0  }
0x6: {  	s24 =	simm.s32 $0x4;
	s3 =	sshll.u32 s3, $0xA;
	s4 =	sshll.u32 s0, $0x9  }
0x7: {  	s29 =	simm.s32 $0x0;
	[smem:$0x7FF] =	sst s5;
	s4 =	sor.u32 s4, s3  }
0x8: {  	_ =	strace $0x80000047;
	s0 =	ssub.s32 $0x2, s0;
	s26 =	smul.u32 $0x7, s4  }
0x9: {  	s3 =	sadd.s32 $0xF42E00, s2;
	s7 =	sshrl.u32 s0, $0x1;
	s6 =	smul.u32 $0x1C00, s4  }
0xa: {  	s2 =	sadd.s32 $0xA00, s2;
	s4 =	smul.u32 $0x380, s4;
	s0 =	ssub.s32 s0, s7  }
0xb: {  	s0 =	smax.u32 s0, $0x1;
	s6 =	sshrl.u32 s6, $0x3;
	s1 =	sadd.s32 s1, s26  }
0xc: {  	s5 =	sadd.s32 s2, s4;
	[dreg:$0x4] =	wrdreg s0;
	s4 =	simm.s32 $0x1F9C0  }
0xd: {  	[dreg:$0x3] =	wrdreg s1;
	s31 =	sadd.s32 s2, s6;
	s6 =	sadd.s32 $0x7000, s5  }
0xe: {  	s7 =	sadd.s32 $0xE000, s5;
	s1 =	simm.s32 $0x2;
	s8 =	sadd.s32 $0x15000, s31  }
0xf: {  	s9 =	sadd.s32 $0x1C000, s31;
	s10 =	sadd.s32 $0x23000, s31;
	s11 =	sadd.s32 $0x2A000, s31  }
0x10: {  	s12 =	sadd.s32 $0x31000, s31;
	s13 =	sadd.s32 $0x38000, s31;
	s14 =	sadd.s32 $0x3F000, s31  }
0x11: {  	s15 =	sadd.s32 $0x46000, s31;
	s16 =	sadd.s32 $0x4D000, s31;
	s17 =	sadd.s32 $0x54000, s31  }
0x12: {  	s18 =	sadd.s32 $0x5B000, s31;
	s19 =	sadd.s32 $0x62000, s31;
	s20 =	sadd.s32 $0x69000, s31  }
.LBB2_1:
0x13: {  	s0 =	simm.s32 $0x0;
	s2 =	rddreg [dreg:$0x3];
	s26 =	simm.s32 $0x5  }
0x14: {  	[tilespmem:s0], [sflag:$0x5] =	stream.linear.gather [hbm4b:s2+s0], $0x7000, $0x38;
	v63 =	vld [tilespmem:$0x0]  }
0x15: {  	_ =	swait.ge [sflag:s26], $0x7000  }
0x16: {  	[sflag:s26] =	ssyncset.done $0x0  }
0x17: {  	[sflag:s26] =	ssyncadd.s32 $0xFFFF9000  }
0x18: {  	[tilespmem:s30], [sflag:$0x1] =	stream.indirect.gather [hbm4b:s3+s23], $0x20, s0, s23, $0xb8;
	v63 =	vld [tilespmem:$0x0]  }
0x19: {  	s2 =	simm.s32 $0x38;
	s26 =	simm.s32 $0x7640  }
0x1a: {  	[tilespmem:s26], [sflag:$0x1] =	stream.indirect.gather [hbm4b:s3+s23], $0x20, s2, s23, $0xb8;
	v63 =	vld [tilespmem:$0x0]  }
0x1b: {  	s2 =	simm.s32 $0x70;
	s26 =	simm.s32 $0x7C80  }
0x1c: {  	[tilespmem:s26], [sflag:$0x1] =	stream.indirect.gather [hbm4b:s3+s23], $0x20, s2, s23, $0xb8;
	v63 =	vld [tilespmem:$0x0]  }
0x1d: {  	s2 =	simm.s32 $0xA8;
	s26 =	simm.s32 $0x82C0  }
0x1e: {  	[tilespmem:s26], [sflag:$0x1] =	stream.indirect.gather [hbm4b:s3+s23], $0x20, s2, s23, $0xb8;
	v63 =	vld [tilespmem:$0x0]  }
0x1f: {  	s2 =	simm.s32 $0xE0;
	s26 =	simm.s32 $0x8900  }
0x20: {  	[tilespmem:s26], [sflag:$0x1] =	stream.indirect.gather [hbm4b:s3+s23], $0x20, s2, s23, $0xb8;
	v63 =	vld [tilespmem:$0x0]  }
0x21: {  	s2 =	simm.s32 $0x118;
	s26 =	simm.s32 $0x8F40  }
0x22: {  	[tilespmem:s26], [sflag:$0x1] =	stream.indirect.gather [hbm4b:s3+s23], $0x20, s2, s23, $0xb8;
	v63 =	vld [tilespmem:$0x0]  }
0x23: {  	s2 =	simm.s32 $0x150;
	s26 =	simm.s32 $0x9580  }
0x24: {  	[tilespmem:s26], [sflag:$0x1] =	stream.indirect.gather [hbm4b:s3+s23], $0x20, s2, s23, $0xb8;
	v63 =	vld [tilespmem:$0x0]  }
0x25: {  	s2 =	simm.s32 $0x188;
	s26 =	simm.s32 $0x9BC0  }
0x26: {  	[tilespmem:s26], [sflag:$0x1] =	stream.indirect.gather [hbm4b:s3+s23], $0x20, s2, s23, $0xb8;
	v63 =	vld [tilespmem:$0x0]  }
0x27: {  	s2 =	simm.s32 $0x1C0;
	s26 =	simm.s32 $0xA200  }
0x28: {  	[tilespmem:s26], [sflag:$0x1] =	stream.indirect.gather [hbm4b:s3+s23], $0x20, s2, s23, $0xb8;
	v63 =	vld [tilespmem:$0x0]  }
0x29: {  	s2 =	simm.s32 $0x1F8;
	s26 =	simm.s32 $0xA840  }
0x2a: {  	[tilespmem:s26], [sflag:$0x1] =	stream.indirect.gather [hbm4b:s3+s23], $0x20, s2, s23, $0xb8;
	v63 =	vld [tilespmem:$0x0]  }
0x2b: {  	s2 =	simm.s32 $0x230;
	s26 =	simm.s32 $0xAE80  }
0x2c: {  	[tilespmem:s26], [sflag:$0x1] =	stream.indirect.gather [hbm4b:s3+s23], $0x20, s2, s23, $0xb8;
	v63 =	vld [tilespmem:$0x0]  }
0x2d: {  	s2 =	simm.s32 $0x268;
	s26 =	simm.s32 $0xB4C0  }
0x2e: {  	[tilespmem:s26], [sflag:$0x1] =	stream.indirect.gather [hbm4b:s3+s23], $0x20, s2, s23, $0xb8;
	v63 =	vld [tilespmem:$0x0]  }
0x2f: {  	s2 =	simm.s32 $0x2A0;
	s26 =	simm.s32 $0xBB00  }
0x30: {  	[tilespmem:s26], [sflag:$0x1] =	stream.indirect.gather [hbm4b:s3+s23], $0x20, s2, s23, $0xb8;
	v63 =	vld [tilespmem:$0x0]  }
0x31: {  	s2 =	simm.s32 $0x2D8;
	s26 =	simm.s32 $0xC140  }
0x32: {  	[tilespmem:s26], [sflag:$0x1] =	stream.indirect.gather [hbm4b:s3+s23], $0x20, s2, s23, $0xb8;
	v63 =	vld [tilespmem:$0x0]  }
0x33: {  	s2 =	simm.s32 $0x310;
	s26 =	simm.s32 $0xC780  }
0x34: {  	[tilespmem:s26], [sflag:$0x1] =	stream.indirect.gather [hbm4b:s3+s23], $0x20, s2, s23, $0xb8;
	v63 =	vld [tilespmem:$0x0]  }
0x35: {  	s2 =	simm.s32 $0x348;
	s26 =	simm.s32 $0xCDC0  }
0x36: {  	[tilespmem:s26], [sflag:$0x1] =	stream.indirect.gather [hbm4b:s3+s23], $0x20, s2, s23, $0xb8;
	v63 =	vld [tilespmem:$0x0]  }
0x37: {  	s2 =	simm.s32 $0x380;
	s26 =	simm.s32 $0xD400  }
0x38: {  	[tilespmem:s26], [sflag:$0x1] =	stream.indirect.gather [hbm4b:s3+s23], $0x20, s2, s23, $0xb8;
	v63 =	vld [tilespmem:$0x0]  }
0x39: {  	s2 =	simm.s32 $0x3B8;
	s26 =	simm.s32 $0xDA40  }
0x3a: {  	[tilespmem:s26], [sflag:$0x1] =	stream.indirect.gather [hbm4b:s3+s23], $0x20, s2, s23, $0xb8;
	v63 =	vld [tilespmem:$0x0]  }
0x3b: {  	s2 =	simm.s32 $0x3F0;
	s26 =	simm.s32 $0xE080  }
0x3c: {  	[tilespmem:s26], [sflag:$0x1] =	stream.indirect.gather [hbm4b:s3+s23], $0x20, s2, s23, $0xb8;
	v63 =	vld [tilespmem:$0x0]  }
0x3d: {  	s2 =	simm.s32 $0x428;
	s26 =	simm.s32 $0xE6C0  }
0x3e: {  	[tilespmem:s26], [sflag:$0x1] =	stream.indirect.gather [hbm4b:s3+s23], $0x20, s2, s23, $0xb8;
	v63 =	vld [tilespmem:$0x0]  }
0x3f: {  	s2 =	simm.s32 $0x460;
	s26 =	simm.s32 $0xED00  }
0x40: {  	[tilespmem:s26], [sflag:$0x1] =	stream.indirect.gather [hbm4b:s3+s23], $0x20, s2, s23, $0xb8;
	v63 =	vld [tilespmem:$0x0]  }
0x41: {  	s2 =	simm.s32 $0x498;
	s26 =	simm.s32 $0xF340  }
0x42: {  	[tilespmem:s26], [sflag:$0x1] =	stream.indirect.gather [hbm4b:s3+s23], $0x20, s2, s23, $0xb8;
	v63 =	vld [tilespmem:$0x0]  }
0x43: {  	s2 =	simm.s32 $0x4D0;
	s26 =	simm.s32 $0xF980  }
0x44: {  	[tilespmem:s26], [sflag:$0x1] =	stream.indirect.gather [hbm4b:s3+s23], $0x20, s2, s23, $0xb8;
	v63 =	vld [tilespmem:$0x0]  }
0x45: {  	s2 =	simm.s32 $0x508;
	s26 =	simm.s32 $0xFFC0  }
0x46: {  	[tilespmem:s26], [sflag:$0x1] =	stream.indirect.gather [hbm4b:s3+s23], $0x20, s2, s23, $0xb8;
	v63 =	vld [tilespmem:$0x0]  }
0x47: {  	s2 =	simm.s32 $0x540;
	s26 =	simm.s32 $0x10600  }
0x48: {  	[tilespmem:s26], [sflag:$0x1] =	stream.indirect.gather [hbm4b:s3+s23], $0x20, s2, s23, $0xb8;
	v63 =	vld [tilespmem:$0x0]  }
0x49: {  	s2 =	simm.s32 $0x578;
	s26 =	simm.s32 $0x10C40  }
0x4a: {  	[tilespmem:s26], [sflag:$0x1] =	stream.indirect.gather [hbm4b:s3+s23], $0x20, s2, s23, $0xb8;
	v63 =	vld [tilespmem:$0x0]  }
0x4b: {  	s2 =	simm.s32 $0x5B0;
	s26 =	simm.s32 $0x11280  }
0x4c: {  	[tilespmem:s26], [sflag:$0x1] =	stream.indirect.gather [hbm4b:s3+s23], $0x20, s2, s23, $0xb8;
	v63 =	vld [tilespmem:$0x0]  }
0x4d: {  	s2 =	simm.s32 $0x5E8;
	s26 =	simm.s32 $0x118C0  }
0x4e: {  	[tilespmem:s26], [sflag:$0x1] =	stream.indirect.gather [hbm4b:s3+s23], $0x20, s2, s23, $0xb8;
	v63 =	vld [tilespmem:$0x0]  }
0x4f: {  	s2 =	simm.s32 $0x620;
	s26 =	simm.s32 $0x11F00  }
0x50: {  	[tilespmem:s26], [sflag:$0x1] =	stream.indirect.gather [hbm4b:s3+s23], $0x20, s2, s23, $0xb8;
	v63 =	vld [tilespmem:$0x0]  }
0x51: {  	s2 =	simm.s32 $0x658;
	s26 =	simm.s32 $0x12540  }
0x52: {  	[tilespmem:s26], [sflag:$0x1] =	stream.indirect.gather [hbm4b:s3+s23], $0x20, s2, s23, $0xb8;
	v63 =	vld [tilespmem:$0x0]  }
0x53: {  	s2 =	simm.s32 $0x690;
	s26 =	simm.s32 $0x12B80  }
0x54: {  	[tilespmem:s26], [sflag:$0x1] =	stream.indirect.gather [hbm4b:s3+s23], $0x20, s2, s23, $0xb8;
	v63 =	vld [tilespmem:$0x0]  }
0x55: {  	s2 =	simm.s32 $0x6C8;
	s26 =	simm.s32 $0x131C0  }
0x56: {  	[tilespmem:s26], [sflag:$0x1] =	stream.indirect.gather [hbm4b:s3+s23], $0x20, s2, s23, $0xb8;
	v63 =	vld [tilespmem:$0x0]  }
0x57: {  	s2 =	simm.s32 $0x700;
	s26 =	simm.s32 $0x13800  }
0x58: {  	[tilespmem:s26], [sflag:$0x2] =	stream.indirect.gather [hbm4b:s3+s23], $0x20, s2, s23, $0xb8;
	v63 =	vld [tilespmem:$0x0]  }
0x59: {  	s2 =	simm.s32 $0x738;
	s26 =	simm.s32 $0x13E40  }
0x5a: {  	[tilespmem:s26], [sflag:$0x2] =	stream.indirect.gather [hbm4b:s3+s23], $0x20, s2, s23, $0xb8;
	v63 =	vld [tilespmem:$0x0]  }
0x5b: {  	s2 =	simm.s32 $0x770;
	s26 =	simm.s32 $0x14480  }
0x5c: {  	[tilespmem:s26], [sflag:$0x2] =	stream.indirect.gather [hbm4b:s3+s23], $0x20, s2, s23, $0xb8;
	v63 =	vld [tilespmem:$0x0]  }
0x5d: {  	s2 =	simm.s32 $0x7A8;
	s26 =	simm.s32 $0x14AC0  }
0x5e: {  	[tilespmem:s26], [sflag:$0x2] =	stream.indirect.gather [hbm4b:s3+s23], $0x20, s2, s23, $0xb8;
	v63 =	vld [tilespmem:$0x0]  }
0x5f: {  	s2 =	simm.s32 $0x7E0;
	s26 =	simm.s32 $0x15100  }
0x60: {  	[tilespmem:s26], [sflag:$0x2] =	stream.indirect.gather [hbm4b:s3+s23], $0x20, s2, s23, $0xb8;
	v63 =	vld [tilespmem:$0x0]  }
0x61: {  	s2 =	simm.s32 $0x818;
	s26 =	simm.s32 $0x15740  }
0x62: {  	[tilespmem:s26], [sflag:$0x2] =	stream.indirect.gather [hbm4b:s3+s23], $0x20, s2, s23, $0xb8;
	v63 =	vld [tilespmem:$0x0]  }
0x63: {  	s2 =	simm.s32 $0x850;
	s26 =	simm.s32 $0x15D80  }
0x64: {  	[tilespmem:s26], [sflag:$0x2] =	stream.indirect.gather [hbm4b:s3+s23], $0x20, s2, s23, $0xb8;
	v63 =	vld [tilespmem:$0x0]  }
0x65: {  	s2 =	simm.s32 $0x888;
	s26 =	simm.s32 $0x163C0  }
0x66: {  	[tilespmem:s26], [sflag:$0x2] =	stream.indirect.gather [hbm4b:s3+s23], $0x20, s2, s23, $0xb8;
	v63 =	vld [tilespmem:$0x0]  }
0x67: {  	s2 =	simm.s32 $0x8C0;
	s26 =	simm.s32 $0x16A00  }
0x68: {  	[tilespmem:s26], [sflag:$0x2] =	stream.indirect.gather [hbm4b:s3+s23], $0x20, s2, s23, $0xb8;
	v63 =	vld [tilespmem:$0x0]  }
0x69: {  	s2 =	simm.s32 $0x8F8;
	s26 =	simm.s32 $0x17040  }
0x6a: {  	[tilespmem:s26], [sflag:$0x2] =	stream.indirect.gather [hbm4b:s3+s23], $0x20, s2, s23, $0xb8;
	v63 =	vld [tilespmem:$0x0]  }
0x6b: {  	s2 =	simm.s32 $0x930;
	s26 =	simm.s32 $0x17680  }
0x6c: {  	[tilespmem:s26], [sflag:$0x2] =	stream.indirect.gather [hbm4b:s3+s23], $0x20, s2, s23, $0xb8;
	v63 =	vld [tilespmem:$0x0]  }
0x6d: {  	s2 =	simm.s32 $0x968;
	s26 =	simm.s32 $0x17CC0  }
0x6e: {  	[tilespmem:s26], [sflag:$0x2] =	stream.indirect.gather [hbm4b:s3+s23], $0x20, s2, s23, $0xb8;
	v63 =	vld [tilespmem:$0x0]  }
0x6f: {  	s2 =	simm.s32 $0x9A0;
	s26 =	simm.s32 $0x18300  }
0x70: {  	[tilespmem:s26], [sflag:$0x2] =	stream.indirect.gather [hbm4b:s3+s23], $0x20, s2, s23, $0xb8;
	v63 =	vld [tilespmem:$0x0]  }
0x71: {  	s2 =	simm.s32 $0x9D8;
	s26 =	simm.s32 $0x18940  }
0x72: {  	[tilespmem:s26], [sflag:$0x2] =	stream.indirect.gather [hbm4b:s3+s23], $0x20, s2, s23, $0xb8;
	v63 =	vld [tilespmem:$0x0]  }
0x73: {  	s2 =	simm.s32 $0xA10;
	s26 =	simm.s32 $0x18F80  }
0x74: {  	[tilespmem:s26], [sflag:$0x2] =	stream.indirect.gather [hbm4b:s3+s23], $0x20, s2, s23, $0xb8;
	v63 =	vld [tilespmem:$0x0]  }
0x75: {  	s2 =	simm.s32 $0xA48;
	s26 =	simm.s32 $0x195C0  }
0x76: {  	[tilespmem:s26], [sflag:$0x2] =	stream.indirect.gather [hbm4b:s3+s23], $0x20, s2, s23, $0xb8;
	v63 =	vld [tilespmem:$0x0]  }
0x77: {  	s2 =	simm.s32 $0xA80;
	s26 =	simm.s32 $0x19C00  }
0x78: {  	[tilespmem:s26], [sflag:$0x2] =	stream.indirect.gather [hbm4b:s3+s23], $0x20, s2, s23, $0xb8;
	v63 =	vld [tilespmem:$0x0]  }
0x79: {  	s2 =	simm.s32 $0xAB8;
	s26 =	simm.s32 $0x1A240  }
0x7a: {  	[tilespmem:s26], [sflag:$0x2] =	stream.indirect.gather [hbm4b:s3+s23], $0x20, s2, s23, $0xb8;
	v63 =	vld [tilespmem:$0x0]  }
0x7b: {  	s2 =	simm.s32 $0xAF0;
	s26 =	simm.s32 $0x1A880  }
0x7c: {  	[tilespmem:s26], [sflag:$0x2] =	stream.indirect.gather [hbm4b:s3+s23], $0x20, s2, s23, $0xb8;
	v63 =	vld [tilespmem:$0x0]  }
0x7d: {  	s2 =	simm.s32 $0xB28;
	s26 =	simm.s32 $0x1AEC0  }
0x7e: {  	[tilespmem:s26], [sflag:$0x2] =	stream.indirect.gather [hbm4b:s3+s23], $0x20, s2, s23, $0xb8;
	v63 =	vld [tilespmem:$0x0]  }
0x7f: {  	s2 =	simm.s32 $0xB60;
	s26 =	simm.s32 $0x1B500  }
0x80: {  	[tilespmem:s26], [sflag:$0x2] =	stream.indirect.gather [hbm4b:s3+s23], $0x20, s2, s23, $0xb8;
	v63 =	vld [tilespmem:$0x0]  }
0x81: {  	s2 =	simm.s32 $0xB98;
	s26 =	simm.s32 $0x1BB40  }
0x82: {  	[tilespmem:s26], [sflag:$0x2] =	stream.indirect.gather [hbm4b:s3+s23], $0x20, s2, s23, $0xb8;
	v63 =	vld [tilespmem:$0x0]  }
0x83: {  	s2 =	simm.s32 $0xBD0;
	s26 =	simm.s32 $0x1C180  }
0x84: {  	[tilespmem:s26], [sflag:$0x2] =	stream.indirect.gather [hbm4b:s3+s23], $0x20, s2, s23, $0xb8;
	v63 =	vld [tilespmem:$0x0]  }
0x85: {  	s2 =	simm.s32 $0xC08;
	s26 =	simm.s32 $0x1C7C0  }
0x86: {  	[tilespmem:s26], [sflag:$0x2] =	stream.indirect.gather [hbm4b:s3+s23], $0x20, s2, s23, $0xb8;
	v63 =	vld [tilespmem:$0x0]  }
0x87: {  	s2 =	simm.s32 $0xC40;
	s26 =	simm.s32 $0x1CE00  }
0x88: {  	[tilespmem:s26], [sflag:$0x2] =	stream.indirect.gather [hbm4b:s3+s23], $0x20, s2, s23, $0xb8;
	v63 =	vld [tilespmem:$0x0]  }
0x89: {  	s2 =	simm.s32 $0xC78;
	s26 =	simm.s32 $0x1D440  }
0x8a: {  	[tilespmem:s26], [sflag:$0x2] =	stream.indirect.gather [hbm4b:s3+s23], $0x20, s2, s23, $0xb8;
	v63 =	vld [tilespmem:$0x0]  }
0x8b: {  	s2 =	simm.s32 $0xCB0;
	s26 =	simm.s32 $0x1DA80  }
0x8c: {  	[tilespmem:s26], [sflag:$0x2] =	stream.indirect.gather [hbm4b:s3+s23], $0x20, s2, s23, $0xb8;
	v63 =	vld [tilespmem:$0x0]  }
0x8d: {  	s2 =	simm.s32 $0xCE8;
	s26 =	simm.s32 $0x1E0C0  }
0x8e: {  	[tilespmem:s26], [sflag:$0x2] =	stream.indirect.gather [hbm4b:s3+s23], $0x20, s2, s23, $0xb8;
	v63 =	vld [tilespmem:$0x0]  }
0x8f: {  	s2 =	simm.s32 $0xD20;
	s26 =	simm.s32 $0x1E700  }
0x90: {  	[tilespmem:s26], [sflag:$0x2] =	stream.indirect.gather [hbm4b:s3+s23], $0x20, s2, s23, $0xb8;
	v63 =	vld [tilespmem:$0x0]  }
0x91: {  	s2 =	simm.s32 $0xD58;
	s26 =	simm.s32 $0x1ED40  }
0x92: {  	[tilespmem:s26], [sflag:$0x2] =	stream.indirect.gather [hbm4b:s3+s23], $0x20, s2, s23, $0xb8;
	v63 =	vld [tilespmem:$0x0]  }
0x93: {  	s2 =	simm.s32 $0xD90;
	s26 =	simm.s32 $0x1F380  }
0x94: {  	[tilespmem:s26], [sflag:$0x2] =	stream.indirect.gather [hbm4b:s3+s23], $0x20, s2, s23, $0xb8;
	v63 =	vld [tilespmem:$0x0]  }
0x95: {  	s26 =	simm.s32 $0xDC8  }
0x96: {  	[tilespmem:s4], [sflag:$0x2] =	stream.indirect.gather [hbm4b:s3+s23], $0x20, s26, s23, $0xb8;
	v63 =	vld [tilespmem:$0x0]  }
0x97: {  	_ =	swait.ge [sflag:s21], $0x640  }
0x98: {  	[sflag:s21] =	ssyncset.done $0x0  }
0x99: {  	[sflag:s21] =	ssyncadd.s32 $0xFFFFF9C0  }
0x9a: {  	_ =	swait.ge [sflag:s21], $0x640  }
0x9b: {  	[sflag:s21] =	ssyncset.done $0x0  }
0x9c: {  	[sflag:s21] =	ssyncadd.s32 $0xFFFFF9C0  }
0x9d: {  	_ =	swait.ge [sflag:s21], $0x640  }
0x9e: {  	[sflag:s21] =	ssyncset.done $0x0  }
0x9f: {  	[sflag:s21] =	ssyncadd.s32 $0xFFFFF9C0  }
0xa0: {  	_ =	swait.ge [sflag:s21], $0x640  }
0xa1: {  	[sflag:s21] =	ssyncset.done $0x0  }
0xa2: {  	[sflag:s21] =	ssyncadd.s32 $0xFFFFF9C0  }
0xa3: {  	_ =	swait.ge [sflag:s21], $0x640  }
0xa4: {  	[sflag:s21] =	ssyncset.done $0x0  }
0xa5: {  	[sflag:s21] =	ssyncadd.s32 $0xFFFFF9C0  }
0xa6: {  	_ =	swait.ge [sflag:s21], $0x640  }
0xa7: {  	[sflag:s21] =	ssyncset.done $0x0  }
0xa8: {  	[sflag:s21] =	ssyncadd.s32 $0xFFFFF9C0  }
0xa9: {  	_ =	swait.ge [sflag:s21], $0x640  }
0xaa: {  	[sflag:s21] =	ssyncset.done $0x0  }
0xab: {  	[sflag:s21] =	ssyncadd.s32 $0xFFFFF9C0  }
0xac: {  	_ =	swait.ge [sflag:s21], $0x640  }
0xad: {  	[sflag:s21] =	ssyncset.done $0x0  }
0xae: {  	[sflag:s21] =	ssyncadd.s32 $0xFFFFF9C0  }
0xaf: {  	_ =	swait.ge [sflag:s21], $0x640  }
0xb0: {  	[sflag:s21] =	ssyncset.done $0x0  }
0xb1: {  	[sflag:s21] =	ssyncadd.s32 $0xFFFFF9C0  }
0xb2: {  	_ =	swait.ge [sflag:s21], $0x640  }
0xb3: {  	[sflag:s21] =	ssyncset.done $0x0  }
0xb4: {  	[sflag:s21] =	ssyncadd.s32 $0xFFFFF9C0  }
0xb5: {  	_ =	swait.ge [sflag:s21], $0x640  }
0xb6: {  	[sflag:s21] =	ssyncset.done $0x0  }
0xb7: {  	[sflag:s21] =	ssyncadd.s32 $0xFFFFF9C0  }
0xb8: {  	_ =	swait.ge [sflag:s21], $0x640  }
0xb9: {  	[sflag:s21] =	ssyncset.done $0x0  }
0xba: {  	[sflag:s21] =	ssyncadd.s32 $0xFFFFF9C0  }
0xbb: {  	_ =	swait.ge [sflag:s21], $0x640  }
0xbc: {  	[sflag:s21] =	ssyncset.done $0x0  }
0xbd: {  	[sflag:s21] =	ssyncadd.s32 $0xFFFFF9C0  }
0xbe: {  	_ =	swait.ge [sflag:s21], $0x640  }
0xbf: {  	[sflag:s21] =	ssyncset.done $0x0  }
0xc0: {  	[sflag:s21] =	ssyncadd.s32 $0xFFFFF9C0  }
0xc1: {  	_ =	swait.ge [sflag:s21], $0x640  }
0xc2: {  	[sflag:s21] =	ssyncset.done $0x0  }
0xc3: {  	[sflag:s21] =	ssyncadd.s32 $0xFFFFF9C0  }
0xc4: {  	_ =	swait.ge [sflag:s21], $0x640  }
0xc5: {  	[sflag:s21] =	ssyncset.done $0x0  }
0xc6: {  	[sflag:s21] =	ssyncadd.s32 $0xFFFFF9C0  }
0xc7: {  	_ =	swait.ge [sflag:s21], $0x640  }
0xc8: {  	[sflag:s21] =	ssyncset.done $0x0  }
0xc9: {  	[sflag:s21] =	ssyncadd.s32 $0xFFFFF9C0  }
0xca: {  	_ =	swait.ge [sflag:s21], $0x640  }
0xcb: {  	[sflag:s21] =	ssyncset.done $0x0  }
0xcc: {  	[sflag:s21] =	ssyncadd.s32 $0xFFFFF9C0  }
0xcd: {  	_ =	swait.ge [sflag:s21], $0x640  }
0xce: {  	[sflag:s21] =	ssyncset.done $0x0  }
0xcf: {  	[sflag:s21] =	ssyncadd.s32 $0xFFFFF9C0  }
0xd0: {  	_ =	swait.ge [sflag:s21], $0x640  }
0xd1: {  	[sflag:s21] =	ssyncset.done $0x0  }
0xd2: {  	[sflag:s21] =	ssyncadd.s32 $0xFFFFF9C0  }
0xd3: {  	_ =	swait.ge [sflag:s21], $0x640  }
0xd4: {  	[sflag:s21] =	ssyncset.done $0x0  }
0xd5: {  	[sflag:s21] =	ssyncadd.s32 $0xFFFFF9C0  }
0xd6: {  	_ =	swait.ge [sflag:s21], $0x640  }
0xd7: {  	[sflag:s21] =	ssyncset.done $0x0  }
0xd8: {  	[sflag:s21] =	ssyncadd.s32 $0xFFFFF9C0  }
0xd9: {  	_ =	swait.ge [sflag:s21], $0x640  }
0xda: {  	[sflag:s21] =	ssyncset.done $0x0  }
0xdb: {  	[sflag:s21] =	ssyncadd.s32 $0xFFFFF9C0  }
0xdc: {  	_ =	swait.ge [sflag:s21], $0x640  }
0xdd: {  	[sflag:s21] =	ssyncset.done $0x0  }
0xde: {  	[sflag:s21] =	ssyncadd.s32 $0xFFFFF9C0  }
0xdf: {  	_ =	swait.ge [sflag:s21], $0x640  }
0xe0: {  	[sflag:s21] =	ssyncset.done $0x0  }
0xe1: {  	[sflag:s21] =	ssyncadd.s32 $0xFFFFF9C0  }
0xe2: {  	_ =	swait.ge [sflag:s21], $0x640  }
0xe3: {  	[sflag:s21] =	ssyncset.done $0x0  }
0xe4: {  	[sflag:s21] =	ssyncadd.s32 $0xFFFFF9C0  }
0xe5: {  	_ =	swait.ge [sflag:s21], $0x640  }
0xe6: {  	[sflag:s21] =	ssyncset.done $0x0  }
0xe7: {  	[sflag:s21] =	ssyncadd.s32 $0xFFFFF9C0  }
0xe8: {  	_ =	swait.ge [sflag:s21], $0x640  }
0xe9: {  	[sflag:s21] =	ssyncset.done $0x0  }
0xea: {  	[sflag:s21] =	ssyncadd.s32 $0xFFFFF9C0  }
0xeb: {  	_ =	swait.ge [sflag:s21], $0x640  }
0xec: {  	[sflag:s21] =	ssyncset.done $0x0  }
0xed: {  	[sflag:s21] =	ssyncadd.s32 $0xFFFFF9C0  }
0xee: {  	_ =	swait.ge [sflag:s21], $0x640  }
0xef: {  	[sflag:s21] =	ssyncset.done $0x0  }
0xf0: {  	[sflag:s21] =	ssyncadd.s32 $0xFFFFF9C0  }
0xf1: {  	_ =	swait.ge [sflag:s21], $0x640  }
0xf2: {  	[sflag:s21] =	ssyncset.done $0x0  }
0xf3: {  	[sflag:s21] =	ssyncadd.s32 $0xFFFFF9C0  }
0xf4: {  	_ =	swait.ge [sflag:s21], $0x640  }
0xf5: {  	s31 =	simm.s32 $0x7640;
	s0 =	simm.s32 $0x380;
	[sflag:s21] =	ssyncset.done $0x0  }
0xf6: {  	s2 =	sadd.s32 $0x0, s5;
	s26 =	simm.s32 $0x7000;
	[sflag:s21] =	ssyncadd.s32 $0xFFFFF9C0  }
.LBB2_2:
0xf7: {  	[hbm4b:s2+s22] =	stream.strided.scatter [tilespmem:s26], [sflag:$0x3], $0x640, s25, s22, $0x38;
	v63 =	vld [tilespmem:$0x0]  }
0xf8: {  	s2 =	smov.u32 s0;
	s26 =	smov.u32 s31;
	p0 =	sne.s32 s0, $0x6C80  }
.Ltmp0:
0xf9: {  	s0 =	sadd.s32 $0x380, s0;
	(pc) =	sbr.rel @p0 .LBB2_2-.Ltmp0, $2  }
0xfa: {  	_ =	sdelay $0x2  }
0xfb: {  	s31 =	sadd.s32 $0x640, s31;
	s2 =	sadd.s32 s2, s5  }
0xfc: {  	[hbm4b:s2+s22] =	stream.strided.scatter [tilespmem:s26], [sflag:$0x3], $0x640, s25, s22, $0x38;
	v63 =	vld [tilespmem:$0x0]  }
0xfd: {  	_ =	swait.ge [sflag:s28], $0xC800  }
0xfe: {  	[sflag:s28] =	ssyncset.done $0x0  }
0xff: {  	s0 =	simm.s32 $0xE00;
	[sflag:s28] =	ssyncadd.s32 $0xFFFF3800  }
0x100: {  	[tilespmem:s30], [sflag:$0x1] =	stream.indirect.gather [hbm4b:s3+s23], $0x20, s0, s23, $0xb8;
	v63 =	vld [tilespmem:$0x0]  }
0x101: {  	s2 =	simm.s32 $0x7640;
	s26 =	simm.s32 $0xE38  }
0x102: {  	[tilespmem:s2], [sflag:$0x1] =	stream.indirect.gather [hbm4b:s3+s23], $0x20, s26, s23, $0xb8;
	v63 =	vld [tilespmem:$0x0]  }
0x103: {  	s2 =	simm.s32 $0x7C80;
	s26 =	simm.s32 $0xE70  }
0x104: {  	[tilespmem:s2], [sflag:$0x1] =	stream.indirect.gather [hbm4b:s3+s23], $0x20, s26, s23, $0xb8;
	v63 =	vld [tilespmem:$0x0]  }
0x105: {  	s2 =	simm.s32 $0x82C0;
	s26 =	simm.s32 $0xEA8  }
0x106: {  	[tilespmem:s2], [sflag:$0x1] =	stream.indirect.gather [hbm4b:s3+s23], $0x20, s26, s23, $0xb8;
	v63 =	vld [tilespmem:$0x0]  }
0x107: {  	s2 =	simm.s32 $0x8900;
	s26 =	simm.s32 $0xEE0  }
0x108: {  	[tilespmem:s2], [sflag:$0x1] =	stream.indirect.gather [hbm4b:s3+s23], $0x20, s26, s23, $0xb8;
	v63 =	vld [tilespmem:$0x0]  }
0x109: {  	s2 =	simm.s32 $0x8F40;
	s26 =	simm.s32 $0xF18  }
0x10a: {  	[tilespmem:s2], [sflag:$0x1] =	stream.indirect.gather [hbm4b:s3+s23], $0x20, s26, s23, $0xb8;
	v63 =	vld [tilespmem:$0x0]  }
0x10b: {  	s2 =	simm.s32 $0x9580;
	s26 =	simm.s32 $0xF50  }
0x10c: {  	[tilespmem:s2], [sflag:$0x1] =	stream.indirect.gather [hbm4b:s3+s23], $0x20, s26, s23, $0xb8;
	v63 =	vld [tilespmem:$0x0]  }
0x10d: {  	s2 =	simm.s32 $0x9BC0;
	s26 =	simm.s32 $0xF88  }
0x10e: {  	[tilespmem:s2], [sflag:$0x1] =	stream.indirect.gather [hbm4b:s3+s23], $0x20, s26, s23, $0xb8;
	v63 =	vld [tilespmem:$0x0]  }
0x10f: {  	s2 =	simm.s32 $0xA200;
	s26 =	simm.s32 $0xFC0  }
0x110: {  	[tilespmem:s2], [sflag:$0x1] =	stream.indirect.gather [hbm4b:s3+s23], $0x20, s26, s23, $0xb8;
	v63 =	vld [tilespmem:$0x0]  }
0x111: {  	s2 =	simm.s32 $0xA840;
	s26 =	simm.s32 $0xFF8  }
0x112: {  	[tilespmem:s2], [sflag:$0x1] =	stream.indirect.gather [hbm4b:s3+s23], $0x20, s26, s23, $0xb8;
	v63 =	vld [tilespmem:$0x0]  }
0x113: {  	s2 =	simm.s32 $0xAE80;
	s26 =	simm.s32 $0x1030  }
0x114: {  	[tilespmem:s2], [sflag:$0x1] =	stream.indirect.gather [hbm4b:s3+s23], $0x20, s26, s23, $0xb8;
	v63 =	vld [tilespmem:$0x0]  }
0x115: {  	s2 =	simm.s32 $0xB4C0;
	s26 =	simm.s32 $0x1068  }
0x116: {  	[tilespmem:s2], [sflag:$0x1] =	stream.indirect.gather [hbm4b:s3+s23], $0x20, s26, s23, $0xb8;
	v63 =	vld [tilespmem:$0x0]  }
0x117: {  	s2 =	simm.s32 $0xBB00;
	s26 =	simm.s32 $0x10A0  }
0x118: {  	[tilespmem:s2], [sflag:$0x1] =	stream.indirect.gather [hbm4b:s3+s23], $0x20, s26, s23, $0xb8;
	v63 =	vld [tilespmem:$0x0]  }
0x119: {  	s2 =	simm.s32 $0xC140;
	s26 =	simm.s32 $0x10D8  }
0x11a: {  	[tilespmem:s2], [sflag:$0x1] =	stream.indirect.gather [hbm4b:s3+s23], $0x20, s26, s23, $0xb8;
	v63 =	vld [tilespmem:$0x0]  }
0x11b: {  	s2 =	simm.s32 $0xC780;
	s26 =	simm.s32 $0x1110  }
0x11c: {  	[tilespmem:s2], [sflag:$0x1] =	stream.indirect.gather [hbm4b:s3+s23], $0x20, s26, s23, $0xb8;
	v63 =	vld [tilespmem:$0x0]  }
0x11d: {  	s2 =	simm.s32 $0xCDC0;
	s26 =	simm.s32 $0x1148  }
0x11e: {  	[tilespmem:s2], [sflag:$0x1] =	stream.indirect.gather [hbm4b:s3+s23], $0x20, s26, s23, $0xb8;
	v63 =	vld [tilespmem:$0x0]  }
0x11f: {  	s2 =	simm.s32 $0xD400;
	s26 =	simm.s32 $0x1180  }
0x120: {  	[tilespmem:s2], [sflag:$0x1] =	stream.indirect.gather [hbm4b:s3+s23], $0x20, s26, s23, $0xb8;
	v63 =	vld [tilespmem:$0x0]  }
0x121: {  	s2 =	simm.s32 $0xDA40;
	s26 =	simm.s32 $0x11B8  }
0x122: {  	[tilespmem:s2], [sflag:$0x1] =	stream.indirect.gather [hbm4b:s3+s23], $0x20, s26, s23, $0xb8;
	v63 =	vld [tilespmem:$0x0]  }
0x123: {  	s2 =	simm.s32 $0xE080;
	s26 =	simm.s32 $0x11F0  }
0x124: {  	[tilespmem:s2], [sflag:$0x1] =	stream.indirect.gather [hbm4b:s3+s23], $0x20, s26, s23, $0xb8;
	v63 =	vld [tilespmem:$0x0]  }
0x125: {  	s2 =	simm.s32 $0xE6C0;
	s26 =	simm.s32 $0x1228  }
0x126: {  	[tilespmem:s2], [sflag:$0x1] =	stream.indirect.gather [hbm4b:s3+s23], $0x20, s26, s23, $0xb8;
	v63 =	vld [tilespmem:$0x0]  }
0x127: {  	s2 =	simm.s32 $0xED00;
	s26 =	simm.s32 $0x1260  }
0x128: {  	[tilespmem:s2], [sflag:$0x1] =	stream.indirect.gather [hbm4b:s3+s23], $0x20, s26, s23, $0xb8;
	v63 =	vld [tilespmem:$0x0]  }
0x129: {  	s2 =	simm.s32 $0xF340;
	s26 =	simm.s32 $0x1298  }
0x12a: {  	[tilespmem:s2], [sflag:$0x1] =	stream.indirect.gather [hbm4b:s3+s23], $0x20, s26, s23, $0xb8;
	v63 =	vld [tilespmem:$0x0]  }
0x12b: {  	s2 =	simm.s32 $0xF980;
	s26 =	simm.s32 $0x12D0  }
0x12c: {  	[tilespmem:s2], [sflag:$0x1] =	stream.indirect.gather [hbm4b:s3+s23], $0x20, s26, s23, $0xb8;
	v63 =	vld [tilespmem:$0x0]  }
0x12d: {  	s2 =	simm.s32 $0xFFC0;
	s26 =	simm.s32 $0x1308  }
0x12e: {  	[tilespmem:s2], [sflag:$0x1] =	stream.indirect.gather [hbm4b:s3+s23], $0x20, s26, s23, $0xb8;
	v63 =	vld [tilespmem:$0x0]  }
0x12f: {  	s2 =	simm.s32 $0x10600;
	s26 =	simm.s32 $0x1340  }
0x130: {  	[tilespmem:s2], [sflag:$0x1] =	stream.indirect.gather [hbm4b:s3+s23], $0x20, s26, s23, $0xb8;
	v63 =	vld [tilespmem:$0x0]  }
0x131: {  	s2 =	simm.s32 $0x10C40;
	s26 =	simm.s32 $0x1378  }
0x132: {  	[tilespmem:s2], [sflag:$0x1] =	stream.indirect.gather [hbm4b:s3+s23], $0x20, s26, s23, $0xb8;
	v63 =	vld [tilespmem:$0x0]  }
0x133: {  	s2 =	simm.s32 $0x11280;
	s26 =	simm.s32 $0x13B0  }
0x134: {  	[tilespmem:s2], [sflag:$0x1] =	stream.indirect.gather [hbm4b:s3+s23], $0x20, s26, s23, $0xb8;
	v63 =	vld [tilespmem:$0x0]  }
0x135: {  	s2 =	simm.s32 $0x118C0;
	s26 =	simm.s32 $0x13E8  }
0x136: {  	[tilespmem:s2], [sflag:$0x1] =	stream.indirect.gather [hbm4b:s3+s23], $0x20, s26, s23, $0xb8;
	v63 =	vld [tilespmem:$0x0]  }
0x137: {  	s2 =	simm.s32 $0x11F00;
	s26 =	simm.s32 $0x1420  }
0x138: {  	[tilespmem:s2], [sflag:$0x1] =	stream.indirect.gather [hbm4b:s3+s23], $0x20, s26, s23, $0xb8;
	v63 =	vld [tilespmem:$0x0]  }
0x139: {  	s2 =	simm.s32 $0x12540;
	s26 =	simm.s32 $0x1458  }
0x13a: {  	[tilespmem:s2], [sflag:$0x1] =	stream.indirect.gather [hbm4b:s3+s23], $0x20, s26, s23, $0xb8;
	v63 =	vld [tilespmem:$0x0]  }
0x13b: {  	s2 =	simm.s32 $0x12B80;
	s26 =	simm.s32 $0x1490  }
0x13c: {  	[tilespmem:s2], [sflag:$0x1] =	stream.indirect.gather [hbm4b:s3+s23], $0x20, s26, s23, $0xb8;
	v63 =	vld [tilespmem:$0x0]  }
0x13d: {  	s2 =	simm.s32 $0x131C0;
	s26 =	simm.s32 $0x14C8  }
0x13e: {  	[tilespmem:s2], [sflag:$0x1] =	stream.indirect.gather [hbm4b:s3+s23], $0x20, s26, s23, $0xb8;
	v63 =	vld [tilespmem:$0x0]  }
0x13f: {  	_ =	swait.ge [sflag:s1], $0x640  }
0x140: {  	[sflag:s1] =	ssyncset.done $0x0  }
0x141: {  	[sflag:s1] =	ssyncadd.s32 $0xFFFFF9C0  }
0x142: {  	_ =	swait.ge [sflag:s1], $0x640  }
0x143: {  	[sflag:s1] =	ssyncset.done $0x0  }
0x144: {  	[sflag:s1] =	ssyncadd.s32 $0xFFFFF9C0  }
0x145: {  	_ =	swait.ge [sflag:s1], $0x640  }
0x146: {  	[sflag:s1] =	ssyncset.done $0x0  }
0x147: {  	[sflag:s1] =	ssyncadd.s32 $0xFFFFF9C0  }
0x148: {  	_ =	swait.ge [sflag:s1], $0x640  }
0x149: {  	[sflag:s1] =	ssyncset.done $0x0  }
0x14a: {  	[sflag:s1] =	ssyncadd.s32 $0xFFFFF9C0  }
0x14b: {  	_ =	swait.ge [sflag:s1], $0x640  }
0x14c: {  	[sflag:s1] =	ssyncset.done $0x0  }
0x14d: {  	[sflag:s1] =	ssyncadd.s32 $0xFFFFF9C0  }
0x14e: {  	_ =	swait.ge [sflag:s1], $0x640  }
0x14f: {  	[sflag:s1] =	ssyncset.done $0x0  }
0x150: {  	[sflag:s1] =	ssyncadd.s32 $0xFFFFF9C0  }
0x151: {  	_ =	swait.ge [sflag:s1], $0x640  }
0x152: {  	[sflag:s1] =	ssyncset.done $0x0  }
0x153: {  	[sflag:s1] =	ssyncadd.s32 $0xFFFFF9C0  }
0x154: {  	_ =	swait.ge [sflag:s1], $0x640  }
0x155: {  	[sflag:s1] =	ssyncset.done $0x0  }
0x156: {  	[sflag:s1] =	ssyncadd.s32 $0xFFFFF9C0  }
0x157: {  	_ =	swait.ge [sflag:s1], $0x640  }
0x158: {  	[sflag:s1] =	ssyncset.done $0x0  }
0x159: {  	[sflag:s1] =	ssyncadd.s32 $0xFFFFF9C0  }
0x15a: {  	_ =	swait.ge [sflag:s1], $0x640  }
0x15b: {  	[sflag:s1] =	ssyncset.done $0x0  }
0x15c: {  	[sflag:s1] =	ssyncadd.s32 $0xFFFFF9C0  }
0x15d: {  	_ =	swait.ge [sflag:s1], $0x640  }
0x15e: {  	[sflag:s1] =	ssyncset.done $0x0  }
0x15f: {  	[sflag:s1] =	ssyncadd.s32 $0xFFFFF9C0  }
0x160: {  	_ =	swait.ge [sflag:s1], $0x640  }
0x161: {  	[sflag:s1] =	ssyncset.done $0x0  }
0x162: {  	[sflag:s1] =	ssyncadd.s32 $0xFFFFF9C0  }
0x163: {  	_ =	swait.ge [sflag:s1], $0x640  }
0x164: {  	[sflag:s1] =	ssyncset.done $0x0  }
0x165: {  	[sflag:s1] =	ssyncadd.s32 $0xFFFFF9C0  }
0x166: {  	_ =	swait.ge [sflag:s1], $0x640  }
0x167: {  	[sflag:s1] =	ssyncset.done $0x0  }
0x168: {  	[sflag:s1] =	ssyncadd.s32 $0xFFFFF9C0  }
0x169: {  	_ =	swait.ge [sflag:s1], $0x640  }
0x16a: {  	[sflag:s1] =	ssyncset.done $0x0  }
0x16b: {  	[sflag:s1] =	ssyncadd.s32 $0xFFFFF9C0  }
0x16c: {  	_ =	swait.ge [sflag:s1], $0x640  }
0x16d: {  	[sflag:s1] =	ssyncset.done $0x0  }
0x16e: {  	[sflag:s1] =	ssyncadd.s32 $0xFFFFF9C0  }
0x16f: {  	_ =	swait.ge [sflag:s1], $0x640  }
0x170: {  	[sflag:s1] =	ssyncset.done $0x0  }
0x171: {  	[sflag:s1] =	ssyncadd.s32 $0xFFFFF9C0  }
0x172: {  	_ =	swait.ge [sflag:s1], $0x640  }
0x173: {  	[sflag:s1] =	ssyncset.done $0x0  }
0x174: {  	[sflag:s1] =	ssyncadd.s32 $0xFFFFF9C0  }
0x175: {  	_ =	swait.ge [sflag:s1], $0x640  }
0x176: {  	[sflag:s1] =	ssyncset.done $0x0  }
0x177: {  	[sflag:s1] =	ssyncadd.s32 $0xFFFFF9C0  }
0x178: {  	_ =	swait.ge [sflag:s1], $0x640  }
0x179: {  	[sflag:s1] =	ssyncset.done $0x0  }
0x17a: {  	[sflag:s1] =	ssyncadd.s32 $0xFFFFF9C0  }
0x17b: {  	_ =	swait.ge [sflag:s1], $0x640  }
0x17c: {  	[sflag:s1] =	ssyncset.done $0x0  }
0x17d: {  	[sflag:s1] =	ssyncadd.s32 $0xFFFFF9C0  }
0x17e: {  	_ =	swait.ge [sflag:s1], $0x640  }
0x17f: {  	[sflag:s1] =	ssyncset.done $0x0  }
0x180: {  	[sflag:s1] =	ssyncadd.s32 $0xFFFFF9C0  }
0x181: {  	_ =	swait.ge [sflag:s1], $0x640  }
0x182: {  	[sflag:s1] =	ssyncset.done $0x0  }
0x183: {  	[sflag:s1] =	ssyncadd.s32 $0xFFFFF9C0  }
0x184: {  	_ =	swait.ge [sflag:s1], $0x640  }
0x185: {  	[sflag:s1] =	ssyncset.done $0x0  }
0x186: {  	[sflag:s1] =	ssyncadd.s32 $0xFFFFF9C0  }
0x187: {  	_ =	swait.ge [sflag:s1], $0x640  }
0x188: {  	[sflag:s1] =	ssyncset.done $0x0  }
0x189: {  	[sflag:s1] =	ssyncadd.s32 $0xFFFFF9C0  }
0x18a: {  	_ =	swait.ge [sflag:s1], $0x640  }
0x18b: {  	[sflag:s1] =	ssyncset.done $0x0  }
0x18c: {  	[sflag:s1] =	ssyncadd.s32 $0xFFFFF9C0  }
0x18d: {  	_ =	swait.ge [sflag:s1], $0x640  }
0x18e: {  	[sflag:s1] =	ssyncset.done $0x0  }
0x18f: {  	[sflag:s1] =	ssyncadd.s32 $0xFFFFF9C0  }
0x190: {  	_ =	swait.ge [sflag:s1], $0x640  }
0x191: {  	[sflag:s1] =	ssyncset.done $0x0  }
0x192: {  	[sflag:s1] =	ssyncadd.s32 $0xFFFFF9C0  }
0x193: {  	_ =	swait.ge [sflag:s1], $0x640  }
0x194: {  	[sflag:s1] =	ssyncset.done $0x0  }
0x195: {  	[sflag:s1] =	ssyncadd.s32 $0xFFFFF9C0  }
0x196: {  	_ =	swait.ge [sflag:s1], $0x640  }
0x197: {  	[sflag:s1] =	ssyncset.done $0x0  }
0x198: {  	[sflag:s1] =	ssyncadd.s32 $0xFFFFF9C0  }
0x199: {  	_ =	swait.ge [sflag:s1], $0x640  }
0x19a: {  	[sflag:s1] =	ssyncset.done $0x0  }
0x19b: {  	[sflag:s1] =	ssyncadd.s32 $0xFFFFF9C0  }
0x19c: {  	_ =	swait.ge [sflag:s1], $0x640  }
0x19d: {  	s31 =	simm.s32 $0x380;
	s0 =	simm.s32 $0x13800;
	[sflag:s1] =	ssyncset.done $0x0  }
0x19e: {  	s2 =	sadd.s32 $0x0, s6;
	s26 =	simm.s32 $0x13E40;
	[sflag:s1] =	ssyncadd.s32 $0xFFFFF9C0  }
.LBB2_4:
0x19f: {  	[hbm4b:s2+s22] =	stream.strided.scatter [tilespmem:s0], [sflag:$0x4], $0x640, s25, s22, $0x38;
	v63 =	vld [tilespmem:$0x0]  }
0x1a0: {  	s2 =	smov.u32 s31;
	s0 =	smov.u32 s26;
	p0 =	sne.s32 s31, $0x6C80  }
.Ltmp1:
0x1a1: {  	s31 =	sadd.s32 $0x380, s31;
	(pc) =	sbr.rel @p0 .LBB2_4-.Ltmp1, $2  }
0x1a2: {  	_ =	sdelay $0x2  }
0x1a3: {  	s26 =	sadd.s32 $0x640, s26;
	s2 =	sadd.s32 s2, s6  }
0x1a4: {  	[hbm4b:s2+s22] =	stream.strided.scatter [tilespmem:s0], [sflag:$0x4], $0x640, s25, s22, $0x38;
	v63 =	vld [tilespmem:$0x0]  }
0x1a5: {  	_ =	swait.ge [sflag:s24], $0xC800  }
0x1a6: {  	[sflag:s24] =	ssyncset.done $0x0  }
0x1a7: {  	s2 =	simm.s32 $0x13800;
	s26 =	simm.s32 $0x1500;
	[sflag:s24] =	ssyncadd.s32 $0xFFFF3800  }
0x1a8: {  	[tilespmem:s2], [sflag:$0x2] =	stream.indirect.gather [hbm4b:s3+s23], $0x20, s26, s23, $0xb8;
	v63 =	vld [tilespmem:$0x0]  }
0x1a9: {  	s2 =	simm.s32 $0x13E40;
	s26 =	simm.s32 $0x1538  }
0x1aa: {  	[tilespmem:s2], [sflag:$0x2] =	stream.indirect.gather [hbm4b:s3+s23], $0x20, s26, s23, $0xb8;
	v63 =	vld [tilespmem:$0x0]  }
0x1ab: {  	s2 =	simm.s32 $0x14480;
	s26 =	simm.s32 $0x1570  }
0x1ac: {  	[tilespmem:s2], [sflag:$0x2] =	stream.indirect.gather [hbm4b:s3+s23], $0x20, s26, s23, $0xb8;
	v63 =	vld [tilespmem:$0x0]  }
0x1ad: {  	s2 =	simm.s32 $0x14AC0;
	s26 =	simm.s32 $0x15A8  }
0x1ae: {  	[tilespmem:s2], [sflag:$0x2] =	stream.indirect.gather [hbm4b:s3+s23], $0x20, s26, s23, $0xb8;
	v63 =	vld [tilespmem:$0x0]  }
0x1af: {  	s2 =	simm.s32 $0x15100;
	s26 =	simm.s32 $0x15E0  }
0x1b0: {  	[tilespmem:s2], [sflag:$0x2] =	stream.indirect.gather [hbm4b:s3+s23], $0x20, s26, s23, $0xb8;
	v63 =	vld [tilespmem:$0x0]  }
0x1b1: {  	s2 =	simm.s32 $0x15740;
	s26 =	simm.s32 $0x1618  }
0x1b2: {  	[tilespmem:s2], [sflag:$0x2] =	stream.indirect.gather [hbm4b:s3+s23], $0x20, s26, s23, $0xb8;
	v63 =	vld [tilespmem:$0x0]  }
0x1b3: {  	s2 =	simm.s32 $0x15D80;
	s26 =	simm.s32 $0x1650  }
0x1b4: {  	[tilespmem:s2], [sflag:$0x2] =	stream.indirect.gather [hbm4b:s3+s23], $0x20, s26, s23, $0xb8;
	v63 =	vld [tilespmem:$0x0]  }
0x1b5: {  	s2 =	simm.s32 $0x163C0;
	s26 =	simm.s32 $0x1688  }
0x1b6: {  	[tilespmem:s2], [sflag:$0x2] =	stream.indirect.gather [hbm4b:s3+s23], $0x20, s26, s23, $0xb8;
	v63 =	vld [tilespmem:$0x0]  }
0x1b7: {  	s2 =	simm.s32 $0x16A00;
	s26 =	simm.s32 $0x16C0  }
0x1b8: {  	[tilespmem:s2], [sflag:$0x2] =	stream.indirect.gather [hbm4b:s3+s23], $0x20, s26, s23, $0xb8;
	v63 =	vld [tilespmem:$0x0]  }
0x1b9: {  	s2 =	simm.s32 $0x17040;
	s26 =	simm.s32 $0x16F8  }
0x1ba: {  	[tilespmem:s2], [sflag:$0x2] =	stream.indirect.gather [hbm4b:s3+s23], $0x20, s26, s23, $0xb8;
	v63 =	vld [tilespmem:$0x0]  }
0x1bb: {  	s2 =	simm.s32 $0x17680;
	s26 =	simm.s32 $0x1730  }
0x1bc: {  	[tilespmem:s2], [sflag:$0x2] =	stream.indirect.gather [hbm4b:s3+s23], $0x20, s26, s23, $0xb8;
	v63 =	vld [tilespmem:$0x0]  }
0x1bd: {  	s2 =	simm.s32 $0x17CC0;
	s26 =	simm.s32 $0x1768  }
0x1be: {  	[tilespmem:s2], [sflag:$0x2] =	stream.indirect.gather [hbm4b:s3+s23], $0x20, s26, s23, $0xb8;
	v63 =	vld [tilespmem:$0x0]  }
0x1bf: {  	s2 =	simm.s32 $0x18300;
	s26 =	simm.s32 $0x17A0  }
0x1c0: {  	[tilespmem:s2], [sflag:$0x2] =	stream.indirect.gather [hbm4b:s3+s23], $0x20, s26, s23, $0xb8;
	v63 =	vld [tilespmem:$0x0]  }
0x1c1: {  	s2 =	simm.s32 $0x18940;
	s26 =	simm.s32 $0x17D8  }
0x1c2: {  	[tilespmem:s2], [sflag:$0x2] =	stream.indirect.gather [hbm4b:s3+s23], $0x20, s26, s23, $0xb8;
	v63 =	vld [tilespmem:$0x0]  }
0x1c3: {  	s2 =	simm.s32 $0x18F80;
	s26 =	simm.s32 $0x1810  }
0x1c4: {  	[tilespmem:s2], [sflag:$0x2] =	stream.indirect.gather [hbm4b:s3+s23], $0x20, s26, s23, $0xb8;
	v63 =	vld [tilespmem:$0x0]  }
0x1c5: {  	s2 =	simm.s32 $0x195C0;
	s26 =	simm.s32 $0x1848  }
0x1c6: {  	[tilespmem:s2], [sflag:$0x2] =	stream.indirect.gather [hbm4b:s3+s23], $0x20, s26, s23, $0xb8;
	v63 =	vld [tilespmem:$0x0]  }
0x1c7: {  	s2 =	simm.s32 $0x19C00;
	s26 =	simm.s32 $0x1880  }
0x1c8: {  	[tilespmem:s2], [sflag:$0x2] =	stream.indirect.gather [hbm4b:s3+s23], $0x20, s26, s23, $0xb8;
	v63 =	vld [tilespmem:$0x0]  }
0x1c9: {  	s2 =	simm.s32 $0x1A240;
	s26 =	simm.s32 $0x18B8  }
0x1ca: {  	[tilespmem:s2], [sflag:$0x2] =	stream.indirect.gather [hbm4b:s3+s23], $0x20, s26, s23, $0xb8;
	v63 =	vld [tilespmem:$0x0]  }
0x1cb: {  	s2 =	simm.s32 $0x1A880;
	s26 =	simm.s32 $0x18F0  }
0x1cc: {  	[tilespmem:s2], [sflag:$0x2] =	stream.indirect.gather [hbm4b:s3+s23], $0x20, s26, s23, $0xb8;
	v63 =	vld [tilespmem:$0x0]  }
0x1cd: {  	s2 =	simm.s32 $0x1AEC0;
	s26 =	simm.s32 $0x1928  }
0x1ce: {  	[tilespmem:s2], [sflag:$0x2] =	stream.indirect.gather [hbm4b:s3+s23], $0x20, s26, s23, $0xb8;
	v63 =	vld [tilespmem:$0x0]  }
0x1cf: {  	s2 =	simm.s32 $0x1B500;
	s26 =	simm.s32 $0x1960  }
0x1d0: {  	[tilespmem:s2], [sflag:$0x2] =	stream.indirect.gather [hbm4b:s3+s23], $0x20, s26, s23, $0xb8;
	v63 =	vld [tilespmem:$0x0]  }
0x1d1: {  	s2 =	simm.s32 $0x1BB40;
	s26 =	simm.s32 $0x1998  }
0x1d2: {  	[tilespmem:s2], [sflag:$0x2] =	stream.indirect.gather [hbm4b:s3+s23], $0x20, s26, s23, $0xb8;
	v63 =	vld [tilespmem:$0x0]  }
0x1d3: {  	s2 =	simm.s32 $0x1C180;
	s26 =	simm.s32 $0x19D0  }
0x1d4: {  	[tilespmem:s2], [sflag:$0x2] =	stream.indirect.gather [hbm4b:s3+s23], $0x20, s26, s23, $0xb8;
	v63 =	vld [tilespmem:$0x0]  }
0x1d5: {  	s2 =	simm.s32 $0x1C7C0;
	s26 =	simm.s32 $0x1A08  }
0x1d6: {  	[tilespmem:s2], [sflag:$0x2] =	stream.indirect.gather [hbm4b:s3+s23], $0x20, s26, s23, $0xb8;
	v63 =	vld [tilespmem:$0x0]  }
0x1d7: {  	s2 =	simm.s32 $0x1CE00;
	s26 =	simm.s32 $0x1A40  }
0x1d8: {  	[tilespmem:s2], [sflag:$0x2] =	stream.indirect.gather [hbm4b:s3+s23], $0x20, s26, s23, $0xb8;
	v63 =	vld [tilespmem:$0x0]  }
0x1d9: {  	s2 =	simm.s32 $0x1D440;
	s26 =	simm.s32 $0x1A78  }
0x1da: {  	[tilespmem:s2], [sflag:$0x2] =	stream.indirect.gather [hbm4b:s3+s23], $0x20, s26, s23, $0xb8;
	v63 =	vld [tilespmem:$0x0]  }
0x1db: {  	s2 =	simm.s32 $0x1DA80;
	s26 =	simm.s32 $0x1AB0  }
0x1dc: {  	[tilespmem:s2], [sflag:$0x2] =	stream.indirect.gather [hbm4b:s3+s23], $0x20, s26, s23, $0xb8;
	v63 =	vld [tilespmem:$0x0]  }
0x1dd: {  	s2 =	simm.s32 $0x1E0C0;
	s26 =	simm.s32 $0x1AE8  }
0x1de: {  	[tilespmem:s2], [sflag:$0x2] =	stream.indirect.gather [hbm4b:s3+s23], $0x20, s26, s23, $0xb8;
	v63 =	vld [tilespmem:$0x0]  }
0x1df: {  	s2 =	simm.s32 $0x1E700;
	s26 =	simm.s32 $0x1B20  }
0x1e0: {  	[tilespmem:s2], [sflag:$0x2] =	stream.indirect.gather [hbm4b:s3+s23], $0x20, s26, s23, $0xb8;
	v63 =	vld [tilespmem:$0x0]  }
0x1e1: {  	s2 =	simm.s32 $0x1ED40;
	s26 =	simm.s32 $0x1B58  }
0x1e2: {  	[tilespmem:s2], [sflag:$0x2] =	stream.indirect.gather [hbm4b:s3+s23], $0x20, s26, s23, $0xb8;
	v63 =	vld [tilespmem:$0x0]  }
0x1e3: {  	s2 =	simm.s32 $0x1F380;
	s26 =	simm.s32 $0x1B90  }
0x1e4: {  	[tilespmem:s2], [sflag:$0x2] =	stream.indirect.gather [hbm4b:s3+s23], $0x20, s26, s23, $0xb8;
	v63 =	vld [tilespmem:$0x0]  }
0x1e5: {  	s26 =	simm.s32 $0x1BC8  }
0x1e6: {  	[tilespmem:s4], [sflag:$0x2] =	stream.indirect.gather [hbm4b:s3+s23], $0x20, s26, s23, $0xb8;
	v63 =	vld [tilespmem:$0x0]  }
0x1e7: {  	_ =	swait.ge [sflag:s21], $0x640  }
0x1e8: {  	[sflag:s21] =	ssyncset.done $0x0  }
0x1e9: {  	[sflag:s21] =	ssyncadd.s32 $0xFFFFF9C0  }
0x1ea: {  	_ =	swait.ge [sflag:s21], $0x640  }
0x1eb: {  	[sflag:s21] =	ssyncset.done $0x0  }
0x1ec: {  	[sflag:s21] =	ssyncadd.s32 $0xFFFFF9C0  }
0x1ed: {  	_ =	swait.ge [sflag:s21], $0x640  }
0x1ee: {  	[sflag:s21] =	ssyncset.done $0x0  }
0x1ef: {  	[sflag:s21] =	ssyncadd.s32 $0xFFFFF9C0  }
0x1f0: {  	_ =	swait.ge [sflag:s21], $0x640  }
0x1f1: {  	[sflag:s21] =	ssyncset.done $0x0  }
0x1f2: {  	[sflag:s21] =	ssyncadd.s32 $0xFFFFF9C0  }
0x1f3: {  	_ =	swait.ge [sflag:s21], $0x640  }
0x1f4: {  	[sflag:s21] =	ssyncset.done $0x0  }
0x1f5: {  	[sflag:s21] =	ssyncadd.s32 $0xFFFFF9C0  }
0x1f6: {  	_ =	swait.ge [sflag:s21], $0x640  }
0x1f7: {  	[sflag:s21] =	ssyncset.done $0x0  }
0x1f8: {  	[sflag:s21] =	ssyncadd.s32 $0xFFFFF9C0  }
0x1f9: {  	_ =	swait.ge [sflag:s21], $0x640  }
0x1fa: {  	[sflag:s21] =	ssyncset.done $0x0  }
0x1fb: {  	[sflag:s21] =	ssyncadd.s32 $0xFFFFF9C0  }
0x1fc: {  	_ =	swait.ge [sflag:s21], $0x640  }
0x1fd: {  	[sflag:s21] =	ssyncset.done $0x0  }
0x1fe: {  	[sflag:s21] =	ssyncadd.s32 $0xFFFFF9C0  }
0x1ff: {  	_ =	swait.ge [sflag:s21], $0x640  }
0x200: {  	[sflag:s21] =	ssyncset.done $0x0  }
0x201: {  	[sflag:s21] =	ssyncadd.s32 $0xFFFFF9C0  }
0x202: {  	_ =	swait.ge [sflag:s21], $0x640  }
0x203: {  	[sflag:s21] =	ssyncset.done $0x0  }
0x204: {  	[sflag:s21] =	ssyncadd.s32 $0xFFFFF9C0  }
0x205: {  	_ =	swait.ge [sflag:s21], $0x640  }
0x206: {  	[sflag:s21] =	ssyncset.done $0x0  }
0x207: {  	[sflag:s21] =	ssyncadd.s32 $0xFFFFF9C0  }
0x208: {  	_ =	swait.ge [sflag:s21], $0x640  }
0x209: {  	[sflag:s21] =	ssyncset.done $0x0  }
0x20a: {  	[sflag:s21] =	ssyncadd.s32 $0xFFFFF9C0  }
0x20b: {  	_ =	swait.ge [sflag:s21], $0x640  }
0x20c: {  	[sflag:s21] =	ssyncset.done $0x0  }
0x20d: {  	[sflag:s21] =	ssyncadd.s32 $0xFFFFF9C0  }
0x20e: {  	_ =	swait.ge [sflag:s21], $0x640  }
0x20f: {  	[sflag:s21] =	ssyncset.done $0x0  }
0x210: {  	[sflag:s21] =	ssyncadd.s32 $0xFFFFF9C0  }
0x211: {  	_ =	swait.ge [sflag:s21], $0x640  }
0x212: {  	[sflag:s21] =	ssyncset.done $0x0  }
0x213: {  	[sflag:s21] =	ssyncadd.s32 $0xFFFFF9C0  }
0x214: {  	_ =	swait.ge [sflag:s21], $0x640  }
0x215: {  	[sflag:s21] =	ssyncset.done $0x0  }
0x216: {  	[sflag:s21] =	ssyncadd.s32 $0xFFFFF9C0  }
0x217: {  	_ =	swait.ge [sflag:s21], $0x640  }
0x218: {  	[sflag:s21] =	ssyncset.done $0x0  }
0x219: {  	[sflag:s21] =	ssyncadd.s32 $0xFFFFF9C0  }
0x21a: {  	_ =	swait.ge [sflag:s21], $0x640  }
0x21b: {  	[sflag:s21] =	ssyncset.done $0x0  }
0x21c: {  	[sflag:s21] =	ssyncadd.s32 $0xFFFFF9C0  }
0x21d: {  	_ =	swait.ge [sflag:s21], $0x640  }
0x21e: {  	[sflag:s21] =	ssyncset.done $0x0  }
0x21f: {  	[sflag:s21] =	ssyncadd.s32 $0xFFFFF9C0  }
0x220: {  	_ =	swait.ge [sflag:s21], $0x640  }
0x221: {  	[sflag:s21] =	ssyncset.done $0x0  }
0x222: {  	[sflag:s21] =	ssyncadd.s32 $0xFFFFF9C0  }
0x223: {  	_ =	swait.ge [sflag:s21], $0x640  }
0x224: {  	[sflag:s21] =	ssyncset.done $0x0  }
0x225: {  	[sflag:s21] =	ssyncadd.s32 $0xFFFFF9C0  }
0x226: {  	_ =	swait.ge [sflag:s21], $0x640  }
0x227: {  	[sflag:s21] =	ssyncset.done $0x0  }
0x228: {  	[sflag:s21] =	ssyncadd.s32 $0xFFFFF9C0  }
0x229: {  	_ =	swait.ge [sflag:s21], $0x640  }
0x22a: {  	[sflag:s21] =	ssyncset.done $0x0  }
0x22b: {  	[sflag:s21] =	ssyncadd.s32 $0xFFFFF9C0  }
0x22c: {  	_ =	swait.ge [sflag:s21], $0x640  }
0x22d: {  	[sflag:s21] =	ssyncset.done $0x0  }
0x22e: {  	[sflag:s21] =	ssyncadd.s32 $0xFFFFF9C0  }
0x22f: {  	_ =	swait.ge [sflag:s21], $0x640  }
0x230: {  	[sflag:s21] =	ssyncset.done $0x0  }
0x231: {  	[sflag:s21] =	ssyncadd.s32 $0xFFFFF9C0  }
0x232: {  	_ =	swait.ge [sflag:s21], $0x640  }
0x233: {  	[sflag:s21] =	ssyncset.done $0x0  }
0x234: {  	[sflag:s21] =	ssyncadd.s32 $0xFFFFF9C0  }
0x235: {  	_ =	swait.ge [sflag:s21], $0x640  }
0x236: {  	[sflag:s21] =	ssyncset.done $0x0  }
0x237: {  	[sflag:s21] =	ssyncadd.s32 $0xFFFFF9C0  }
0x238: {  	_ =	swait.ge [sflag:s21], $0x640  }
0x239: {  	[sflag:s21] =	ssyncset.done $0x0  }
0x23a: {  	[sflag:s21] =	ssyncadd.s32 $0xFFFFF9C0  }
0x23b: {  	_ =	swait.ge [sflag:s21], $0x640  }
0x23c: {  	[sflag:s21] =	ssyncset.done $0x0  }
0x23d: {  	[sflag:s21] =	ssyncadd.s32 $0xFFFFF9C0  }
0x23e: {  	_ =	swait.ge [sflag:s21], $0x640  }
0x23f: {  	[sflag:s21] =	ssyncset.done $0x0  }
0x240: {  	[sflag:s21] =	ssyncadd.s32 $0xFFFFF9C0  }
0x241: {  	_ =	swait.ge [sflag:s21], $0x640  }
0x242: {  	[sflag:s21] =	ssyncset.done $0x0  }
0x243: {  	[sflag:s21] =	ssyncadd.s32 $0xFFFFF9C0  }
0x244: {  	_ =	swait.ge [sflag:s21], $0x640  }
0x245: {  	s0 =	simm.s32 $0x7000;
	s31 =	simm.s32 $0x380;
	[sflag:s21] =	ssyncset.done $0x0  }
0x246: {  	s2 =	sadd.s32 $0x0, s7;
	s26 =	simm.s32 $0x7640;
	[sflag:s21] =	ssyncadd.s32 $0xFFFFF9C0  }
.LBB2_6:
0x247: {  	[hbm4b:s2+s22] =	stream.strided.scatter [tilespmem:s0], [sflag:$0x3], $0x640, s25, s22, $0x38;
	v63 =	vld [tilespmem:$0x0]  }
0x248: {  	s2 =	smov.u32 s31;
	s0 =	smov.u32 s26;
	p0 =	sne.s32 s31, $0x6C80  }
.Ltmp2:
0x249: {  	s31 =	sadd.s32 $0x380, s31;
	(pc) =	sbr.rel @p0 .LBB2_6-.Ltmp2, $2  }
0x24a: {  	_ =	sdelay $0x2  }
0x24b: {  	s26 =	sadd.s32 $0x640, s26;
	s2 =	sadd.s32 s2, s7  }
0x24c: {  	[hbm4b:s2+s22] =	stream.strided.scatter [tilespmem:s0], [sflag:$0x3], $0x640, s25, s22, $0x38;
	v63 =	vld [tilespmem:$0x0]  }
0x24d: {  	_ =	swait.ge [sflag:s28], $0xC800  }
0x24e: {  	[sflag:s28] =	ssyncset.done $0x0  }
0x24f: {  	s26 =	simm.s32 $0x1C00;
	[sflag:s28] =	ssyncadd.s32 $0xFFFF3800  }
0x250: {  	[tilespmem:s30], [sflag:$0x1] =	stream.indirect.gather [hbm4b:s3+s23], $0x20, s26, s23, $0xb8;
	v63 =	vld [tilespmem:$0x0]  }
0x251: {  	s2 =	simm.s32 $0x7640;
	s26 =	simm.s32 $0x1C38  }
0x252: {  	[tilespmem:s2], [sflag:$0x1] =	stream.indirect.gather [hbm4b:s3+s23], $0x20, s26, s23, $0xb8;
	v63 =	vld [tilespmem:$0x0]  }
0x253: {  	s2 =	simm.s32 $0x7C80;
	s26 =	simm.s32 $0x1C70  }
0x254: {  	[tilespmem:s2], [sflag:$0x1] =	stream.indirect.gather [hbm4b:s3+s23], $0x20, s26, s23, $0xb8;
	v63 =	vld [tilespmem:$0x0]  }
0x255: {  	s2 =	simm.s32 $0x82C0;
	s26 =	simm.s32 $0x1CA8  }
0x256: {  	[tilespmem:s2], [sflag:$0x1] =	stream.indirect.gather [hbm4b:s3+s23], $0x20, s26, s23, $0xb8;
	v63 =	vld [tilespmem:$0x0]  }
0x257: {  	s2 =	simm.s32 $0x8900;
	s26 =	simm.s32 $0x1CE0  }
0x258: {  	[tilespmem:s2], [sflag:$0x1] =	stream.indirect.gather [hbm4b:s3+s23], $0x20, s26, s23, $0xb8;
	v63 =	vld [tilespmem:$0x0]  }
0x259: {  	s2 =	simm.s32 $0x8F40;
	s26 =	simm.s32 $0x1D18  }
0x25a: {  	[tilespmem:s2], [sflag:$0x1] =	stream.indirect.gather [hbm4b:s3+s23], $0x20, s26, s23, $0xb8;
	v63 =	vld [tilespmem:$0x0]  }
0x25b: {  	s2 =	simm.s32 $0x9580;
	s26 =	simm.s32 $0x1D50  }
0x25c: {  	[tilespmem:s2], [sflag:$0x1] =	stream.indirect.gather [hbm4b:s3+s23], $0x20, s26, s23, $0xb8;
	v63 =	vld [tilespmem:$0x0]  }
0x25d: {  	s2 =	simm.s32 $0x9BC0;
	s26 =	simm.s32 $0x1D88  }
0x25e: {  	[tilespmem:s2], [sflag:$0x1] =	stream.indirect.gather [hbm4b:s3+s23], $0x20, s26, s23, $0xb8;
	v63 =	vld [tilespmem:$0x0]  }
0x25f: {  	s2 =	simm.s32 $0xA200;
	s26 =	simm.s32 $0x1DC0  }
0x260: {  	[tilespmem:s2], [sflag:$0x1] =	stream.indirect.gather [hbm4b:s3+s23], $0x20, s26, s23, $0xb8;
	v63 =	vld [tilespmem:$0x0]  }
0x261: {  	s2 =	simm.s32 $0xA840;
	s26 =	simm.s32 $0x1DF8  }
0x262: {  	[tilespmem:s2], [sflag:$0x1] =	stream.indirect.gather [hbm4b:s3+s23], $0x20, s26, s23, $0xb8;
	v63 =	vld [tilespmem:$0x0]  }
0x263: {  	s2 =	simm.s32 $0xAE80;
	s26 =	simm.s32 $0x1E30  }
0x264: {  	[tilespmem:s2], [sflag:$0x1] =	stream.indirect.gather [hbm4b:s3+s23], $0x20, s26, s23, $0xb8;
	v63 =	vld [tilespmem:$0x0]  }
0x265: {  	s2 =	simm.s32 $0xB4C0;
	s26 =	simm.s32 $0x1E68  }
0x266: {  	[tilespmem:s2], [sflag:$0x1] =	stream.indirect.gather [hbm4b:s3+s23], $0x20, s26, s23, $0xb8;
	v63 =	vld [tilespmem:$0x0]  }
0x267: {  	s2 =	simm.s32 $0xBB00;
	s26 =	simm.s32 $0x1EA0  }
0x268: {  	[tilespmem:s2], [sflag:$0x1] =	stream.indirect.gather [hbm4b:s3+s23], $0x20, s26, s23, $0xb8;
	v63 =	vld [tilespmem:$0x0]  }
0x269: {  	s2 =	simm.s32 $0xC140;
	s26 =	simm.s32 $0x1ED8  }
0x26a: {  	[tilespmem:s2], [sflag:$0x1] =	stream.indirect.gather [hbm4b:s3+s23], $0x20, s26, s23, $0xb8;
	v63 =	vld [tilespmem:$0x0]  }
0x26b: {  	s2 =	simm.s32 $0xC780;
	s26 =	simm.s32 $0x1F10  }
0x26c: {  	[tilespmem:s2], [sflag:$0x1] =	stream.indirect.gather [hbm4b:s3+s23], $0x20, s26, s23, $0xb8;
	v63 =	vld [tilespmem:$0x0]  }
0x26d: {  	s2 =	simm.s32 $0xCDC0;
	s26 =	simm.s32 $0x1F48  }
0x26e: {  	[tilespmem:s2], [sflag:$0x1] =	stream.indirect.gather [hbm4b:s3+s23], $0x20, s26, s23, $0xb8;
	v63 =	vld [tilespmem:$0x0]  }
0x26f: {  	s2 =	simm.s32 $0xD400;
	s26 =	simm.s32 $0x1F80  }
0x270: {  	[tilespmem:s2], [sflag:$0x1] =	stream.indirect.gather [hbm4b:s3+s23], $0x20, s26, s23, $0xb8;
	v63 =	vld [tilespmem:$0x0]  }
0x271: {  	s2 =	simm.s32 $0xDA40;
	s26 =	simm.s32 $0x1FB8  }
0x272: {  	[tilespmem:s2], [sflag:$0x1] =	stream.indirect.gather [hbm4b:s3+s23], $0x20, s26, s23, $0xb8;
	v63 =	vld [tilespmem:$0x0]  }
0x273: {  	s2 =	simm.s32 $0xE080;
	s26 =	simm.s32 $0x1FF0  }
0x274: {  	[tilespmem:s2], [sflag:$0x1] =	stream.indirect.gather [hbm4b:s3+s23], $0x20, s26, s23, $0xb8;
	v63 =	vld [tilespmem:$0x0]  }
0x275: {  	s2 =	simm.s32 $0xE6C0;
	s26 =	simm.s32 $0x2028  }
0x276: {  	[tilespmem:s2], [sflag:$0x1] =	stream.indirect.gather [hbm4b:s3+s23], $0x20, s26, s23, $0xb8;
	v63 =	vld [tilespmem:$0x0]  }
0x277: {  	s2 =	simm.s32 $0xED00;
	s26 =	simm.s32 $0x2060  }
0x278: {  	[tilespmem:s2], [sflag:$0x1] =	stream.indirect.gather [hbm4b:s3+s23], $0x20, s26, s23, $0xb8;
	v63 =	vld [tilespmem:$0x0]  }
0x279: {  	s2 =	simm.s32 $0xF340;
	s26 =	simm.s32 $0x2098  }
0x27a: {  	[tilespmem:s2], [sflag:$0x1] =	stream.indirect.gather [hbm4b:s3+s23], $0x20, s26, s23, $0xb8;
	v63 =	vld [tilespmem:$0x0]  }
0x27b: {  	s2 =	simm.s32 $0xF980;
	s26 =	simm.s32 $0x20D0  }
0x27c: {  	[tilespmem:s2], [sflag:$0x1] =	stream.indirect.gather [hbm4b:s3+s23], $0x20, s26, s23, $0xb8;
	v63 =	vld [tilespmem:$0x0]  }
0x27d: {  	s2 =	simm.s32 $0xFFC0;
	s26 =	simm.s32 $0x2108  }
0x27e: {  	[tilespmem:s2], [sflag:$0x1] =	stream.indirect.gather [hbm4b:s3+s23], $0x20, s26, s23, $0xb8;
	v63 =	vld [tilespmem:$0x0]  }
0x27f: {  	s2 =	simm.s32 $0x10600;
	s26 =	simm.s32 $0x2140  }
0x280: {  	[tilespmem:s2], [sflag:$0x1] =	stream.indirect.gather [hbm4b:s3+s23], $0x20, s26, s23, $0xb8;
	v63 =	vld [tilespmem:$0x0]  }
0x281: {  	s2 =	simm.s32 $0x10C40;
	s26 =	simm.s32 $0x2178  }
0x282: {  	[tilespmem:s2], [sflag:$0x1] =	stream.indirect.gather [hbm4b:s3+s23], $0x20, s26, s23, $0xb8;
	v63 =	vld [tilespmem:$0x0]  }
0x283: {  	s2 =	simm.s32 $0x11280;
	s26 =	simm.s32 $0x21B0  }
0x284: {  	[tilespmem:s2], [sflag:$0x1] =	stream.indirect.gather [hbm4b:s3+s23], $0x20, s26, s23, $0xb8;
	v63 =	vld [tilespmem:$0x0]  }
0x285: {  	s2 =	simm.s32 $0x118C0;
	s26 =	simm.s32 $0x21E8  }
0x286: {  	[tilespmem:s2], [sflag:$0x1] =	stream.indirect.gather [hbm4b:s3+s23], $0x20, s26, s23, $0xb8;
	v63 =	vld [tilespmem:$0x0]  }
0x287: {  	s2 =	simm.s32 $0x11F00;
	s26 =	simm.s32 $0x2220  }
0x288: {  	[tilespmem:s2], [sflag:$0x1] =	stream.indirect.gather [hbm4b:s3+s23], $0x20, s26, s23, $0xb8;
	v63 =	vld [tilespmem:$0x0]  }
0x289: {  	s2 =	simm.s32 $0x12540;
	s26 =	simm.s32 $0x2258  }
0x28a: {  	[tilespmem:s2], [sflag:$0x1] =	stream.indirect.gather [hbm4b:s3+s23], $0x20, s26, s23, $0xb8;
	v63 =	vld [tilespmem:$0x0]  }
0x28b: {  	s2 =	simm.s32 $0x12B80;
	s26 =	simm.s32 $0x2290  }
0x28c: {  	[tilespmem:s2], [sflag:$0x1] =	stream.indirect.gather [hbm4b:s3+s23], $0x20, s26, s23, $0xb8;
	v63 =	vld [tilespmem:$0x0]  }
0x28d: {  	s2 =	simm.s32 $0x131C0;
	s26 =	simm.s32 $0x22C8  }
0x28e: {  	[tilespmem:s2], [sflag:$0x1] =	stream.indirect.gather [hbm4b:s3+s23], $0x20, s26, s23, $0xb8;
	v63 =	vld [tilespmem:$0x0]  }
0x28f: {  	_ =	swait.ge [sflag:s1], $0x640  }
0x290: {  	[sflag:s1] =	ssyncset.done $0x0  }
0x291: {  	[sflag:s1] =	ssyncadd.s32 $0xFFFFF9C0  }
0x292: {  	_ =	swait.ge [sflag:s1], $0x640  }
0x293: {  	[sflag:s1] =	ssyncset.done $0x0  }
0x294: {  	[sflag:s1] =	ssyncadd.s32 $0xFFFFF9C0  }
0x295: {  	_ =	swait.ge [sflag:s1], $0x640  }
0x296: {  	[sflag:s1] =	ssyncset.done $0x0  }
0x297: {  	[sflag:s1] =	ssyncadd.s32 $0xFFFFF9C0  }
0x298: {  	_ =	swait.ge [sflag:s1], $0x640  }
0x299: {  	[sflag:s1] =	ssyncset.done $0x0  }
0x29a: {  	[sflag:s1] =	ssyncadd.s32 $0xFFFFF9C0  }
0x29b: {  	_ =	swait.ge [sflag:s1], $0x640  }
0x29c: {  	[sflag:s1] =	ssyncset.done $0x0  }
0x29d: {  	[sflag:s1] =	ssyncadd.s32 $0xFFFFF9C0  }
0x29e: {  	_ =	swait.ge [sflag:s1], $0x640  }
0x29f: {  	[sflag:s1] =	ssyncset.done $0x0  }
0x2a0: {  	[sflag:s1] =	ssyncadd.s32 $0xFFFFF9C0  }
0x2a1: {  	_ =	swait.ge [sflag:s1], $0x640  }
0x2a2: {  	[sflag:s1] =	ssyncset.done $0x0  }
0x2a3: {  	[sflag:s1] =	ssyncadd.s32 $0xFFFFF9C0  }
0x2a4: {  	_ =	swait.ge [sflag:s1], $0x640  }
0x2a5: {  	[sflag:s1] =	ssyncset.done $0x0  }
0x2a6: {  	[sflag:s1] =	ssyncadd.s32 $0xFFFFF9C0  }
0x2a7: {  	_ =	swait.ge [sflag:s1], $0x640  }
0x2a8: {  	[sflag:s1] =	ssyncset.done $0x0  }
0x2a9: {  	[sflag:s1] =	ssyncadd.s32 $0xFFFFF9C0  }
0x2aa: {  	_ =	swait.ge [sflag:s1], $0x640  }
0x2ab: {  	[sflag:s1] =	ssyncset.done $0x0  }
0x2ac: {  	[sflag:s1] =	ssyncadd.s32 $0xFFFFF9C0  }
0x2ad: {  	_ =	swait.ge [sflag:s1], $0x640  }
0x2ae: {  	[sflag:s1] =	ssyncset.done $0x0  }
0x2af: {  	[sflag:s1] =	ssyncadd.s32 $0xFFFFF9C0  }
0x2b0: {  	_ =	swait.ge [sflag:s1], $0x640  }
0x2b1: {  	[sflag:s1] =	ssyncset.done $0x0  }
0x2b2: {  	[sflag:s1] =	ssyncadd.s32 $0xFFFFF9C0  }
0x2b3: {  	_ =	swait.ge [sflag:s1], $0x640  }
0x2b4: {  	[sflag:s1] =	ssyncset.done $0x0  }
0x2b5: {  	[sflag:s1] =	ssyncadd.s32 $0xFFFFF9C0  }
0x2b6: {  	_ =	swait.ge [sflag:s1], $0x640  }
0x2b7: {  	[sflag:s1] =	ssyncset.done $0x0  }
0x2b8: {  	[sflag:s1] =	ssyncadd.s32 $0xFFFFF9C0  }
0x2b9: {  	_ =	swait.ge [sflag:s1], $0x640  }
0x2ba: {  	[sflag:s1] =	ssyncset.done $0x0  }
0x2bb: {  	[sflag:s1] =	ssyncadd.s32 $0xFFFFF9C0  }
0x2bc: {  	_ =	swait.ge [sflag:s1], $0x640  }
0x2bd: {  	[sflag:s1] =	ssyncset.done $0x0  }
0x2be: {  	[sflag:s1] =	ssyncadd.s32 $0xFFFFF9C0  }
0x2bf: {  	_ =	swait.ge [sflag:s1], $0x640  }
0x2c0: {  	[sflag:s1] =	ssyncset.done $0x0  }
0x2c1: {  	[sflag:s1] =	ssyncadd.s32 $0xFFFFF9C0  }
0x2c2: {  	_ =	swait.ge [sflag:s1], $0x640  }
0x2c3: {  	[sflag:s1] =	ssyncset.done $0x0  }
0x2c4: {  	[sflag:s1] =	ssyncadd.s32 $0xFFFFF9C0  }
0x2c5: {  	_ =	swait.ge [sflag:s1], $0x640  }
0x2c6: {  	[sflag:s1] =	ssyncset.done $0x0  }
0x2c7: {  	[sflag:s1] =	ssyncadd.s32 $0xFFFFF9C0  }
0x2c8: {  	_ =	swait.ge [sflag:s1], $0x640  }
0x2c9: {  	[sflag:s1] =	ssyncset.done $0x0  }
0x2ca: {  	[sflag:s1] =	ssyncadd.s32 $0xFFFFF9C0  }
0x2cb: {  	_ =	swait.ge [sflag:s1], $0x640  }
0x2cc: {  	[sflag:s1] =	ssyncset.done $0x0  }
0x2cd: {  	[sflag:s1] =	ssyncadd.s32 $0xFFFFF9C0  }
0x2ce: {  	_ =	swait.ge [sflag:s1], $0x640  }
0x2cf: {  	[sflag:s1] =	ssyncset.done $0x0  }
0x2d0: {  	[sflag:s1] =	ssyncadd.s32 $0xFFFFF9C0  }
0x2d1: {  	_ =	swait.ge [sflag:s1], $0x640  }
0x2d2: {  	[sflag:s1] =	ssyncset.done $0x0  }
0x2d3: {  	[sflag:s1] =	ssyncadd.s32 $0xFFFFF9C0  }
0x2d4: {  	_ =	swait.ge [sflag:s1], $0x640  }
0x2d5: {  	[sflag:s1] =	ssyncset.done $0x0  }
0x2d6: {  	[sflag:s1] =	ssyncadd.s32 $0xFFFFF9C0  }
0x2d7: {  	_ =	swait.ge [sflag:s1], $0x640  }
0x2d8: {  	[sflag:s1] =	ssyncset.done $0x0  }
0x2d9: {  	[sflag:s1] =	ssyncadd.s32 $0xFFFFF9C0  }
0x2da: {  	_ =	swait.ge [sflag:s1], $0x640  }
0x2db: {  	[sflag:s1] =	ssyncset.done $0x0  }
0x2dc: {  	[sflag:s1] =	ssyncadd.s32 $0xFFFFF9C0  }
0x2dd: {  	_ =	swait.ge [sflag:s1], $0x640  }
0x2de: {  	[sflag:s1] =	ssyncset.done $0x0  }
0x2df: {  	[sflag:s1] =	ssyncadd.s32 $0xFFFFF9C0  }
0x2e0: {  	_ =	swait.ge [sflag:s1], $0x640  }
0x2e1: {  	[sflag:s1] =	ssyncset.done $0x0  }
0x2e2: {  	[sflag:s1] =	ssyncadd.s32 $0xFFFFF9C0  }
0x2e3: {  	_ =	swait.ge [sflag:s1], $0x640  }
0x2e4: {  	[sflag:s1] =	ssyncset.done $0x0  }
0x2e5: {  	[sflag:s1] =	ssyncadd.s32 $0xFFFFF9C0  }
0x2e6: {  	_ =	swait.ge [sflag:s1], $0x640  }
0x2e7: {  	[sflag:s1] =	ssyncset.done $0x0  }
0x2e8: {  	[sflag:s1] =	ssyncadd.s32 $0xFFFFF9C0  }
0x2e9: {  	_ =	swait.ge [sflag:s1], $0x640  }
0x2ea: {  	[sflag:s1] =	ssyncset.done $0x0  }
0x2eb: {  	[sflag:s1] =	ssyncadd.s32 $0xFFFFF9C0  }
0x2ec: {  	_ =	swait.ge [sflag:s1], $0x640  }
0x2ed: {  	s0 =	simm.s32 $0x13800;
	s31 =	simm.s32 $0x380;
	[sflag:s1] =	ssyncset.done $0x0  }
0x2ee: {  	s2 =	sadd.s32 $0x0, s8;
	s26 =	simm.s32 $0x13E40;
	[sflag:s1] =	ssyncadd.s32 $0xFFFFF9C0  }
.LBB2_8:
0x2ef: {  	[hbm4b:s2+s22] =	stream.strided.scatter [tilespmem:s0], [sflag:$0x4], $0x640, s25, s22, $0x38;
	v63 =	vld [tilespmem:$0x0]  }
0x2f0: {  	s2 =	smov.u32 s31;
	s0 =	smov.u32 s26;
	p0 =	sne.s32 s31, $0x6C80  }
.Ltmp3:
0x2f1: {  	s31 =	sadd.s32 $0x380, s31;
	(pc) =	sbr.rel @p0 .LBB2_8-.Ltmp3, $2  }
0x2f2: {  	_ =	sdelay $0x2  }
0x2f3: {  	s26 =	sadd.s32 $0x640, s26;
	s2 =	sadd.s32 s2, s8  }
0x2f4: {  	[hbm4b:s2+s22] =	stream.strided.scatter [tilespmem:s0], [sflag:$0x4], $0x640, s25, s22, $0x38;
	v63 =	vld [tilespmem:$0x0]  }
0x2f5: {  	_ =	swait.ge [sflag:s24], $0xC800  }
0x2f6: {  	[sflag:s24] =	ssyncset.done $0x0  }
0x2f7: {  	s2 =	simm.s32 $0x13800;
	s26 =	simm.s32 $0x2300;
	[sflag:s24] =	ssyncadd.s32 $0xFFFF3800  }
0x2f8: {  	[tilespmem:s2], [sflag:$0x2] =	stream.indirect.gather [hbm4b:s3+s23], $0x20, s26, s23, $0xb8;
	v63 =	vld [tilespmem:$0x0]  }
0x2f9: {  	s2 =	simm.s32 $0x13E40;
	s26 =	simm.s32 $0x2338  }
0x2fa: {  	[tilespmem:s2], [sflag:$0x2] =	stream.indirect.gather [hbm4b:s3+s23], $0x20, s26, s23, $0xb8;
	v63 =	vld [tilespmem:$0x0]  }
0x2fb: {  	s2 =	simm.s32 $0x14480;
	s26 =	simm.s32 $0x2370  }
0x2fc: {  	[tilespmem:s2], [sflag:$0x2] =	stream.indirect.gather [hbm4b:s3+s23], $0x20, s26, s23, $0xb8;
	v63 =	vld [tilespmem:$0x0]  }
0x2fd: {  	s2 =	simm.s32 $0x14AC0;
	s26 =	simm.s32 $0x23A8  }
0x2fe: {  	[tilespmem:s2], [sflag:$0x2] =	stream.indirect.gather [hbm4b:s3+s23], $0x20, s26, s23, $0xb8;
	v63 =	vld [tilespmem:$0x0]  }
0x2ff: {  	s2 =	simm.s32 $0x15100;
	s26 =	simm.s32 $0x23E0  }
0x300: {  	[tilespmem:s2], [sflag:$0x2] =	stream.indirect.gather [hbm4b:s3+s23], $0x20, s26, s23, $0xb8;
	v63 =	vld [tilespmem:$0x0]  }
0x301: {  	s2 =	simm.s32 $0x15740;
	s26 =	simm.s32 $0x2418  }
0x302: {  	[tilespmem:s2], [sflag:$0x2] =	stream.indirect.gather [hbm4b:s3+s23], $0x20, s26, s23, $0xb8;
	v63 =	vld [tilespmem:$0x0]  }
0x303: {  	s2 =	simm.s32 $0x15D80;
	s26 =	simm.s32 $0x2450  }
0x304: {  	[tilespmem:s2], [sflag:$0x2] =	stream.indirect.gather [hbm4b:s3+s23], $0x20, s26, s23, $0xb8;
	v63 =	vld [tilespmem:$0x0]  }
0x305: {  	s2 =	simm.s32 $0x163C0;
	s26 =	simm.s32 $0x2488  }
0x306: {  	[tilespmem:s2], [sflag:$0x2] =	stream.indirect.gather [hbm4b:s3+s23], $0x20, s26, s23, $0xb8;
	v63 =	vld [tilespmem:$0x0]  }
0x307: {  	s2 =	simm.s32 $0x16A00;
	s26 =	simm.s32 $0x24C0  }
0x308: {  	[tilespmem:s2], [sflag:$0x2] =	stream.indirect.gather [hbm4b:s3+s23], $0x20, s26, s23, $0xb8;
	v63 =	vld [tilespmem:$0x0]  }
0x309: {  	s2 =	simm.s32 $0x17040;
	s26 =	simm.s32 $0x24F8  }
0x30a: {  	[tilespmem:s2], [sflag:$0x2] =	stream.indirect.gather [hbm4b:s3+s23], $0x20, s26, s23, $0xb8;
	v63 =	vld [tilespmem:$0x0]  }
0x30b: {  	s2 =	simm.s32 $0x17680;
	s26 =	simm.s32 $0x2530  }
0x30c: {  	[tilespmem:s2], [sflag:$0x2] =	stream.indirect.gather [hbm4b:s3+s23], $0x20, s26, s23, $0xb8;
	v63 =	vld [tilespmem:$0x0]  }
0x30d: {  	s2 =	simm.s32 $0x17CC0;
	s26 =	simm.s32 $0x2568  }
0x30e: {  	[tilespmem:s2], [sflag:$0x2] =	stream.indirect.gather [hbm4b:s3+s23], $0x20, s26, s23, $0xb8;
	v63 =	vld [tilespmem:$0x0]  }
0x30f: {  	s2 =	simm.s32 $0x18300;
	s26 =	simm.s32 $0x25A0  }
0x310: {  	[tilespmem:s2], [sflag:$0x2] =	stream.indirect.gather [hbm4b:s3+s23], $0x20, s26, s23, $0xb8;
	v63 =	vld [tilespmem:$0x0]  }
0x311: {  	s2 =	simm.s32 $0x18940;
	s26 =	simm.s32 $0x25D8  }
0x312: {  	[tilespmem:s2], [sflag:$0x2] =	stream.indirect.gather [hbm4b:s3+s23], $0x20, s26, s23, $0xb8;
	v63 =	vld [tilespmem:$0x0]  }
0x313: {  	s2 =	simm.s32 $0x18F80;
	s26 =	simm.s32 $0x2610  }
0x314: {  	[tilespmem:s2], [sflag:$0x2] =	stream.indirect.gather [hbm4b:s3+s23], $0x20, s26, s23, $0xb8;
	v63 =	vld [tilespmem:$0x0]  }
0x315: {  	s2 =	simm.s32 $0x195C0;
	s26 =	simm.s32 $0x2648  }
0x316: {  	[tilespmem:s2], [sflag:$0x2] =	stream.indirect.gather [hbm4b:s3+s23], $0x20, s26, s23, $0xb8;
	v63 =	vld [tilespmem:$0x0]  }
0x317: {  	s2 =	simm.s32 $0x19C00;
	s26 =	simm.s32 $0x2680  }
0x318: {  	[tilespmem:s2], [sflag:$0x2] =	stream.indirect.gather [hbm4b:s3+s23], $0x20, s26, s23, $0xb8;
	v63 =	vld [tilespmem:$0x0]  }
0x319: {  	s2 =	simm.s32 $0x1A240;
	s26 =	simm.s32 $0x26B8  }
0x31a: {  	[tilespmem:s2], [sflag:$0x2] =	stream.indirect.gather [hbm4b:s3+s23], $0x20, s26, s23, $0xb8;
	v63 =	vld [tilespmem:$0x0]  }
0x31b: {  	s2 =	simm.s32 $0x1A880;
	s26 =	simm.s32 $0x26F0  }
0x31c: {  	[tilespmem:s2], [sflag:$0x2] =	stream.indirect.gather [hbm4b:s3+s23], $0x20, s26, s23, $0xb8;
	v63 =	vld [tilespmem:$0x0]  }
0x31d: {  	s2 =	simm.s32 $0x1AEC0;
	s26 =	simm.s32 $0x2728  }
0x31e: {  	[tilespmem:s2], [sflag:$0x2] =	stream.indirect.gather [hbm4b:s3+s23], $0x20, s26, s23, $0xb8;
	v63 =	vld [tilespmem:$0x0]  }
0x31f: {  	s2 =	simm.s32 $0x1B500;
	s26 =	simm.s32 $0x2760  }
0x320: {  	[tilespmem:s2], [sflag:$0x2] =	stream.indirect.gather [hbm4b:s3+s23], $0x20, s26, s23, $0xb8;
	v63 =	vld [tilespmem:$0x0]  }
0x321: {  	s2 =	simm.s32 $0x1BB40;
	s26 =	simm.s32 $0x2798  }
0x322: {  	[tilespmem:s2], [sflag:$0x2] =	stream.indirect.gather [hbm4b:s3+s23], $0x20, s26, s23, $0xb8;
	v63 =	vld [tilespmem:$0x0]  }
0x323: {  	s2 =	simm.s32 $0x1C180;
	s26 =	simm.s32 $0x27D0  }
0x324: {  	[tilespmem:s2], [sflag:$0x2] =	stream.indirect.gather [hbm4b:s3+s23], $0x20, s26, s23, $0xb8;
	v63 =	vld [tilespmem:$0x0]  }
0x325: {  	s2 =	simm.s32 $0x1C7C0;
	s26 =	simm.s32 $0x2808  }
0x326: {  	[tilespmem:s2], [sflag:$0x2] =	stream.indirect.gather [hbm4b:s3+s23], $0x20, s26, s23, $0xb8;
	v63 =	vld [tilespmem:$0x0]  }
0x327: {  	s2 =	simm.s32 $0x1CE00;
	s26 =	simm.s32 $0x2840  }
0x328: {  	[tilespmem:s2], [sflag:$0x2] =	stream.indirect.gather [hbm4b:s3+s23], $0x20, s26, s23, $0xb8;
	v63 =	vld [tilespmem:$0x0]  }
0x329: {  	s2 =	simm.s32 $0x1D440;
	s26 =	simm.s32 $0x2878  }
0x32a: {  	[tilespmem:s2], [sflag:$0x2] =	stream.indirect.gather [hbm4b:s3+s23], $0x20, s26, s23, $0xb8;
	v63 =	vld [tilespmem:$0x0]  }
0x32b: {  	s2 =	simm.s32 $0x1DA80;
	s26 =	simm.s32 $0x28B0  }
0x32c: {  	[tilespmem:s2], [sflag:$0x2] =	stream.indirect.gather [hbm4b:s3+s23], $0x20, s26, s23, $0xb8;
	v63 =	vld [tilespmem:$0x0]  }
0x32d: {  	s2 =	simm.s32 $0x1E0C0;
	s26 =	simm.s32 $0x28E8  }
0x32e: {  	[tilespmem:s2], [sflag:$0x2] =	stream.indirect.gather [hbm4b:s3+s23], $0x20, s26, s23, $0xb8;
	v63 =	vld [tilespmem:$0x0]  }
0x32f: {  	s2 =	simm.s32 $0x1E700;
	s26 =	simm.s32 $0x2920  }
0x330: {  	[tilespmem:s2], [sflag:$0x2] =	stream.indirect.gather [hbm4b:s3+s23], $0x20, s26, s23, $0xb8;
	v63 =	vld [tilespmem:$0x0]  }
0x331: {  	s2 =	simm.s32 $0x1ED40;
	s26 =	simm.s32 $0x2958  }
0x332: {  	[tilespmem:s2], [sflag:$0x2] =	stream.indirect.gather [hbm4b:s3+s23], $0x20, s26, s23, $0xb8;
	v63 =	vld [tilespmem:$0x0]  }
0x333: {  	s2 =	simm.s32 $0x1F380;
	s26 =	simm.s32 $0x2990  }
0x334: {  	[tilespmem:s2], [sflag:$0x2] =	stream.indirect.gather [hbm4b:s3+s23], $0x20, s26, s23, $0xb8;
	v63 =	vld [tilespmem:$0x0]  }
0x335: {  	s26 =	simm.s32 $0x29C8  }
0x336: {  	[tilespmem:s4], [sflag:$0x2] =	stream.indirect.gather [hbm4b:s3+s23], $0x20, s26, s23, $0xb8;
	v63 =	vld [tilespmem:$0x0]  }
0x337: {  	_ =	swait.ge [sflag:s21], $0x640  }
0x338: {  	[sflag:s21] =	ssyncset.done $0x0  }
0x339: {  	[sflag:s21] =	ssyncadd.s32 $0xFFFFF9C0  }
0x33a: {  	_ =	swait.ge [sflag:s21], $0x640  }
0x33b: {  	[sflag:s21] =	ssyncset.done $0x0  }
0x33c: {  	[sflag:s21] =	ssyncadd.s32 $0xFFFFF9C0  }
0x33d: {  	_ =	swait.ge [sflag:s21], $0x640  }
0x33e: {  	[sflag:s21] =	ssyncset.done $0x0  }
0x33f: {  	[sflag:s21] =	ssyncadd.s32 $0xFFFFF9C0  }
0x340: {  	_ =	swait.ge [sflag:s21], $0x640  }
0x341: {  	[sflag:s21] =	ssyncset.done $0x0  }
0x342: {  	[sflag:s21] =	ssyncadd.s32 $0xFFFFF9C0  }
0x343: {  	_ =	swait.ge [sflag:s21], $0x640  }
0x344: {  	[sflag:s21] =	ssyncset.done $0x0  }
0x345: {  	[sflag:s21] =	ssyncadd.s32 $0xFFFFF9C0  }
0x346: {  	_ =	swait.ge [sflag:s21], $0x640  }
0x347: {  	[sflag:s21] =	ssyncset.done $0x0  }
0x348: {  	[sflag:s21] =	ssyncadd.s32 $0xFFFFF9C0  }
0x349: {  	_ =	swait.ge [sflag:s21], $0x640  }
0x34a: {  	[sflag:s21] =	ssyncset.done $0x0  }
0x34b: {  	[sflag:s21] =	ssyncadd.s32 $0xFFFFF9C0  }
0x34c: {  	_ =	swait.ge [sflag:s21], $0x640  }
0x34d: {  	[sflag:s21] =	ssyncset.done $0x0  }
0x34e: {  	[sflag:s21] =	ssyncadd.s32 $0xFFFFF9C0  }
0x34f: {  	_ =	swait.ge [sflag:s21], $0x640  }
0x350: {  	[sflag:s21] =	ssyncset.done $0x0  }
0x351: {  	[sflag:s21] =	ssyncadd.s32 $0xFFFFF9C0  }
0x352: {  	_ =	swait.ge [sflag:s21], $0x640  }
0x353: {  	[sflag:s21] =	ssyncset.done $0x0  }
0x354: {  	[sflag:s21] =	ssyncadd.s32 $0xFFFFF9C0  }
0x355: {  	_ =	swait.ge [sflag:s21], $0x640  }
0x356: {  	[sflag:s21] =	ssyncset.done $0x0  }
0x357: {  	[sflag:s21] =	ssyncadd.s32 $0xFFFFF9C0  }
0x358: {  	_ =	swait.ge [sflag:s21], $0x640  }
0x359: {  	[sflag:s21] =	ssyncset.done $0x0  }
0x35a: {  	[sflag:s21] =	ssyncadd.s32 $0xFFFFF9C0  }
0x35b: {  	_ =	swait.ge [sflag:s21], $0x640  }
0x35c: {  	[sflag:s21] =	ssyncset.done $0x0  }
0x35d: {  	[sflag:s21] =	ssyncadd.s32 $0xFFFFF9C0  }
0x35e: {  	_ =	swait.ge [sflag:s21], $0x640  }
0x35f: {  	[sflag:s21] =	ssyncset.done $0x0  }
0x360: {  	[sflag:s21] =	ssyncadd.s32 $0xFFFFF9C0  }
0x361: {  	_ =	swait.ge [sflag:s21], $0x640  }
0x362: {  	[sflag:s21] =	ssyncset.done $0x0  }
0x363: {  	[sflag:s21] =	ssyncadd.s32 $0xFFFFF9C0  }
0x364: {  	_ =	swait.ge [sflag:s21], $0x640  }
0x365: {  	[sflag:s21] =	ssyncset.done $0x0  }
0x366: {  	[sflag:s21] =	ssyncadd.s32 $0xFFFFF9C0  }
0x367: {  	_ =	swait.ge [sflag:s21], $0x640  }
0x368: {  	[sflag:s21] =	ssyncset.done $0x0  }
0x369: {  	[sflag:s21] =	ssyncadd.s32 $0xFFFFF9C0  }
0x36a: {  	_ =	swait.ge [sflag:s21], $0x640  }
0x36b: {  	[sflag:s21] =	ssyncset.done $0x0  }
0x36c: {  	[sflag:s21] =	ssyncadd.s32 $0xFFFFF9C0  }
0x36d: {  	_ =	swait.ge [sflag:s21], $0x640  }
0x36e: {  	[sflag:s21] =	ssyncset.done $0x0  }
0x36f: {  	[sflag:s21] =	ssyncadd.s32 $0xFFFFF9C0  }
0x370: {  	_ =	swait.ge [sflag:s21], $0x640  }
0x371: {  	[sflag:s21] =	ssyncset.done $0x0  }
0x372: {  	[sflag:s21] =	ssyncadd.s32 $0xFFFFF9C0  }
0x373: {  	_ =	swait.ge [sflag:s21], $0x640  }
0x374: {  	[sflag:s21] =	ssyncset.done $0x0  }
0x375: {  	[sflag:s21] =	ssyncadd.s32 $0xFFFFF9C0  }
0x376: {  	_ =	swait.ge [sflag:s21], $0x640  }
0x377: {  	[sflag:s21] =	ssyncset.done $0x0  }
0x378: {  	[sflag:s21] =	ssyncadd.s32 $0xFFFFF9C0  }
0x379: {  	_ =	swait.ge [sflag:s21], $0x640  }
0x37a: {  	[sflag:s21] =	ssyncset.done $0x0  }
0x37b: {  	[sflag:s21] =	ssyncadd.s32 $0xFFFFF9C0  }
0x37c: {  	_ =	swait.ge [sflag:s21], $0x640  }
0x37d: {  	[sflag:s21] =	ssyncset.done $0x0  }
0x37e: {  	[sflag:s21] =	ssyncadd.s32 $0xFFFFF9C0  }
0x37f: {  	_ =	swait.ge [sflag:s21], $0x640  }
0x380: {  	[sflag:s21] =	ssyncset.done $0x0  }
0x381: {  	[sflag:s21] =	ssyncadd.s32 $0xFFFFF9C0  }
0x382: {  	_ =	swait.ge [sflag:s21], $0x640  }
0x383: {  	[sflag:s21] =	ssyncset.done $0x0  }
0x384: {  	[sflag:s21] =	ssyncadd.s32 $0xFFFFF9C0  }
0x385: {  	_ =	swait.ge [sflag:s21], $0x640  }
0x386: {  	[sflag:s21] =	ssyncset.done $0x0  }
0x387: {  	[sflag:s21] =	ssyncadd.s32 $0xFFFFF9C0  }
0x388: {  	_ =	swait.ge [sflag:s21], $0x640  }
0x389: {  	[sflag:s21] =	ssyncset.done $0x0  }
0x38a: {  	[sflag:s21] =	ssyncadd.s32 $0xFFFFF9C0  }
0x38b: {  	_ =	swait.ge [sflag:s21], $0x640  }
0x38c: {  	[sflag:s21] =	ssyncset.done $0x0  }
0x38d: {  	[sflag:s21] =	ssyncadd.s32 $0xFFFFF9C0  }
0x38e: {  	_ =	swait.ge [sflag:s21], $0x640  }
0x38f: {  	[sflag:s21] =	ssyncset.done $0x0  }
0x390: {  	[sflag:s21] =	ssyncadd.s32 $0xFFFFF9C0  }
0x391: {  	_ =	swait.ge [sflag:s21], $0x640  }
0x392: {  	[sflag:s21] =	ssyncset.done $0x0  }
0x393: {  	[sflag:s21] =	ssyncadd.s32 $0xFFFFF9C0  }
0x394: {  	_ =	swait.ge [sflag:s21], $0x640  }
0x395: {  	s0 =	simm.s32 $0x7000;
	s31 =	simm.s32 $0x380;
	[sflag:s21] =	ssyncset.done $0x0  }
0x396: {  	s2 =	sadd.s32 $0x0, s9;
	s26 =	simm.s32 $0x7640;
	[sflag:s21] =	ssyncadd.s32 $0xFFFFF9C0  }
.LBB2_10:
0x397: {  	[hbm4b:s2+s22] =	stream.strided.scatter [tilespmem:s0], [sflag:$0x3], $0x640, s25, s22, $0x38;
	v63 =	vld [tilespmem:$0x0]  }
0x398: {  	s2 =	smov.u32 s31;
	s0 =	smov.u32 s26;
	p0 =	sne.s32 s31, $0x6C80  }
.Ltmp4:
0x399: {  	s31 =	sadd.s32 $0x380, s31;
	(pc) =	sbr.rel @p0 .LBB2_10-.Ltmp4, $2  }
0x39a: {  	_ =	sdelay $0x2  }
0x39b: {  	s26 =	sadd.s32 $0x640, s26;
	s2 =	sadd.s32 s2, s9  }
0x39c: {  	[hbm4b:s2+s22] =	stream.strided.scatter [tilespmem:s0], [sflag:$0x3], $0x640, s25, s22, $0x38;
	v63 =	vld [tilespmem:$0x0]  }
0x39d: {  	_ =	swait.ge [sflag:s28], $0xC800  }
0x39e: {  	[sflag:s28] =	ssyncset.done $0x0  }
0x39f: {  	s26 =	simm.s32 $0x2A00;
	[sflag:s28] =	ssyncadd.s32 $0xFFFF3800  }
0x3a0: {  	[tilespmem:s30], [sflag:$0x1] =	stream.indirect.gather [hbm4b:s3+s23], $0x20, s26, s23, $0xb8;
	v63 =	vld [tilespmem:$0x0]  }
0x3a1: {  	s2 =	simm.s32 $0x7640;
	s26 =	simm.s32 $0x2A38  }
0x3a2: {  	[tilespmem:s2], [sflag:$0x1] =	stream.indirect.gather [hbm4b:s3+s23], $0x20, s26, s23, $0xb8;
	v63 =	vld [tilespmem:$0x0]  }
0x3a3: {  	s2 =	simm.s32 $0x7C80;
	s26 =	simm.s32 $0x2A70  }
0x3a4: {  	[tilespmem:s2], [sflag:$0x1] =	stream.indirect.gather [hbm4b:s3+s23], $0x20, s26, s23, $0xb8;
	v63 =	vld [tilespmem:$0x0]  }
0x3a5: {  	s2 =	simm.s32 $0x82C0;
	s26 =	simm.s32 $0x2AA8  }
0x3a6: {  	[tilespmem:s2], [sflag:$0x1] =	stream.indirect.gather [hbm4b:s3+s23], $0x20, s26, s23, $0xb8;
	v63 =	vld [tilespmem:$0x0]  }
0x3a7: {  	s2 =	simm.s32 $0x8900;
	s26 =	simm.s32 $0x2AE0  }
0x3a8: {  	[tilespmem:s2], [sflag:$0x1] =	stream.indirect.gather [hbm4b:s3+s23], $0x20, s26, s23, $0xb8;
	v63 =	vld [tilespmem:$0x0]  }
0x3a9: {  	s2 =	simm.s32 $0x8F40;
	s26 =	simm.s32 $0x2B18  }
0x3aa: {  	[tilespmem:s2], [sflag:$0x1] =	stream.indirect.gather [hbm4b:s3+s23], $0x20, s26, s23, $0xb8;
	v63 =	vld [tilespmem:$0x0]  }
0x3ab: {  	s2 =	simm.s32 $0x9580;
	s26 =	simm.s32 $0x2B50  }
0x3ac: {  	[tilespmem:s2], [sflag:$0x1] =	stream.indirect.gather [hbm4b:s3+s23], $0x20, s26, s23, $0xb8;
	v63 =	vld [tilespmem:$0x0]  }
0x3ad: {  	s2 =	simm.s32 $0x9BC0;
	s26 =	simm.s32 $0x2B88  }
0x3ae: {  	[tilespmem:s2], [sflag:$0x1] =	stream.indirect.gather [hbm4b:s3+s23], $0x20, s26, s23, $0xb8;
	v63 =	vld [tilespmem:$0x0]  }
0x3af: {  	s2 =	simm.s32 $0xA200;
	s26 =	simm.s32 $0x2BC0  }
0x3b0: {  	[tilespmem:s2], [sflag:$0x1] =	stream.indirect.gather [hbm4b:s3+s23], $0x20, s26, s23, $0xb8;
	v63 =	vld [tilespmem:$0x0]  }
0x3b1: {  	s2 =	simm.s32 $0xA840;
	s26 =	simm.s32 $0x2BF8  }
0x3b2: {  	[tilespmem:s2], [sflag:$0x1] =	stream.indirect.gather [hbm4b:s3+s23], $0x20, s26, s23, $0xb8;
	v63 =	vld [tilespmem:$0x0]  }
0x3b3: {  	s2 =	simm.s32 $0xAE80;
	s26 =	simm.s32 $0x2C30  }
0x3b4: {  	[tilespmem:s2], [sflag:$0x1] =	stream.indirect.gather [hbm4b:s3+s23], $0x20, s26, s23, $0xb8;
	v63 =	vld [tilespmem:$0x0]  }
0x3b5: {  	s2 =	simm.s32 $0xB4C0;
	s26 =	simm.s32 $0x2C68  }
0x3b6: {  	[tilespmem:s2], [sflag:$0x1] =	stream.indirect.gather [hbm4b:s3+s23], $0x20, s26, s23, $0xb8;
	v63 =	vld [tilespmem:$0x0]  }
0x3b7: {  	s2 =	simm.s32 $0xBB00;
	s26 =	simm.s32 $0x2CA0  }
0x3b8: {  	[tilespmem:s2], [sflag:$0x1] =	stream.indirect.gather [hbm4b:s3+s23], $0x20, s26, s23, $0xb8;
	v63 =	vld [tilespmem:$0x0]  }
0x3b9: {  	s2 =	simm.s32 $0xC140;
	s26 =	simm.s32 $0x2CD8  }
0x3ba: {  	[tilespmem:s2], [sflag:$0x1] =	stream.indirect.gather [hbm4b:s3+s23], $0x20, s26, s23, $0xb8;
	v63 =	vld [tilespmem:$0x0]  }
0x3bb: {  	s2 =	simm.s32 $0xC780;
	s26 =	simm.s32 $0x2D10  }
0x3bc: {  	[tilespmem:s2], [sflag:$0x1] =	stream.indirect.gather [hbm4b:s3+s23], $0x20, s26, s23, $0xb8;
	v63 =	vld [tilespmem:$0x0]  }
0x3bd: {  	s2 =	simm.s32 $0xCDC0;
	s26 =	simm.s32 $0x2D48  }
0x3be: {  	[tilespmem:s2], [sflag:$0x1] =	stream.indirect.gather [hbm4b:s3+s23], $0x20, s26, s23, $0xb8;
	v63 =	vld [tilespmem:$0x0]  }
0x3bf: {  	s2 =	simm.s32 $0xD400;
	s26 =	simm.s32 $0x2D80  }
0x3c0: {  	[tilespmem:s2], [sflag:$0x1] =	stream.indirect.gather [hbm4b:s3+s23], $0x20, s26, s23, $0xb8;
	v63 =	vld [tilespmem:$0x0]  }
0x3c1: {  	s2 =	simm.s32 $0xDA40;
	s26 =	simm.s32 $0x2DB8  }
0x3c2: {  	[tilespmem:s2], [sflag:$0x1] =	stream.indirect.gather [hbm4b:s3+s23], $0x20, s26, s23, $0xb8;
	v63 =	vld [tilespmem:$0x0]  }
0x3c3: {  	s2 =	simm.s32 $0xE080;
	s26 =	simm.s32 $0x2DF0  }
0x3c4: {  	[tilespmem:s2], [sflag:$0x1] =	stream.indirect.gather [hbm4b:s3+s23], $0x20, s26, s23, $0xb8;
	v63 =	vld [tilespmem:$0x0]  }
0x3c5: {  	s2 =	simm.s32 $0xE6C0;
	s26 =	simm.s32 $0x2E28  }
0x3c6: {  	[tilespmem:s2], [sflag:$0x1] =	stream.indirect.gather [hbm4b:s3+s23], $0x20, s26, s23, $0xb8;
	v63 =	vld [tilespmem:$0x0]  }
0x3c7: {  	s2 =	simm.s32 $0xED00;
	s26 =	simm.s32 $0x2E60  }
0x3c8: {  	[tilespmem:s2], [sflag:$0x1] =	stream.indirect.gather [hbm4b:s3+s23], $0x20, s26, s23, $0xb8;
	v63 =	vld [tilespmem:$0x0]  }
0x3c9: {  	s2 =	simm.s32 $0xF340;
	s26 =	simm.s32 $0x2E98  }
0x3ca: {  	[tilespmem:s2], [sflag:$0x1] =	stream.indirect.gather [hbm4b:s3+s23], $0x20, s26, s23, $0xb8;
	v63 =	vld [tilespmem:$0x0]  }
0x3cb: {  	s2 =	simm.s32 $0xF980;
	s26 =	simm.s32 $0x2ED0  }
0x3cc: {  	[tilespmem:s2], [sflag:$0x1] =	stream.indirect.gather [hbm4b:s3+s23], $0x20, s26, s23, $0xb8;
	v63 =	vld [tilespmem:$0x0]  }
0x3cd: {  	s2 =	simm.s32 $0xFFC0;
	s26 =	simm.s32 $0x2F08  }
0x3ce: {  	[tilespmem:s2], [sflag:$0x1] =	stream.indirect.gather [hbm4b:s3+s23], $0x20, s26, s23, $0xb8;
	v63 =	vld [tilespmem:$0x0]  }
0x3cf: {  	s2 =	simm.s32 $0x10600;
	s26 =	simm.s32 $0x2F40  }
0x3d0: {  	[tilespmem:s2], [sflag:$0x1] =	stream.indirect.gather [hbm4b:s3+s23], $0x20, s26, s23, $0xb8;
	v63 =	vld [tilespmem:$0x0]  }
0x3d1: {  	s2 =	simm.s32 $0x10C40;
	s26 =	simm.s32 $0x2F78  }
0x3d2: {  	[tilespmem:s2], [sflag:$0x1] =	stream.indirect.gather [hbm4b:s3+s23], $0x20, s26, s23, $0xb8;
	v63 =	vld [tilespmem:$0x0]  }
0x3d3: {  	s2 =	simm.s32 $0x11280;
	s26 =	simm.s32 $0x2FB0  }
0x3d4: {  	[tilespmem:s2], [sflag:$0x1] =	stream.indirect.gather [hbm4b:s3+s23], $0x20, s26, s23, $0xb8;
	v63 =	vld [tilespmem:$0x0]  }
0x3d5: {  	s2 =	simm.s32 $0x118C0;
	s26 =	simm.s32 $0x2FE8  }
0x3d6: {  	[tilespmem:s2], [sflag:$0x1] =	stream.indirect.gather [hbm4b:s3+s23], $0x20, s26, s23, $0xb8;
	v63 =	vld [tilespmem:$0x0]  }
0x3d7: {  	s2 =	simm.s32 $0x11F00;
	s26 =	simm.s32 $0x3020  }
0x3d8: {  	[tilespmem:s2], [sflag:$0x1] =	stream.indirect.gather [hbm4b:s3+s23], $0x20, s26, s23, $0xb8;
	v63 =	vld [tilespmem:$0x0]  }
0x3d9: {  	s2 =	simm.s32 $0x12540;
	s26 =	simm.s32 $0x3058  }
0x3da: {  	[tilespmem:s2], [sflag:$0x1] =	stream.indirect.gather [hbm4b:s3+s23], $0x20, s26, s23, $0xb8;
	v63 =	vld [tilespmem:$0x0]  }
0x3db: {  	s2 =	simm.s32 $0x12B80;
	s26 =	simm.s32 $0x3090  }
0x3dc: {  	[tilespmem:s2], [sflag:$0x1] =	stream.indirect.gather [hbm4b:s3+s23], $0x20, s26, s23, $0xb8;
	v63 =	vld [tilespmem:$0x0]  }
0x3dd: {  	s2 =	simm.s32 $0x131C0;
	s26 =	simm.s32 $0x30C8  }
0x3de: {  	[tilespmem:s2], [sflag:$0x1] =	stream.indirect.gather [hbm4b:s3+s23], $0x20, s26, s23, $0xb8;
	v63 =	vld [tilespmem:$0x0]  }
0x3df: {  	_ =	swait.ge [sflag:s1], $0x640  }
0x3e0: {  	[sflag:s1] =	ssyncset.done $0x0  }
0x3e1: {  	[sflag:s1] =	ssyncadd.s32 $0xFFFFF9C0  }
0x3e2: {  	_ =	swait.ge [sflag:s1], $0x640  }
0x3e3: {  	[sflag:s1] =	ssyncset.done $0x0  }
0x3e4: {  	[sflag:s1] =	ssyncadd.s32 $0xFFFFF9C0  }
0x3e5: {  	_ =	swait.ge [sflag:s1], $0x640  }
0x3e6: {  	[sflag:s1] =	ssyncset.done $0x0  }
0x3e7: {  	[sflag:s1] =	ssyncadd.s32 $0xFFFFF9C0  }
0x3e8: {  	_ =	swait.ge [sflag:s1], $0x640  }
0x3e9: {  	[sflag:s1] =	ssyncset.done $0x0  }
0x3ea: {  	[sflag:s1] =	ssyncadd.s32 $0xFFFFF9C0  }
0x3eb: {  	_ =	swait.ge [sflag:s1], $0x640  }
0x3ec: {  	[sflag:s1] =	ssyncset.done $0x0  }
0x3ed: {  	[sflag:s1] =	ssyncadd.s32 $0xFFFFF9C0  }
0x3ee: {  	_ =	swait.ge [sflag:s1], $0x640  }
0x3ef: {  	[sflag:s1] =	ssyncset.done $0x0  }
0x3f0: {  	[sflag:s1] =	ssyncadd.s32 $0xFFFFF9C0  }
0x3f1: {  	_ =	swait.ge [sflag:s1], $0x640  }
0x3f2: {  	[sflag:s1] =	ssyncset.done $0x0  }
0x3f3: {  	[sflag:s1] =	ssyncadd.s32 $0xFFFFF9C0  }
0x3f4: {  	_ =	swait.ge [sflag:s1], $0x640  }
0x3f5: {  	[sflag:s1] =	ssyncset.done $0x0  }
0x3f6: {  	[sflag:s1] =	ssyncadd.s32 $0xFFFFF9C0  }
0x3f7: {  	_ =	swait.ge [sflag:s1], $0x640  }
0x3f8: {  	[sflag:s1] =	ssyncset.done $0x0  }
0x3f9: {  	[sflag:s1] =	ssyncadd.s32 $0xFFFFF9C0  }
0x3fa: {  	_ =	swait.ge [sflag:s1], $0x640  }
0x3fb: {  	[sflag:s1] =	ssyncset.done $0x0  }
0x3fc: {  	[sflag:s1] =	ssyncadd.s32 $0xFFFFF9C0  }
0x3fd: {  	_ =	swait.ge [sflag:s1], $0x640  }
0x3fe: {  	[sflag:s1] =	ssyncset.done $0x0  }
0x3ff: {  	[sflag:s1] =	ssyncadd.s32 $0xFFFFF9C0  }
0x400: {  	_ =	swait.ge [sflag:s1], $0x640  }
0x401: {  	[sflag:s1] =	ssyncset.done $0x0  }
0x402: {  	[sflag:s1] =	ssyncadd.s32 $0xFFFFF9C0  }
0x403: {  	_ =	swait.ge [sflag:s1], $0x640  }
0x404: {  	[sflag:s1] =	ssyncset.done $0x0  }
0x405: {  	[sflag:s1] =	ssyncadd.s32 $0xFFFFF9C0  }
0x406: {  	_ =	swait.ge [sflag:s1], $0x640  }
0x407: {  	[sflag:s1] =	ssyncset.done $0x0  }
0x408: {  	[sflag:s1] =	ssyncadd.s32 $0xFFFFF9C0  }
0x409: {  	_ =	swait.ge [sflag:s1], $0x640  }
0x40a: {  	[sflag:s1] =	ssyncset.done $0x0  }
0x40b: {  	[sflag:s1] =	ssyncadd.s32 $0xFFFFF9C0  }
0x40c: {  	_ =	swait.ge [sflag:s1], $0x640  }
0x40d: {  	[sflag:s1] =	ssyncset.done $0x0  }
0x40e: {  	[sflag:s1] =	ssyncadd.s32 $0xFFFFF9C0  }
0x40f: {  	_ =	swait.ge [sflag:s1], $0x640  }
0x410: {  	[sflag:s1] =	ssyncset.done $0x0  }
0x411: {  	[sflag:s1] =	ssyncadd.s32 $0xFFFFF9C0  }
0x412: {  	_ =	swait.ge [sflag:s1], $0x640  }
0x413: {  	[sflag:s1] =	ssyncset.done $0x0  }
0x414: {  	[sflag:s1] =	ssyncadd.s32 $0xFFFFF9C0  }
0x415: {  	_ =	swait.ge [sflag:s1], $0x640  }
0x416: {  	[sflag:s1] =	ssyncset.done $0x0  }
0x417: {  	[sflag:s1] =	ssyncadd.s32 $0xFFFFF9C0  }
0x418: {  	_ =	swait.ge [sflag:s1], $0x640  }
0x419: {  	[sflag:s1] =	ssyncset.done $0x0  }
0x41a: {  	[sflag:s1] =	ssyncadd.s32 $0xFFFFF9C0  }
0x41b: {  	_ =	swait.ge [sflag:s1], $0x640  }
0x41c: {  	[sflag:s1] =	ssyncset.done $0x0  }
0x41d: {  	[sflag:s1] =	ssyncadd.s32 $0xFFFFF9C0  }
0x41e: {  	_ =	swait.ge [sflag:s1], $0x640  }
0x41f: {  	[sflag:s1] =	ssyncset.done $0x0  }
0x420: {  	[sflag:s1] =	ssyncadd.s32 $0xFFFFF9C0  }
0x421: {  	_ =	swait.ge [sflag:s1], $0x640  }
0x422: {  	[sflag:s1] =	ssyncset.done $0x0  }
0x423: {  	[sflag:s1] =	ssyncadd.s32 $0xFFFFF9C0  }
0x424: {  	_ =	swait.ge [sflag:s1], $0x640  }
0x425: {  	[sflag:s1] =	ssyncset.done $0x0  }
0x426: {  	[sflag:s1] =	ssyncadd.s32 $0xFFFFF9C0  }
0x427: {  	_ =	swait.ge [sflag:s1], $0x640  }
0x428: {  	[sflag:s1] =	ssyncset.done $0x0  }
0x429: {  	[sflag:s1] =	ssyncadd.s32 $0xFFFFF9C0  }
0x42a: {  	_ =	swait.ge [sflag:s1], $0x640  }
0x42b: {  	[sflag:s1] =	ssyncset.done $0x0  }
0x42c: {  	[sflag:s1] =	ssyncadd.s32 $0xFFFFF9C0  }
0x42d: {  	_ =	swait.ge [sflag:s1], $0x640  }
0x42e: {  	[sflag:s1] =	ssyncset.done $0x0  }
0x42f: {  	[sflag:s1] =	ssyncadd.s32 $0xFFFFF9C0  }
0x430: {  	_ =	swait.ge [sflag:s1], $0x640  }
0x431: {  	[sflag:s1] =	ssyncset.done $0x0  }
0x432: {  	[sflag:s1] =	ssyncadd.s32 $0xFFFFF9C0  }
0x433: {  	_ =	swait.ge [sflag:s1], $0x640  }
0x434: {  	[sflag:s1] =	ssyncset.done $0x0  }
0x435: {  	[sflag:s1] =	ssyncadd.s32 $0xFFFFF9C0  }
0x436: {  	_ =	swait.ge [sflag:s1], $0x640  }
0x437: {  	[sflag:s1] =	ssyncset.done $0x0  }
0x438: {  	[sflag:s1] =	ssyncadd.s32 $0xFFFFF9C0  }
0x439: {  	_ =	swait.ge [sflag:s1], $0x640  }
0x43a: {  	[sflag:s1] =	ssyncset.done $0x0  }
0x43b: {  	[sflag:s1] =	ssyncadd.s32 $0xFFFFF9C0  }
0x43c: {  	_ =	swait.ge [sflag:s1], $0x640  }
0x43d: {  	s0 =	simm.s32 $0x13800;
	s31 =	simm.s32 $0x380;
	[sflag:s1] =	ssyncset.done $0x0  }
0x43e: {  	s2 =	sadd.s32 $0x0, s10;
	s26 =	simm.s32 $0x13E40;
	[sflag:s1] =	ssyncadd.s32 $0xFFFFF9C0  }
.LBB2_12:
0x43f: {  	[hbm4b:s2+s22] =	stream.strided.scatter [tilespmem:s0], [sflag:$0x4], $0x640, s25, s22, $0x38;
	v63 =	vld [tilespmem:$0x0]  }
0x440: {  	s2 =	smov.u32 s31;
	s0 =	smov.u32 s26;
	p0 =	sne.s32 s31, $0x6C80  }
.Ltmp5:
0x441: {  	s31 =	sadd.s32 $0x380, s31;
	(pc) =	sbr.rel @p0 .LBB2_12-.Ltmp5, $2  }
0x442: {  	_ =	sdelay $0x2  }
0x443: {  	s26 =	sadd.s32 $0x640, s26;
	s2 =	sadd.s32 s2, s10  }
0x444: {  	[hbm4b:s2+s22] =	stream.strided.scatter [tilespmem:s0], [sflag:$0x4], $0x640, s25, s22, $0x38;
	v63 =	vld [tilespmem:$0x0]  }
0x445: {  	_ =	swait.ge [sflag:s24], $0xC800  }
0x446: {  	[sflag:s24] =	ssyncset.done $0x0  }
0x447: {  	s2 =	simm.s32 $0x13800;
	s26 =	simm.s32 $0x3100;
	[sflag:s24] =	ssyncadd.s32 $0xFFFF3800  }
0x448: {  	[tilespmem:s2], [sflag:$0x2] =	stream.indirect.gather [hbm4b:s3+s23], $0x20, s26, s23, $0xb8;
	v63 =	vld [tilespmem:$0x0]  }
0x449: {  	s2 =	simm.s32 $0x13E40;
	s26 =	simm.s32 $0x3138  }
0x44a: {  	[tilespmem:s2], [sflag:$0x2] =	stream.indirect.gather [hbm4b:s3+s23], $0x20, s26, s23, $0xb8;
	v63 =	vld [tilespmem:$0x0]  }
0x44b: {  	s2 =	simm.s32 $0x14480;
	s26 =	simm.s32 $0x3170  }
0x44c: {  	[tilespmem:s2], [sflag:$0x2] =	stream.indirect.gather [hbm4b:s3+s23], $0x20, s26, s23, $0xb8;
	v63 =	vld [tilespmem:$0x0]  }
0x44d: {  	s2 =	simm.s32 $0x14AC0;
	s26 =	simm.s32 $0x31A8  }
0x44e: {  	[tilespmem:s2], [sflag:$0x2] =	stream.indirect.gather [hbm4b:s3+s23], $0x20, s26, s23, $0xb8;
	v63 =	vld [tilespmem:$0x0]  }
0x44f: {  	s2 =	simm.s32 $0x15100;
	s26 =	simm.s32 $0x31E0  }
0x450: {  	[tilespmem:s2], [sflag:$0x2] =	stream.indirect.gather [hbm4b:s3+s23], $0x20, s26, s23, $0xb8;
	v63 =	vld [tilespmem:$0x0]  }
0x451: {  	s2 =	simm.s32 $0x15740;
	s26 =	simm.s32 $0x3218  }
0x452: {  	[tilespmem:s2], [sflag:$0x2] =	stream.indirect.gather [hbm4b:s3+s23], $0x20, s26, s23, $0xb8;
	v63 =	vld [tilespmem:$0x0]  }
0x453: {  	s2 =	simm.s32 $0x15D80;
	s26 =	simm.s32 $0x3250  }
0x454: {  	[tilespmem:s2], [sflag:$0x2] =	stream.indirect.gather [hbm4b:s3+s23], $0x20, s26, s23, $0xb8;
	v63 =	vld [tilespmem:$0x0]  }
0x455: {  	s2 =	simm.s32 $0x163C0;
	s26 =	simm.s32 $0x3288  }
0x456: {  	[tilespmem:s2], [sflag:$0x2] =	stream.indirect.gather [hbm4b:s3+s23], $0x20, s26, s23, $0xb8;
	v63 =	vld [tilespmem:$0x0]  }
0x457: {  	s2 =	simm.s32 $0x16A00;
	s26 =	simm.s32 $0x32C0  }
0x458: {  	[tilespmem:s2], [sflag:$0x2] =	stream.indirect.gather [hbm4b:s3+s23], $0x20, s26, s23, $0xb8;
	v63 =	vld [tilespmem:$0x0]  }
0x459: {  	s2 =	simm.s32 $0x17040;
	s26 =	simm.s32 $0x32F8  }
0x45a: {  	[tilespmem:s2], [sflag:$0x2] =	stream.indirect.gather [hbm4b:s3+s23], $0x20, s26, s23, $0xb8;
	v63 =	vld [tilespmem:$0x0]  }
0x45b: {  	s2 =	simm.s32 $0x17680;
	s26 =	simm.s32 $0x3330  }
0x45c: {  	[tilespmem:s2], [sflag:$0x2] =	stream.indirect.gather [hbm4b:s3+s23], $0x20, s26, s23, $0xb8;
	v63 =	vld [tilespmem:$0x0]  }
0x45d: {  	s2 =	simm.s32 $0x17CC0;
	s26 =	simm.s32 $0x3368  }
0x45e: {  	[tilespmem:s2], [sflag:$0x2] =	stream.indirect.gather [hbm4b:s3+s23], $0x20, s26, s23, $0xb8;
	v63 =	vld [tilespmem:$0x0]  }
0x45f: {  	s2 =	simm.s32 $0x18300;
	s26 =	simm.s32 $0x33A0  }
0x460: {  	[tilespmem:s2], [sflag:$0x2] =	stream.indirect.gather [hbm4b:s3+s23], $0x20, s26, s23, $0xb8;
	v63 =	vld [tilespmem:$0x0]  }
0x461: {  	s2 =	simm.s32 $0x18940;
	s26 =	simm.s32 $0x33D8  }
0x462: {  	[tilespmem:s2], [sflag:$0x2] =	stream.indirect.gather [hbm4b:s3+s23], $0x20, s26, s23, $0xb8;
	v63 =	vld [tilespmem:$0x0]  }
0x463: {  	s2 =	simm.s32 $0x18F80;
	s26 =	simm.s32 $0x3410  }
0x464: {  	[tilespmem:s2], [sflag:$0x2] =	stream.indirect.gather [hbm4b:s3+s23], $0x20, s26, s23, $0xb8;
	v63 =	vld [tilespmem:$0x0]  }
0x465: {  	s2 =	simm.s32 $0x195C0;
	s26 =	simm.s32 $0x3448  }
0x466: {  	[tilespmem:s2], [sflag:$0x2] =	stream.indirect.gather [hbm4b:s3+s23], $0x20, s26, s23, $0xb8;
	v63 =	vld [tilespmem:$0x0]  }
0x467: {  	s2 =	simm.s32 $0x19C00;
	s26 =	simm.s32 $0x3480  }
0x468: {  	[tilespmem:s2], [sflag:$0x2] =	stream.indirect.gather [hbm4b:s3+s23], $0x20, s26, s23, $0xb8;
	v63 =	vld [tilespmem:$0x0]  }
0x469: {  	s2 =	simm.s32 $0x1A240;
	s26 =	simm.s32 $0x34B8  }
0x46a: {  	[tilespmem:s2], [sflag:$0x2] =	stream.indirect.gather [hbm4b:s3+s23], $0x20, s26, s23, $0xb8;
	v63 =	vld [tilespmem:$0x0]  }
0x46b: {  	s2 =	simm.s32 $0x1A880;
	s26 =	simm.s32 $0x34F0  }
0x46c: {  	[tilespmem:s2], [sflag:$0x2] =	stream.indirect.gather [hbm4b:s3+s23], $0x20, s26, s23, $0xb8;
	v63 =	vld [tilespmem:$0x0]  }
0x46d: {  	s2 =	simm.s32 $0x1AEC0;
	s26 =	simm.s32 $0x3528  }
0x46e: {  	[tilespmem:s2], [sflag:$0x2] =	stream.indirect.gather [hbm4b:s3+s23], $0x20, s26, s23, $0xb8;
	v63 =	vld [tilespmem:$0x0]  }
0x46f: {  	s2 =	simm.s32 $0x1B500;
	s26 =	simm.s32 $0x3560  }
0x470: {  	[tilespmem:s2], [sflag:$0x2] =	stream.indirect.gather [hbm4b:s3+s23], $0x20, s26, s23, $0xb8;
	v63 =	vld [tilespmem:$0x0]  }
0x471: {  	s2 =	simm.s32 $0x1BB40;
	s26 =	simm.s32 $0x3598  }
0x472: {  	[tilespmem:s2], [sflag:$0x2] =	stream.indirect.gather [hbm4b:s3+s23], $0x20, s26, s23, $0xb8;
	v63 =	vld [tilespmem:$0x0]  }
0x473: {  	s2 =	simm.s32 $0x1C180;
	s26 =	simm.s32 $0x35D0  }
0x474: {  	[tilespmem:s2], [sflag:$0x2] =	stream.indirect.gather [hbm4b:s3+s23], $0x20, s26, s23, $0xb8;
	v63 =	vld [tilespmem:$0x0]  }
0x475: {  	s2 =	simm.s32 $0x1C7C0;
	s26 =	simm.s32 $0x3608  }
0x476: {  	[tilespmem:s2], [sflag:$0x2] =	stream.indirect.gather [hbm4b:s3+s23], $0x20, s26, s23, $0xb8;
	v63 =	vld [tilespmem:$0x0]  }
0x477: {  	s2 =	simm.s32 $0x1CE00;
	s26 =	simm.s32 $0x3640  }
0x478: {  	[tilespmem:s2], [sflag:$0x2] =	stream.indirect.gather [hbm4b:s3+s23], $0x20, s26, s23, $0xb8;
	v63 =	vld [tilespmem:$0x0]  }
0x479: {  	s2 =	simm.s32 $0x1D440;
	s26 =	simm.s32 $0x3678  }
0x47a: {  	[tilespmem:s2], [sflag:$0x2] =	stream.indirect.gather [hbm4b:s3+s23], $0x20, s26, s23, $0xb8;
	v63 =	vld [tilespmem:$0x0]  }
0x47b: {  	s2 =	simm.s32 $0x1DA80;
	s26 =	simm.s32 $0x36B0  }
0x47c: {  	[tilespmem:s2], [sflag:$0x2] =	stream.indirect.gather [hbm4b:s3+s23], $0x20, s26, s23, $0xb8;
	v63 =	vld [tilespmem:$0x0]  }
0x47d: {  	s2 =	simm.s32 $0x1E0C0;
	s26 =	simm.s32 $0x36E8  }
0x47e: {  	[tilespmem:s2], [sflag:$0x2] =	stream.indirect.gather [hbm4b:s3+s23], $0x20, s26, s23, $0xb8;
	v63 =	vld [tilespmem:$0x0]  }
0x47f: {  	s2 =	simm.s32 $0x1E700;
	s26 =	simm.s32 $0x3720  }
0x480: {  	[tilespmem:s2], [sflag:$0x2] =	stream.indirect.gather [hbm4b:s3+s23], $0x20, s26, s23, $0xb8;
	v63 =	vld [tilespmem:$0x0]  }
0x481: {  	s2 =	simm.s32 $0x1ED40;
	s26 =	simm.s32 $0x3758  }
0x482: {  	[tilespmem:s2], [sflag:$0x2] =	stream.indirect.gather [hbm4b:s3+s23], $0x20, s26, s23, $0xb8;
	v63 =	vld [tilespmem:$0x0]  }
0x483: {  	s2 =	simm.s32 $0x1F380;
	s26 =	simm.s32 $0x3790  }
0x484: {  	[tilespmem:s2], [sflag:$0x2] =	stream.indirect.gather [hbm4b:s3+s23], $0x20, s26, s23, $0xb8;
	v63 =	vld [tilespmem:$0x0]  }
0x485: {  	s26 =	simm.s32 $0x37C8  }
0x486: {  	[tilespmem:s4], [sflag:$0x2] =	stream.indirect.gather [hbm4b:s3+s23], $0x20, s26, s23, $0xb8;
	v63 =	vld [tilespmem:$0x0]  }
0x487: {  	_ =	swait.ge [sflag:s21], $0x640  }
0x488: {  	[sflag:s21] =	ssyncset.done $0x0  }
0x489: {  	[sflag:s21] =	ssyncadd.s32 $0xFFFFF9C0  }
0x48a: {  	_ =	swait.ge [sflag:s21], $0x640  }
0x48b: {  	[sflag:s21] =	ssyncset.done $0x0  }
0x48c: {  	[sflag:s21] =	ssyncadd.s32 $0xFFFFF9C0  }
0x48d: {  	_ =	swait.ge [sflag:s21], $0x640  }
0x48e: {  	[sflag:s21] =	ssyncset.done $0x0  }
0x48f: {  	[sflag:s21] =	ssyncadd.s32 $0xFFFFF9C0  }
0x490: {  	_ =	swait.ge [sflag:s21], $0x640  }
0x491: {  	[sflag:s21] =	ssyncset.done $0x0  }
0x492: {  	[sflag:s21] =	ssyncadd.s32 $0xFFFFF9C0  }
0x493: {  	_ =	swait.ge [sflag:s21], $0x640  }
0x494: {  	[sflag:s21] =	ssyncset.done $0x0  }
0x495: {  	[sflag:s21] =	ssyncadd.s32 $0xFFFFF9C0  }
0x496: {  	_ =	swait.ge [sflag:s21], $0x640  }
0x497: {  	[sflag:s21] =	ssyncset.done $0x0  }
0x498: {  	[sflag:s21] =	ssyncadd.s32 $0xFFFFF9C0  }
0x499: {  	_ =	swait.ge [sflag:s21], $0x640  }
0x49a: {  	[sflag:s21] =	ssyncset.done $0x0  }
0x49b: {  	[sflag:s21] =	ssyncadd.s32 $0xFFFFF9C0  }
0x49c: {  	_ =	swait.ge [sflag:s21], $0x640  }
0x49d: {  	[sflag:s21] =	ssyncset.done $0x0  }
0x49e: {  	[sflag:s21] =	ssyncadd.s32 $0xFFFFF9C0  }
0x49f: {  	_ =	swait.ge [sflag:s21], $0x640  }
0x4a0: {  	[sflag:s21] =	ssyncset.done $0x0  }
0x4a1: {  	[sflag:s21] =	ssyncadd.s32 $0xFFFFF9C0  }
0x4a2: {  	_ =	swait.ge [sflag:s21], $0x640  }
0x4a3: {  	[sflag:s21] =	ssyncset.done $0x0  }
0x4a4: {  	[sflag:s21] =	ssyncadd.s32 $0xFFFFF9C0  }
0x4a5: {  	_ =	swait.ge [sflag:s21], $0x640  }
0x4a6: {  	[sflag:s21] =	ssyncset.done $0x0  }
0x4a7: {  	[sflag:s21] =	ssyncadd.s32 $0xFFFFF9C0  }
0x4a8: {  	_ =	swait.ge [sflag:s21], $0x640  }
0x4a9: {  	[sflag:s21] =	ssyncset.done $0x0  }
0x4aa: {  	[sflag:s21] =	ssyncadd.s32 $0xFFFFF9C0  }
0x4ab: {  	_ =	swait.ge [sflag:s21], $0x640  }
0x4ac: {  	[sflag:s21] =	ssyncset.done $0x0  }
0x4ad: {  	[sflag:s21] =	ssyncadd.s32 $0xFFFFF9C0  }
0x4ae: {  	_ =	swait.ge [sflag:s21], $0x640  }
0x4af: {  	[sflag:s21] =	ssyncset.done $0x0  }
0x4b0: {  	[sflag:s21] =	ssyncadd.s32 $0xFFFFF9C0  }
0x4b1: {  	_ =	swait.ge [sflag:s21], $0x640  }
0x4b2: {  	[sflag:s21] =	ssyncset.done $0x0  }
0x4b3: {  	[sflag:s21] =	ssyncadd.s32 $0xFFFFF9C0  }
0x4b4: {  	_ =	swait.ge [sflag:s21], $0x640  }
0x4b5: {  	[sflag:s21] =	ssyncset.done $0x0  }
0x4b6: {  	[sflag:s21] =	ssyncadd.s32 $0xFFFFF9C0  }
0x4b7: {  	_ =	swait.ge [sflag:s21], $0x640  }
0x4b8: {  	[sflag:s21] =	ssyncset.done $0x0  }
0x4b9: {  	[sflag:s21] =	ssyncadd.s32 $0xFFFFF9C0  }
0x4ba: {  	_ =	swait.ge [sflag:s21], $0x640  }
0x4bb: {  	[sflag:s21] =	ssyncset.done $0x0  }
0x4bc: {  	[sflag:s21] =	ssyncadd.s32 $0xFFFFF9C0  }
0x4bd: {  	_ =	swait.ge [sflag:s21], $0x640  }
0x4be: {  	[sflag:s21] =	ssyncset.done $0x0  }
0x4bf: {  	[sflag:s21] =	ssyncadd.s32 $0xFFFFF9C0  }
0x4c0: {  	_ =	swait.ge [sflag:s21], $0x640  }
0x4c1: {  	[sflag:s21] =	ssyncset.done $0x0  }
0x4c2: {  	[sflag:s21] =	ssyncadd.s32 $0xFFFFF9C0  }
0x4c3: {  	_ =	swait.ge [sflag:s21], $0x640  }
0x4c4: {  	[sflag:s21] =	ssyncset.done $0x0  }
0x4c5: {  	[sflag:s21] =	ssyncadd.s32 $0xFFFFF9C0  }
0x4c6: {  	_ =	swait.ge [sflag:s21], $0x640  }
0x4c7: {  	[sflag:s21] =	ssyncset.done $0x0  }
0x4c8: {  	[sflag:s21] =	ssyncadd.s32 $0xFFFFF9C0  }
0x4c9: {  	_ =	swait.ge [sflag:s21], $0x640  }
0x4ca: {  	[sflag:s21] =	ssyncset.done $0x0  }
0x4cb: {  	[sflag:s21] =	ssyncadd.s32 $0xFFFFF9C0  }
0x4cc: {  	_ =	swait.ge [sflag:s21], $0x640  }
0x4cd: {  	[sflag:s21] =	ssyncset.done $0x0  }
0x4ce: {  	[sflag:s21] =	ssyncadd.s32 $0xFFFFF9C0  }
0x4cf: {  	_ =	swait.ge [sflag:s21], $0x640  }
0x4d0: {  	[sflag:s21] =	ssyncset.done $0x0  }
0x4d1: {  	[sflag:s21] =	ssyncadd.s32 $0xFFFFF9C0  }
0x4d2: {  	_ =	swait.ge [sflag:s21], $0x640  }
0x4d3: {  	[sflag:s21] =	ssyncset.done $0x0  }
0x4d4: {  	[sflag:s21] =	ssyncadd.s32 $0xFFFFF9C0  }
0x4d5: {  	_ =	swait.ge [sflag:s21], $0x640  }
0x4d6: {  	[sflag:s21] =	ssyncset.done $0x0  }
0x4d7: {  	[sflag:s21] =	ssyncadd.s32 $0xFFFFF9C0  }
0x4d8: {  	_ =	swait.ge [sflag:s21], $0x640  }
0x4d9: {  	[sflag:s21] =	ssyncset.done $0x0  }
0x4da: {  	[sflag:s21] =	ssyncadd.s32 $0xFFFFF9C0  }
0x4db: {  	_ =	swait.ge [sflag:s21], $0x640  }
0x4dc: {  	[sflag:s21] =	ssyncset.done $0x0  }
0x4dd: {  	[sflag:s21] =	ssyncadd.s32 $0xFFFFF9C0  }
0x4de: {  	_ =	swait.ge [sflag:s21], $0x640  }
0x4df: {  	[sflag:s21] =	ssyncset.done $0x0  }
0x4e0: {  	[sflag:s21] =	ssyncadd.s32 $0xFFFFF9C0  }
0x4e1: {  	_ =	swait.ge [sflag:s21], $0x640  }
0x4e2: {  	[sflag:s21] =	ssyncset.done $0x0  }
0x4e3: {  	[sflag:s21] =	ssyncadd.s32 $0xFFFFF9C0  }
0x4e4: {  	_ =	swait.ge [sflag:s21], $0x640  }
0x4e5: {  	s0 =	simm.s32 $0x7000;
	s31 =	simm.s32 $0x380;
	[sflag:s21] =	ssyncset.done $0x0  }
0x4e6: {  	s2 =	sadd.s32 $0x0, s11;
	s26 =	simm.s32 $0x7640;
	[sflag:s21] =	ssyncadd.s32 $0xFFFFF9C0  }
.LBB2_14:
0x4e7: {  	[hbm4b:s2+s22] =	stream.strided.scatter [tilespmem:s0], [sflag:$0x3], $0x640, s25, s22, $0x38;
	v63 =	vld [tilespmem:$0x0]  }
0x4e8: {  	s2 =	smov.u32 s31;
	s0 =	smov.u32 s26;
	p0 =	sne.s32 s31, $0x6C80  }
.Ltmp6:
0x4e9: {  	s31 =	sadd.s32 $0x380, s31;
	(pc) =	sbr.rel @p0 .LBB2_14-.Ltmp6, $2  }
0x4ea: {  	_ =	sdelay $0x2  }
0x4eb: {  	s26 =	sadd.s32 $0x640, s26;
	s2 =	sadd.s32 s2, s11  }
0x4ec: {  	[hbm4b:s2+s22] =	stream.strided.scatter [tilespmem:s0], [sflag:$0x3], $0x640, s25, s22, $0x38;
	v63 =	vld [tilespmem:$0x0]  }
0x4ed: {  	_ =	swait.ge [sflag:s28], $0xC800  }
0x4ee: {  	[sflag:s28] =	ssyncset.done $0x0  }
0x4ef: {  	s26 =	simm.s32 $0x3800;
	[sflag:s28] =	ssyncadd.s32 $0xFFFF3800  }
0x4f0: {  	[tilespmem:s30], [sflag:$0x1] =	stream.indirect.gather [hbm4b:s3+s23], $0x20, s26, s23, $0xb8;
	v63 =	vld [tilespmem:$0x0]  }
0x4f1: {  	s2 =	simm.s32 $0x7640;
	s26 =	simm.s32 $0x3838  }
0x4f2: {  	[tilespmem:s2], [sflag:$0x1] =	stream.indirect.gather [hbm4b:s3+s23], $0x20, s26, s23, $0xb8;
	v63 =	vld [tilespmem:$0x0]  }
0x4f3: {  	s2 =	simm.s32 $0x7C80;
	s26 =	simm.s32 $0x3870  }
0x4f4: {  	[tilespmem:s2], [sflag:$0x1] =	stream.indirect.gather [hbm4b:s3+s23], $0x20, s26, s23, $0xb8;
	v63 =	vld [tilespmem:$0x0]  }
0x4f5: {  	s2 =	simm.s32 $0x82C0;
	s26 =	simm.s32 $0x38A8  }
0x4f6: {  	[tilespmem:s2], [sflag:$0x1] =	stream.indirect.gather [hbm4b:s3+s23], $0x20, s26, s23, $0xb8;
	v63 =	vld [tilespmem:$0x0]  }
0x4f7: {  	s2 =	simm.s32 $0x8900;
	s26 =	simm.s32 $0x38E0  }
0x4f8: {  	[tilespmem:s2], [sflag:$0x1] =	stream.indirect.gather [hbm4b:s3+s23], $0x20, s26, s23, $0xb8;
	v63 =	vld [tilespmem:$0x0]  }
0x4f9: {  	s2 =	simm.s32 $0x8F40;
	s26 =	simm.s32 $0x3918  }
0x4fa: {  	[tilespmem:s2], [sflag:$0x1] =	stream.indirect.gather [hbm4b:s3+s23], $0x20, s26, s23, $0xb8;
	v63 =	vld [tilespmem:$0x0]  }
0x4fb: {  	s2 =	simm.s32 $0x9580;
	s26 =	simm.s32 $0x3950  }
0x4fc: {  	[tilespmem:s2], [sflag:$0x1] =	stream.indirect.gather [hbm4b:s3+s23], $0x20, s26, s23, $0xb8;
	v63 =	vld [tilespmem:$0x0]  }
0x4fd: {  	s2 =	simm.s32 $0x9BC0;
	s26 =	simm.s32 $0x3988  }
0x4fe: {  	[tilespmem:s2], [sflag:$0x1] =	stream.indirect.gather [hbm4b:s3+s23], $0x20, s26, s23, $0xb8;
	v63 =	vld [tilespmem:$0x0]  }
0x4ff: {  	s2 =	simm.s32 $0xA200;
	s26 =	simm.s32 $0x39C0  }
0x500: {  	[tilespmem:s2], [sflag:$0x1] =	stream.indirect.gather [hbm4b:s3+s23], $0x20, s26, s23, $0xb8;
	v63 =	vld [tilespmem:$0x0]  }
0x501: {  	s2 =	simm.s32 $0xA840;
	s26 =	simm.s32 $0x39F8  }
0x502: {  	[tilespmem:s2], [sflag:$0x1] =	stream.indirect.gather [hbm4b:s3+s23], $0x20, s26, s23, $0xb8;
	v63 =	vld [tilespmem:$0x0]  }
0x503: {  	s2 =	simm.s32 $0xAE80;
	s26 =	simm.s32 $0x3A30  }
0x504: {  	[tilespmem:s2], [sflag:$0x1] =	stream.indirect.gather [hbm4b:s3+s23], $0x20, s26, s23, $0xb8;
	v63 =	vld [tilespmem:$0x0]  }
0x505: {  	s2 =	simm.s32 $0xB4C0;
	s26 =	simm.s32 $0x3A68  }
0x506: {  	[tilespmem:s2], [sflag:$0x1] =	stream.indirect.gather [hbm4b:s3+s23], $0x20, s26, s23, $0xb8;
	v63 =	vld [tilespmem:$0x0]  }
0x507: {  	s2 =	simm.s32 $0xBB00;
	s26 =	simm.s32 $0x3AA0  }
0x508: {  	[tilespmem:s2], [sflag:$0x1] =	stream.indirect.gather [hbm4b:s3+s23], $0x20, s26, s23, $0xb8;
	v63 =	vld [tilespmem:$0x0]  }
0x509: {  	s2 =	simm.s32 $0xC140;
	s26 =	simm.s32 $0x3AD8  }
0x50a: {  	[tilespmem:s2], [sflag:$0x1] =	stream.indirect.gather [hbm4b:s3+s23], $0x20, s26, s23, $0xb8;
	v63 =	vld [tilespmem:$0x0]  }
0x50b: {  	s2 =	simm.s32 $0xC780;
	s26 =	simm.s32 $0x3B10  }
0x50c: {  	[tilespmem:s2], [sflag:$0x1] =	stream.indirect.gather [hbm4b:s3+s23], $0x20, s26, s23, $0xb8;
	v63 =	vld [tilespmem:$0x0]  }
0x50d: {  	s2 =	simm.s32 $0xCDC0;
	s26 =	simm.s32 $0x3B48  }
0x50e: {  	[tilespmem:s2], [sflag:$0x1] =	stream.indirect.gather [hbm4b:s3+s23], $0x20, s26, s23, $0xb8;
	v63 =	vld [tilespmem:$0x0]  }
0x50f: {  	s2 =	simm.s32 $0xD400;
	s26 =	simm.s32 $0x3B80  }
0x510: {  	[tilespmem:s2], [sflag:$0x1] =	stream.indirect.gather [hbm4b:s3+s23], $0x20, s26, s23, $0xb8;
	v63 =	vld [tilespmem:$0x0]  }
0x511: {  	s2 =	simm.s32 $0xDA40;
	s26 =	simm.s32 $0x3BB8  }
0x512: {  	[tilespmem:s2], [sflag:$0x1] =	stream.indirect.gather [hbm4b:s3+s23], $0x20, s26, s23, $0xb8;
	v63 =	vld [tilespmem:$0x0]  }
0x513: {  	s2 =	simm.s32 $0xE080;
	s26 =	simm.s32 $0x3BF0  }
0x514: {  	[tilespmem:s2], [sflag:$0x1] =	stream.indirect.gather [hbm4b:s3+s23], $0x20, s26, s23, $0xb8;
	v63 =	vld [tilespmem:$0x0]  }
0x515: {  	s2 =	simm.s32 $0xE6C0;
	s26 =	simm.s32 $0x3C28  }
0x516: {  	[tilespmem:s2], [sflag:$0x1] =	stream.indirect.gather [hbm4b:s3+s23], $0x20, s26, s23, $0xb8;
	v63 =	vld [tilespmem:$0x0]  }
0x517: {  	s2 =	simm.s32 $0xED00;
	s26 =	simm.s32 $0x3C60  }
0x518: {  	[tilespmem:s2], [sflag:$0x1] =	stream.indirect.gather [hbm4b:s3+s23], $0x20, s26, s23, $0xb8;
	v63 =	vld [tilespmem:$0x0]  }
0x519: {  	s2 =	simm.s32 $0xF340;
	s26 =	simm.s32 $0x3C98  }
0x51a: {  	[tilespmem:s2], [sflag:$0x1] =	stream.indirect.gather [hbm4b:s3+s23], $0x20, s26, s23, $0xb8;
	v63 =	vld [tilespmem:$0x0]  }
0x51b: {  	s2 =	simm.s32 $0xF980;
	s26 =	simm.s32 $0x3CD0  }
0x51c: {  	[tilespmem:s2], [sflag:$0x1] =	stream.indirect.gather [hbm4b:s3+s23], $0x20, s26, s23, $0xb8;
	v63 =	vld [tilespmem:$0x0]  }
0x51d: {  	s2 =	simm.s32 $0xFFC0;
	s26 =	simm.s32 $0x3D08  }
0x51e: {  	[tilespmem:s2], [sflag:$0x1] =	stream.indirect.gather [hbm4b:s3+s23], $0x20, s26, s23, $0xb8;
	v63 =	vld [tilespmem:$0x0]  }
0x51f: {  	s2 =	simm.s32 $0x10600;
	s26 =	simm.s32 $0x3D40  }
0x520: {  	[tilespmem:s2], [sflag:$0x1] =	stream.indirect.gather [hbm4b:s3+s23], $0x20, s26, s23, $0xb8;
	v63 =	vld [tilespmem:$0x0]  }
0x521: {  	s2 =	simm.s32 $0x10C40;
	s26 =	simm.s32 $0x3D78  }
0x522: {  	[tilespmem:s2], [sflag:$0x1] =	stream.indirect.gather [hbm4b:s3+s23], $0x20, s26, s23, $0xb8;
	v63 =	vld [tilespmem:$0x0]  }
0x523: {  	s2 =	simm.s32 $0x11280;
	s26 =	simm.s32 $0x3DB0  }
0x524: {  	[tilespmem:s2], [sflag:$0x1] =	stream.indirect.gather [hbm4b:s3+s23], $0x20, s26, s23, $0xb8;
	v63 =	vld [tilespmem:$0x0]  }
0x525: {  	s2 =	simm.s32 $0x118C0;
	s26 =	simm.s32 $0x3DE8  }
0x526: {  	[tilespmem:s2], [sflag:$0x1] =	stream.indirect.gather [hbm4b:s3+s23], $0x20, s26, s23, $0xb8;
	v63 =	vld [tilespmem:$0x0]  }
0x527: {  	s2 =	simm.s32 $0x11F00;
	s26 =	simm.s32 $0x3E20  }
0x528: {  	[tilespmem:s2], [sflag:$0x1] =	stream.indirect.gather [hbm4b:s3+s23], $0x20, s26, s23, $0xb8;
	v63 =	vld [tilespmem:$0x0]  }
0x529: {  	s2 =	simm.s32 $0x12540;
	s26 =	simm.s32 $0x3E58  }
0x52a: {  	[tilespmem:s2], [sflag:$0x1] =	stream.indirect.gather [hbm4b:s3+s23], $0x20, s26, s23, $0xb8;
	v63 =	vld [tilespmem:$0x0]  }
0x52b: {  	s2 =	simm.s32 $0x12B80;
	s26 =	simm.s32 $0x3E90  }
0x52c: {  	[tilespmem:s2], [sflag:$0x1] =	stream.indirect.gather [hbm4b:s3+s23], $0x20, s26, s23, $0xb8;
	v63 =	vld [tilespmem:$0x0]  }
0x52d: {  	s2 =	simm.s32 $0x131C0;
	s26 =	simm.s32 $0x3EC8  }
0x52e: {  	[tilespmem:s2], [sflag:$0x1] =	stream.indirect.gather [hbm4b:s3+s23], $0x20, s26, s23, $0xb8;
	v63 =	vld [tilespmem:$0x0]  }
0x52f: {  	_ =	swait.ge [sflag:s1], $0x640  }
0x530: {  	[sflag:s1] =	ssyncset.done $0x0  }
0x531: {  	[sflag:s1] =	ssyncadd.s32 $0xFFFFF9C0  }
0x532: {  	_ =	swait.ge [sflag:s1], $0x640  }
0x533: {  	[sflag:s1] =	ssyncset.done $0x0  }
0x534: {  	[sflag:s1] =	ssyncadd.s32 $0xFFFFF9C0  }
0x535: {  	_ =	swait.ge [sflag:s1], $0x640  }
0x536: {  	[sflag:s1] =	ssyncset.done $0x0  }
0x537: {  	[sflag:s1] =	ssyncadd.s32 $0xFFFFF9C0  }
0x538: {  	_ =	swait.ge [sflag:s1], $0x640  }
0x539: {  	[sflag:s1] =	ssyncset.done $0x0  }
0x53a: {  	[sflag:s1] =	ssyncadd.s32 $0xFFFFF9C0  }
0x53b: {  	_ =	swait.ge [sflag:s1], $0x640  }
0x53c: {  	[sflag:s1] =	ssyncset.done $0x0  }
0x53d: {  	[sflag:s1] =	ssyncadd.s32 $0xFFFFF9C0  }
0x53e: {  	_ =	swait.ge [sflag:s1], $0x640  }
0x53f: {  	[sflag:s1] =	ssyncset.done $0x0  }
0x540: {  	[sflag:s1] =	ssyncadd.s32 $0xFFFFF9C0  }
0x541: {  	_ =	swait.ge [sflag:s1], $0x640  }
0x542: {  	[sflag:s1] =	ssyncset.done $0x0  }
0x543: {  	[sflag:s1] =	ssyncadd.s32 $0xFFFFF9C0  }
0x544: {  	_ =	swait.ge [sflag:s1], $0x640  }
0x545: {  	[sflag:s1] =	ssyncset.done $0x0  }
0x546: {  	[sflag:s1] =	ssyncadd.s32 $0xFFFFF9C0  }
0x547: {  	_ =	swait.ge [sflag:s1], $0x640  }
0x548: {  	[sflag:s1] =	ssyncset.done $0x0  }
0x549: {  	[sflag:s1] =	ssyncadd.s32 $0xFFFFF9C0  }
0x54a: {  	_ =	swait.ge [sflag:s1], $0x640  }
0x54b: {  	[sflag:s1] =	ssyncset.done $0x0  }
0x54c: {  	[sflag:s1] =	ssyncadd.s32 $0xFFFFF9C0  }
0x54d: {  	_ =	swait.ge [sflag:s1], $0x640  }
0x54e: {  	[sflag:s1] =	ssyncset.done $0x0  }
0x54f: {  	[sflag:s1] =	ssyncadd.s32 $0xFFFFF9C0  }
0x550: {  	_ =	swait.ge [sflag:s1], $0x640  }
0x551: {  	[sflag:s1] =	ssyncset.done $0x0  }
0x552: {  	[sflag:s1] =	ssyncadd.s32 $0xFFFFF9C0  }
0x553: {  	_ =	swait.ge [sflag:s1], $0x640  }
0x554: {  	[sflag:s1] =	ssyncset.done $0x0  }
0x555: {  	[sflag:s1] =	ssyncadd.s32 $0xFFFFF9C0  }
0x556: {  	_ =	swait.ge [sflag:s1], $0x640  }
0x557: {  	[sflag:s1] =	ssyncset.done $0x0  }
0x558: {  	[sflag:s1] =	ssyncadd.s32 $0xFFFFF9C0  }
0x559: {  	_ =	swait.ge [sflag:s1], $0x640  }
0x55a: {  	[sflag:s1] =	ssyncset.done $0x0  }
0x55b: {  	[sflag:s1] =	ssyncadd.s32 $0xFFFFF9C0  }
0x55c: {  	_ =	swait.ge [sflag:s1], $0x640  }
0x55d: {  	[sflag:s1] =	ssyncset.done $0x0  }
0x55e: {  	[sflag:s1] =	ssyncadd.s32 $0xFFFFF9C0  }
0x55f: {  	_ =	swait.ge [sflag:s1], $0x640  }
0x560: {  	[sflag:s1] =	ssyncset.done $0x0  }
0x561: {  	[sflag:s1] =	ssyncadd.s32 $0xFFFFF9C0  }
0x562: {  	_ =	swait.ge [sflag:s1], $0x640  }
0x563: {  	[sflag:s1] =	ssyncset.done $0x0  }
0x564: {  	[sflag:s1] =	ssyncadd.s32 $0xFFFFF9C0  }
0x565: {  	_ =	swait.ge [sflag:s1], $0x640  }
0x566: {  	[sflag:s1] =	ssyncset.done $0x0  }
0x567: {  	[sflag:s1] =	ssyncadd.s32 $0xFFFFF9C0  }
0x568: {  	_ =	swait.ge [sflag:s1], $0x640  }
0x569: {  	[sflag:s1] =	ssyncset.done $0x0  }
0x56a: {  	[sflag:s1] =	ssyncadd.s32 $0xFFFFF9C0  }
0x56b: {  	_ =	swait.ge [sflag:s1], $0x640  }
0x56c: {  	[sflag:s1] =	ssyncset.done $0x0  }
0x56d: {  	[sflag:s1] =	ssyncadd.s32 $0xFFFFF9C0  }
0x56e: {  	_ =	swait.ge [sflag:s1], $0x640  }
0x56f: {  	[sflag:s1] =	ssyncset.done $0x0  }
0x570: {  	[sflag:s1] =	ssyncadd.s32 $0xFFFFF9C0  }
0x571: {  	_ =	swait.ge [sflag:s1], $0x640  }
0x572: {  	[sflag:s1] =	ssyncset.done $0x0  }
0x573: {  	[sflag:s1] =	ssyncadd.s32 $0xFFFFF9C0  }
0x574: {  	_ =	swait.ge [sflag:s1], $0x640  }
0x575: {  	[sflag:s1] =	ssyncset.done $0x0  }
0x576: {  	[sflag:s1] =	ssyncadd.s32 $0xFFFFF9C0  }
0x577: {  	_ =	swait.ge [sflag:s1], $0x640  }
0x578: {  	[sflag:s1] =	ssyncset.done $0x0  }
0x579: {  	[sflag:s1] =	ssyncadd.s32 $0xFFFFF9C0  }
0x57a: {  	_ =	swait.ge [sflag:s1], $0x640  }
0x57b: {  	[sflag:s1] =	ssyncset.done $0x0  }
0x57c: {  	[sflag:s1] =	ssyncadd.s32 $0xFFFFF9C0  }
0x57d: {  	_ =	swait.ge [sflag:s1], $0x640  }
0x57e: {  	[sflag:s1] =	ssyncset.done $0x0  }
0x57f: {  	[sflag:s1] =	ssyncadd.s32 $0xFFFFF9C0  }
0x580: {  	_ =	swait.ge [sflag:s1], $0x640  }
0x581: {  	[sflag:s1] =	ssyncset.done $0x0  }
0x582: {  	[sflag:s1] =	ssyncadd.s32 $0xFFFFF9C0  }
0x583: {  	_ =	swait.ge [sflag:s1], $0x640  }
0x584: {  	[sflag:s1] =	ssyncset.done $0x0  }
0x585: {  	[sflag:s1] =	ssyncadd.s32 $0xFFFFF9C0  }
0x586: {  	_ =	swait.ge [sflag:s1], $0x640  }
0x587: {  	[sflag:s1] =	ssyncset.done $0x0  }
0x588: {  	[sflag:s1] =	ssyncadd.s32 $0xFFFFF9C0  }
0x589: {  	_ =	swait.ge [sflag:s1], $0x640  }
0x58a: {  	[sflag:s1] =	ssyncset.done $0x0  }
0x58b: {  	[sflag:s1] =	ssyncadd.s32 $0xFFFFF9C0  }
0x58c: {  	_ =	swait.ge [sflag:s1], $0x640  }
0x58d: {  	s0 =	simm.s32 $0x13800;
	s31 =	simm.s32 $0x380;
	[sflag:s1] =	ssyncset.done $0x0  }
0x58e: {  	s2 =	sadd.s32 $0x0, s12;
	s26 =	simm.s32 $0x13E40;
	[sflag:s1] =	ssyncadd.s32 $0xFFFFF9C0  }
.LBB2_16:
0x58f: {  	[hbm4b:s2+s22] =	stream.strided.scatter [tilespmem:s0], [sflag:$0x4], $0x640, s25, s22, $0x38;
	v63 =	vld [tilespmem:$0x0]  }
0x590: {  	s2 =	smov.u32 s31;
	s0 =	smov.u32 s26;
	p0 =	sne.s32 s31, $0x6C80  }
.Ltmp7:
0x591: {  	s31 =	sadd.s32 $0x380, s31;
	(pc) =	sbr.rel @p0 .LBB2_16-.Ltmp7, $2  }
0x592: {  	_ =	sdelay $0x2  }
0x593: {  	s26 =	sadd.s32 $0x640, s26;
	s2 =	sadd.s32 s2, s12  }
0x594: {  	[hbm4b:s2+s22] =	stream.strided.scatter [tilespmem:s0], [sflag:$0x4], $0x640, s25, s22, $0x38;
	v63 =	vld [tilespmem:$0x0]  }
0x595: {  	_ =	swait.ge [sflag:s24], $0xC800  }
0x596: {  	[sflag:s24] =	ssyncset.done $0x0  }
0x597: {  	s2 =	simm.s32 $0x13800;
	s26 =	simm.s32 $0x3F00;
	[sflag:s24] =	ssyncadd.s32 $0xFFFF3800  }
0x598: {  	[tilespmem:s2], [sflag:$0x2] =	stream.indirect.gather [hbm4b:s3+s23], $0x20, s26, s23, $0xb8;
	v63 =	vld [tilespmem:$0x0]  }
0x599: {  	s2 =	simm.s32 $0x13E40;
	s26 =	simm.s32 $0x3F38  }
0x59a: {  	[tilespmem:s2], [sflag:$0x2] =	stream.indirect.gather [hbm4b:s3+s23], $0x20, s26, s23, $0xb8;
	v63 =	vld [tilespmem:$0x0]  }
0x59b: {  	s2 =	simm.s32 $0x14480;
	s26 =	simm.s32 $0x3F70  }
0x59c: {  	[tilespmem:s2], [sflag:$0x2] =	stream.indirect.gather [hbm4b:s3+s23], $0x20, s26, s23, $0xb8;
	v63 =	vld [tilespmem:$0x0]  }
0x59d: {  	s2 =	simm.s32 $0x14AC0;
	s26 =	simm.s32 $0x3FA8  }
0x59e: {  	[tilespmem:s2], [sflag:$0x2] =	stream.indirect.gather [hbm4b:s3+s23], $0x20, s26, s23, $0xb8;
	v63 =	vld [tilespmem:$0x0]  }
0x59f: {  	s2 =	simm.s32 $0x15100;
	s26 =	simm.s32 $0x3FE0  }
0x5a0: {  	[tilespmem:s2], [sflag:$0x2] =	stream.indirect.gather [hbm4b:s3+s23], $0x20, s26, s23, $0xb8;
	v63 =	vld [tilespmem:$0x0]  }
0x5a1: {  	s2 =	simm.s32 $0x15740;
	s26 =	simm.s32 $0x4018  }
0x5a2: {  	[tilespmem:s2], [sflag:$0x2] =	stream.indirect.gather [hbm4b:s3+s23], $0x20, s26, s23, $0xb8;
	v63 =	vld [tilespmem:$0x0]  }
0x5a3: {  	s2 =	simm.s32 $0x15D80;
	s26 =	simm.s32 $0x4050  }
0x5a4: {  	[tilespmem:s2], [sflag:$0x2] =	stream.indirect.gather [hbm4b:s3+s23], $0x20, s26, s23, $0xb8;
	v63 =	vld [tilespmem:$0x0]  }
0x5a5: {  	s2 =	simm.s32 $0x163C0;
	s26 =	simm.s32 $0x4088  }
0x5a6: {  	[tilespmem:s2], [sflag:$0x2] =	stream.indirect.gather [hbm4b:s3+s23], $0x20, s26, s23, $0xb8;
	v63 =	vld [tilespmem:$0x0]  }
0x5a7: {  	s2 =	simm.s32 $0x16A00;
	s26 =	simm.s32 $0x40C0  }
0x5a8: {  	[tilespmem:s2], [sflag:$0x2] =	stream.indirect.gather [hbm4b:s3+s23], $0x20, s26, s23, $0xb8;
	v63 =	vld [tilespmem:$0x0]  }
0x5a9: {  	s2 =	simm.s32 $0x17040;
	s26 =	simm.s32 $0x40F8  }
0x5aa: {  	[tilespmem:s2], [sflag:$0x2] =	stream.indirect.gather [hbm4b:s3+s23], $0x20, s26, s23, $0xb8;
	v63 =	vld [tilespmem:$0x0]  }
0x5ab: {  	s2 =	simm.s32 $0x17680;
	s26 =	simm.s32 $0x4130  }
0x5ac: {  	[tilespmem:s2], [sflag:$0x2] =	stream.indirect.gather [hbm4b:s3+s23], $0x20, s26, s23, $0xb8;
	v63 =	vld [tilespmem:$0x0]  }
0x5ad: {  	s2 =	simm.s32 $0x17CC0;
	s26 =	simm.s32 $0x4168  }
0x5ae: {  	[tilespmem:s2], [sflag:$0x2] =	stream.indirect.gather [hbm4b:s3+s23], $0x20, s26, s23, $0xb8;
	v63 =	vld [tilespmem:$0x0]  }
0x5af: {  	s2 =	simm.s32 $0x18300;
	s26 =	simm.s32 $0x41A0  }
0x5b0: {  	[tilespmem:s2], [sflag:$0x2] =	stream.indirect.gather [hbm4b:s3+s23], $0x20, s26, s23, $0xb8;
	v63 =	vld [tilespmem:$0x0]  }
0x5b1: {  	s2 =	simm.s32 $0x18940;
	s26 =	simm.s32 $0x41D8  }
0x5b2: {  	[tilespmem:s2], [sflag:$0x2] =	stream.indirect.gather [hbm4b:s3+s23], $0x20, s26, s23, $0xb8;
	v63 =	vld [tilespmem:$0x0]  }
0x5b3: {  	s2 =	simm.s32 $0x18F80;
	s26 =	simm.s32 $0x4210  }
0x5b4: {  	[tilespmem:s2], [sflag:$0x2] =	stream.indirect.gather [hbm4b:s3+s23], $0x20, s26, s23, $0xb8;
	v63 =	vld [tilespmem:$0x0]  }
0x5b5: {  	s2 =	simm.s32 $0x195C0;
	s26 =	simm.s32 $0x4248  }
0x5b6: {  	[tilespmem:s2], [sflag:$0x2] =	stream.indirect.gather [hbm4b:s3+s23], $0x20, s26, s23, $0xb8;
	v63 =	vld [tilespmem:$0x0]  }
0x5b7: {  	s2 =	simm.s32 $0x19C00;
	s26 =	simm.s32 $0x4280  }
0x5b8: {  	[tilespmem:s2], [sflag:$0x2] =	stream.indirect.gather [hbm4b:s3+s23], $0x20, s26, s23, $0xb8;
	v63 =	vld [tilespmem:$0x0]  }
0x5b9: {  	s2 =	simm.s32 $0x1A240;
	s26 =	simm.s32 $0x42B8  }
0x5ba: {  	[tilespmem:s2], [sflag:$0x2] =	stream.indirect.gather [hbm4b:s3+s23], $0x20, s26, s23, $0xb8;
	v63 =	vld [tilespmem:$0x0]  }
0x5bb: {  	s2 =	simm.s32 $0x1A880;
	s26 =	simm.s32 $0x42F0  }
0x5bc: {  	[tilespmem:s2], [sflag:$0x2] =	stream.indirect.gather [hbm4b:s3+s23], $0x20, s26, s23, $0xb8;
	v63 =	vld [tilespmem:$0x0]  }
0x5bd: {  	s2 =	simm.s32 $0x1AEC0;
	s26 =	simm.s32 $0x4328  }
0x5be: {  	[tilespmem:s2], [sflag:$0x2] =	stream.indirect.gather [hbm4b:s3+s23], $0x20, s26, s23, $0xb8;
	v63 =	vld [tilespmem:$0x0]  }
0x5bf: {  	s2 =	simm.s32 $0x1B500;
	s26 =	simm.s32 $0x4360  }
0x5c0: {  	[tilespmem:s2], [sflag:$0x2] =	stream.indirect.gather [hbm4b:s3+s23], $0x20, s26, s23, $0xb8;
	v63 =	vld [tilespmem:$0x0]  }
0x5c1: {  	s2 =	simm.s32 $0x1BB40;
	s26 =	simm.s32 $0x4398  }
0x5c2: {  	[tilespmem:s2], [sflag:$0x2] =	stream.indirect.gather [hbm4b:s3+s23], $0x20, s26, s23, $0xb8;
	v63 =	vld [tilespmem:$0x0]  }
0x5c3: {  	s2 =	simm.s32 $0x1C180;
	s26 =	simm.s32 $0x43D0  }
0x5c4: {  	[tilespmem:s2], [sflag:$0x2] =	stream.indirect.gather [hbm4b:s3+s23], $0x20, s26, s23, $0xb8;
	v63 =	vld [tilespmem:$0x0]  }
0x5c5: {  	s2 =	simm.s32 $0x1C7C0;
	s26 =	simm.s32 $0x4408  }
0x5c6: {  	[tilespmem:s2], [sflag:$0x2] =	stream.indirect.gather [hbm4b:s3+s23], $0x20, s26, s23, $0xb8;
	v63 =	vld [tilespmem:$0x0]  }
0x5c7: {  	s2 =	simm.s32 $0x1CE00;
	s26 =	simm.s32 $0x4440  }
0x5c8: {  	[tilespmem:s2], [sflag:$0x2] =	stream.indirect.gather [hbm4b:s3+s23], $0x20, s26, s23, $0xb8;
	v63 =	vld [tilespmem:$0x0]  }
0x5c9: {  	s2 =	simm.s32 $0x1D440;
	s26 =	simm.s32 $0x4478  }
0x5ca: {  	[tilespmem:s2], [sflag:$0x2] =	stream.indirect.gather [hbm4b:s3+s23], $0x20, s26, s23, $0xb8;
	v63 =	vld [tilespmem:$0x0]  }
0x5cb: {  	s2 =	simm.s32 $0x1DA80;
	s26 =	simm.s32 $0x44B0  }
0x5cc: {  	[tilespmem:s2], [sflag:$0x2] =	stream.indirect.gather [hbm4b:s3+s23], $0x20, s26, s23, $0xb8;
	v63 =	vld [tilespmem:$0x0]  }
0x5cd: {  	s2 =	simm.s32 $0x1E0C0;
	s26 =	simm.s32 $0x44E8  }
0x5ce: {  	[tilespmem:s2], [sflag:$0x2] =	stream.indirect.gather [hbm4b:s3+s23], $0x20, s26, s23, $0xb8;
	v63 =	vld [tilespmem:$0x0]  }
0x5cf: {  	s2 =	simm.s32 $0x1E700;
	s26 =	simm.s32 $0x4520  }
0x5d0: {  	[tilespmem:s2], [sflag:$0x2] =	stream.indirect.gather [hbm4b:s3+s23], $0x20, s26, s23, $0xb8;
	v63 =	vld [tilespmem:$0x0]  }
0x5d1: {  	s2 =	simm.s32 $0x1ED40;
	s26 =	simm.s32 $0x4558  }
0x5d2: {  	[tilespmem:s2], [sflag:$0x2] =	stream.indirect.gather [hbm4b:s3+s23], $0x20, s26, s23, $0xb8;
	v63 =	vld [tilespmem:$0x0]  }
0x5d3: {  	s2 =	simm.s32 $0x1F380;
	s26 =	simm.s32 $0x4590  }
0x5d4: {  	[tilespmem:s2], [sflag:$0x2] =	stream.indirect.gather [hbm4b:s3+s23], $0x20, s26, s23, $0xb8;
	v63 =	vld [tilespmem:$0x0]  }
0x5d5: {  	s26 =	simm.s32 $0x45C8  }
0x5d6: {  	[tilespmem:s4], [sflag:$0x2] =	stream.indirect.gather [hbm4b:s3+s23], $0x20, s26, s23, $0xb8;
	v63 =	vld [tilespmem:$0x0]  }
0x5d7: {  	_ =	swait.ge [sflag:s21], $0x640  }
0x5d8: {  	[sflag:s21] =	ssyncset.done $0x0  }
0x5d9: {  	[sflag:s21] =	ssyncadd.s32 $0xFFFFF9C0  }
0x5da: {  	_ =	swait.ge [sflag:s21], $0x640  }
0x5db: {  	[sflag:s21] =	ssyncset.done $0x0  }
0x5dc: {  	[sflag:s21] =	ssyncadd.s32 $0xFFFFF9C0  }
0x5dd: {  	_ =	swait.ge [sflag:s21], $0x640  }
0x5de: {  	[sflag:s21] =	ssyncset.done $0x0  }
0x5df: {  	[sflag:s21] =	ssyncadd.s32 $0xFFFFF9C0  }
0x5e0: {  	_ =	swait.ge [sflag:s21], $0x640  }
0x5e1: {  	[sflag:s21] =	ssyncset.done $0x0  }
0x5e2: {  	[sflag:s21] =	ssyncadd.s32 $0xFFFFF9C0  }
0x5e3: {  	_ =	swait.ge [sflag:s21], $0x640  }
0x5e4: {  	[sflag:s21] =	ssyncset.done $0x0  }
0x5e5: {  	[sflag:s21] =	ssyncadd.s32 $0xFFFFF9C0  }
0x5e6: {  	_ =	swait.ge [sflag:s21], $0x640  }
0x5e7: {  	[sflag:s21] =	ssyncset.done $0x0  }
0x5e8: {  	[sflag:s21] =	ssyncadd.s32 $0xFFFFF9C0  }
0x5e9: {  	_ =	swait.ge [sflag:s21], $0x640  }
0x5ea: {  	[sflag:s21] =	ssyncset.done $0x0  }
0x5eb: {  	[sflag:s21] =	ssyncadd.s32 $0xFFFFF9C0  }
0x5ec: {  	_ =	swait.ge [sflag:s21], $0x640  }
0x5ed: {  	[sflag:s21] =	ssyncset.done $0x0  }
0x5ee: {  	[sflag:s21] =	ssyncadd.s32 $0xFFFFF9C0  }
0x5ef: {  	_ =	swait.ge [sflag:s21], $0x640  }
0x5f0: {  	[sflag:s21] =	ssyncset.done $0x0  }
0x5f1: {  	[sflag:s21] =	ssyncadd.s32 $0xFFFFF9C0  }
0x5f2: {  	_ =	swait.ge [sflag:s21], $0x640  }
0x5f3: {  	[sflag:s21] =	ssyncset.done $0x0  }
0x5f4: {  	[sflag:s21] =	ssyncadd.s32 $0xFFFFF9C0  }
0x5f5: {  	_ =	swait.ge [sflag:s21], $0x640  }
0x5f6: {  	[sflag:s21] =	ssyncset.done $0x0  }
0x5f7: {  	[sflag:s21] =	ssyncadd.s32 $0xFFFFF9C0  }
0x5f8: {  	_ =	swait.ge [sflag:s21], $0x640  }
0x5f9: {  	[sflag:s21] =	ssyncset.done $0x0  }
0x5fa: {  	[sflag:s21] =	ssyncadd.s32 $0xFFFFF9C0  }
0x5fb: {  	_ =	swait.ge [sflag:s21], $0x640  }
0x5fc: {  	[sflag:s21] =	ssyncset.done $0x0  }
0x5fd: {  	[sflag:s21] =	ssyncadd.s32 $0xFFFFF9C0  }
0x5fe: {  	_ =	swait.ge [sflag:s21], $0x640  }
0x5ff: {  	[sflag:s21] =	ssyncset.done $0x0  }
0x600: {  	[sflag:s21] =	ssyncadd.s32 $0xFFFFF9C0  }
0x601: {  	_ =	swait.ge [sflag:s21], $0x640  }
0x602: {  	[sflag:s21] =	ssyncset.done $0x0  }
0x603: {  	[sflag:s21] =	ssyncadd.s32 $0xFFFFF9C0  }
0x604: {  	_ =	swait.ge [sflag:s21], $0x640  }
0x605: {  	[sflag:s21] =	ssyncset.done $0x0  }
0x606: {  	[sflag:s21] =	ssyncadd.s32 $0xFFFFF9C0  }
0x607: {  	_ =	swait.ge [sflag:s21], $0x640  }
0x608: {  	[sflag:s21] =	ssyncset.done $0x0  }
0x609: {  	[sflag:s21] =	ssyncadd.s32 $0xFFFFF9C0  }
0x60a: {  	_ =	swait.ge [sflag:s21], $0x640  }
0x60b: {  	[sflag:s21] =	ssyncset.done $0x0  }
0x60c: {  	[sflag:s21] =	ssyncadd.s32 $0xFFFFF9C0  }
0x60d: {  	_ =	swait.ge [sflag:s21], $0x640  }
0x60e: {  	[sflag:s21] =	ssyncset.done $0x0  }
0x60f: {  	[sflag:s21] =	ssyncadd.s32 $0xFFFFF9C0  }
0x610: {  	_ =	swait.ge [sflag:s21], $0x640  }
0x611: {  	[sflag:s21] =	ssyncset.done $0x0  }
0x612: {  	[sflag:s21] =	ssyncadd.s32 $0xFFFFF9C0  }
0x613: {  	_ =	swait.ge [sflag:s21], $0x640  }
0x614: {  	[sflag:s21] =	ssyncset.done $0x0  }
0x615: {  	[sflag:s21] =	ssyncadd.s32 $0xFFFFF9C0  }
0x616: {  	_ =	swait.ge [sflag:s21], $0x640  }
0x617: {  	[sflag:s21] =	ssyncset.done $0x0  }
0x618: {  	[sflag:s21] =	ssyncadd.s32 $0xFFFFF9C0  }
0x619: {  	_ =	swait.ge [sflag:s21], $0x640  }
0x61a: {  	[sflag:s21] =	ssyncset.done $0x0  }
0x61b: {  	[sflag:s21] =	ssyncadd.s32 $0xFFFFF9C0  }
0x61c: {  	_ =	swait.ge [sflag:s21], $0x640  }
0x61d: {  	[sflag:s21] =	ssyncset.done $0x0  }
0x61e: {  	[sflag:s21] =	ssyncadd.s32 $0xFFFFF9C0  }
0x61f: {  	_ =	swait.ge [sflag:s21], $0x640  }
0x620: {  	[sflag:s21] =	ssyncset.done $0x0  }
0x621: {  	[sflag:s21] =	ssyncadd.s32 $0xFFFFF9C0  }
0x622: {  	_ =	swait.ge [sflag:s21], $0x640  }
0x623: {  	[sflag:s21] =	ssyncset.done $0x0  }
0x624: {  	[sflag:s21] =	ssyncadd.s32 $0xFFFFF9C0  }
0x625: {  	_ =	swait.ge [sflag:s21], $0x640  }
0x626: {  	[sflag:s21] =	ssyncset.done $0x0  }
0x627: {  	[sflag:s21] =	ssyncadd.s32 $0xFFFFF9C0  }
0x628: {  	_ =	swait.ge [sflag:s21], $0x640  }
0x629: {  	[sflag:s21] =	ssyncset.done $0x0  }
0x62a: {  	[sflag:s21] =	ssyncadd.s32 $0xFFFFF9C0  }
0x62b: {  	_ =	swait.ge [sflag:s21], $0x640  }
0x62c: {  	[sflag:s21] =	ssyncset.done $0x0  }
0x62d: {  	[sflag:s21] =	ssyncadd.s32 $0xFFFFF9C0  }
0x62e: {  	_ =	swait.ge [sflag:s21], $0x640  }
0x62f: {  	[sflag:s21] =	ssyncset.done $0x0  }
0x630: {  	[sflag:s21] =	ssyncadd.s32 $0xFFFFF9C0  }
0x631: {  	_ =	swait.ge [sflag:s21], $0x640  }
0x632: {  	[sflag:s21] =	ssyncset.done $0x0  }
0x633: {  	[sflag:s21] =	ssyncadd.s32 $0xFFFFF9C0  }
0x634: {  	_ =	swait.ge [sflag:s21], $0x640  }
0x635: {  	s0 =	simm.s32 $0x7000;
	s31 =	simm.s32 $0x380;
	[sflag:s21] =	ssyncset.done $0x0  }
0x636: {  	s2 =	sadd.s32 $0x0, s13;
	s26 =	simm.s32 $0x7640;
	[sflag:s21] =	ssyncadd.s32 $0xFFFFF9C0  }
.LBB2_18:
0x637: {  	[hbm4b:s2+s22] =	stream.strided.scatter [tilespmem:s0], [sflag:$0x3], $0x640, s25, s22, $0x38;
	v63 =	vld [tilespmem:$0x0]  }
0x638: {  	s2 =	smov.u32 s31;
	s0 =	smov.u32 s26;
	p0 =	sne.s32 s31, $0x6C80  }
.Ltmp8:
0x639: {  	s31 =	sadd.s32 $0x380, s31;
	(pc) =	sbr.rel @p0 .LBB2_18-.Ltmp8, $2  }
0x63a: {  	_ =	sdelay $0x2  }
0x63b: {  	s26 =	sadd.s32 $0x640, s26;
	s2 =	sadd.s32 s2, s13  }
0x63c: {  	[hbm4b:s2+s22] =	stream.strided.scatter [tilespmem:s0], [sflag:$0x3], $0x640, s25, s22, $0x38;
	v63 =	vld [tilespmem:$0x0]  }
0x63d: {  	_ =	swait.ge [sflag:s28], $0xC800  }
0x63e: {  	s0 =	simm.s32 $0x7000;
	[sflag:s28] =	ssyncset.done $0x0  }
0x63f: {  	s31 =	simm.s32 $0x4600;
	s26 =	simm.s32 $0xE0;
	[sflag:s28] =	ssyncadd.s32 $0xFFFF3800  }
0x640: {  	[tilespmem:s0], [sflag:$0x1] =	stream.indirect.gather [hbm4b:s3+s23], $0x20, s31, s23, $0xb8;
	v63 =	vld [tilespmem:$0x0]  }
.LBB2_20:
0x641: {  	p0 =	sne.s32 s26, $0x1B20  }
.Ltmp9:
0x642: {  	_ = 	snop;
	(pc) =	sbr.rel @p0 .LBB2_20-.Ltmp9, $4  }
0x643: {  	_ = 	snop  }
0x644: {  	s2 =	sshra.s32 s26, $0x2;
	s26 =	sadd.s32 $0xE0, s26  }
0x645: {  	s0 =	sadd.s32 $0x640, s0;
	s2 =	sadd.s32 $0x4600, s2  }
0x646: {  	[tilespmem:s0], [sflag:$0x1] =	stream.indirect.gather [hbm4b:s3+s23], $0x20, s2, s23, $0xb8;
	v63 =	vld [tilespmem:$0x0]  }
0x647: {  	_ =	swait.ge [sflag:s1], $0x640  }
0x648: {  	[sflag:s1] =	ssyncset.done $0x0  }
0x649: {  	[sflag:s1] =	ssyncadd.s32 $0xFFFFF9C0  }
0x64a: {  	_ =	swait.ge [sflag:s1], $0x640  }
0x64b: {  	[sflag:s1] =	ssyncset.done $0x0  }
0x64c: {  	[sflag:s1] =	ssyncadd.s32 $0xFFFFF9C0  }
0x64d: {  	_ =	swait.ge [sflag:s1], $0x640  }
0x64e: {  	[sflag:s1] =	ssyncset.done $0x0  }
0x64f: {  	[sflag:s1] =	ssyncadd.s32 $0xFFFFF9C0  }
0x650: {  	_ =	swait.ge [sflag:s1], $0x640  }
0x651: {  	[sflag:s1] =	ssyncset.done $0x0  }
0x652: {  	[sflag:s1] =	ssyncadd.s32 $0xFFFFF9C0  }
0x653: {  	_ =	swait.ge [sflag:s1], $0x640  }
0x654: {  	[sflag:s1] =	ssyncset.done $0x0  }
0x655: {  	[sflag:s1] =	ssyncadd.s32 $0xFFFFF9C0  }
0x656: {  	_ =	swait.ge [sflag:s1], $0x640  }
0x657: {  	[sflag:s1] =	ssyncset.done $0x0  }
0x658: {  	[sflag:s1] =	ssyncadd.s32 $0xFFFFF9C0  }
0x659: {  	_ =	swait.ge [sflag:s1], $0x640  }
0x65a: {  	[sflag:s1] =	ssyncset.done $0x0  }
0x65b: {  	[sflag:s1] =	ssyncadd.s32 $0xFFFFF9C0  }
0x65c: {  	_ =	swait.ge [sflag:s1], $0x640  }
0x65d: {  	[sflag:s1] =	ssyncset.done $0x0  }
0x65e: {  	[sflag:s1] =	ssyncadd.s32 $0xFFFFF9C0  }
0x65f: {  	_ =	swait.ge [sflag:s1], $0x640  }
0x660: {  	[sflag:s1] =	ssyncset.done $0x0  }
0x661: {  	[sflag:s1] =	ssyncadd.s32 $0xFFFFF9C0  }
0x662: {  	_ =	swait.ge [sflag:s1], $0x640  }
0x663: {  	[sflag:s1] =	ssyncset.done $0x0  }
0x664: {  	[sflag:s1] =	ssyncadd.s32 $0xFFFFF9C0  }
0x665: {  	_ =	swait.ge [sflag:s1], $0x640  }
0x666: {  	[sflag:s1] =	ssyncset.done $0x0  }
0x667: {  	[sflag:s1] =	ssyncadd.s32 $0xFFFFF9C0  }
0x668: {  	_ =	swait.ge [sflag:s1], $0x640  }
0x669: {  	[sflag:s1] =	ssyncset.done $0x0  }
0x66a: {  	[sflag:s1] =	ssyncadd.s32 $0xFFFFF9C0  }
0x66b: {  	_ =	swait.ge [sflag:s1], $0x640  }
0x66c: {  	[sflag:s1] =	ssyncset.done $0x0  }
0x66d: {  	[sflag:s1] =	ssyncadd.s32 $0xFFFFF9C0  }
0x66e: {  	_ =	swait.ge [sflag:s1], $0x640  }
0x66f: {  	[sflag:s1] =	ssyncset.done $0x0  }
0x670: {  	[sflag:s1] =	ssyncadd.s32 $0xFFFFF9C0  }
0x671: {  	_ =	swait.ge [sflag:s1], $0x640  }
0x672: {  	[sflag:s1] =	ssyncset.done $0x0  }
0x673: {  	[sflag:s1] =	ssyncadd.s32 $0xFFFFF9C0  }
0x674: {  	_ =	swait.ge [sflag:s1], $0x640  }
0x675: {  	[sflag:s1] =	ssyncset.done $0x0  }
0x676: {  	[sflag:s1] =	ssyncadd.s32 $0xFFFFF9C0  }
0x677: {  	_ =	swait.ge [sflag:s1], $0x640  }
0x678: {  	[sflag:s1] =	ssyncset.done $0x0  }
0x679: {  	[sflag:s1] =	ssyncadd.s32 $0xFFFFF9C0  }
0x67a: {  	_ =	swait.ge [sflag:s1], $0x640  }
0x67b: {  	[sflag:s1] =	ssyncset.done $0x0  }
0x67c: {  	[sflag:s1] =	ssyncadd.s32 $0xFFFFF9C0  }
0x67d: {  	_ =	swait.ge [sflag:s1], $0x640  }
0x67e: {  	[sflag:s1] =	ssyncset.done $0x0  }
0x67f: {  	[sflag:s1] =	ssyncadd.s32 $0xFFFFF9C0  }
0x680: {  	_ =	swait.ge [sflag:s1], $0x640  }
0x681: {  	[sflag:s1] =	ssyncset.done $0x0  }
0x682: {  	[sflag:s1] =	ssyncadd.s32 $0xFFFFF9C0  }
0x683: {  	_ =	swait.ge [sflag:s1], $0x640  }
0x684: {  	[sflag:s1] =	ssyncset.done $0x0  }
0x685: {  	[sflag:s1] =	ssyncadd.s32 $0xFFFFF9C0  }
0x686: {  	_ =	swait.ge [sflag:s1], $0x640  }
0x687: {  	[sflag:s1] =	ssyncset.done $0x0  }
0x688: {  	[sflag:s1] =	ssyncadd.s32 $0xFFFFF9C0  }
0x689: {  	_ =	swait.ge [sflag:s1], $0x640  }
0x68a: {  	[sflag:s1] =	ssyncset.done $0x0  }
0x68b: {  	[sflag:s1] =	ssyncadd.s32 $0xFFFFF9C0  }
0x68c: {  	_ =	swait.ge [sflag:s1], $0x640  }
0x68d: {  	[sflag:s1] =	ssyncset.done $0x0  }
0x68e: {  	[sflag:s1] =	ssyncadd.s32 $0xFFFFF9C0  }
0x68f: {  	_ =	swait.ge [sflag:s1], $0x640  }
0x690: {  	[sflag:s1] =	ssyncset.done $0x0  }
0x691: {  	[sflag:s1] =	ssyncadd.s32 $0xFFFFF9C0  }
0x692: {  	_ =	swait.ge [sflag:s1], $0x640  }
0x693: {  	[sflag:s1] =	ssyncset.done $0x0  }
0x694: {  	[sflag:s1] =	ssyncadd.s32 $0xFFFFF9C0  }
0x695: {  	_ =	swait.ge [sflag:s1], $0x640  }
0x696: {  	[sflag:s1] =	ssyncset.done $0x0  }
0x697: {  	[sflag:s1] =	ssyncadd.s32 $0xFFFFF9C0  }
0x698: {  	_ =	swait.ge [sflag:s1], $0x640  }
0x699: {  	[sflag:s1] =	ssyncset.done $0x0  }
0x69a: {  	[sflag:s1] =	ssyncadd.s32 $0xFFFFF9C0  }
0x69b: {  	_ =	swait.ge [sflag:s1], $0x640  }
0x69c: {  	[sflag:s1] =	ssyncset.done $0x0  }
0x69d: {  	[sflag:s1] =	ssyncadd.s32 $0xFFFFF9C0  }
0x69e: {  	_ =	swait.ge [sflag:s1], $0x640  }
0x69f: {  	[sflag:s1] =	ssyncset.done $0x0  }
0x6a0: {  	[sflag:s1] =	ssyncadd.s32 $0xFFFFF9C0  }
0x6a1: {  	_ =	swait.ge [sflag:s1], $0x640  }
0x6a2: {  	[sflag:s1] =	ssyncset.done $0x0  }
0x6a3: {  	[sflag:s1] =	ssyncadd.s32 $0xFFFFF9C0  }
0x6a4: {  	_ =	swait.ge [sflag:s1], $0x640  }
0x6a5: {  	s0 =	simm.s32 $0x13800;
	s31 =	simm.s32 $0x380;
	[sflag:s1] =	ssyncset.done $0x0  }
0x6a6: {  	s2 =	sadd.s32 $0x0, s14;
	s26 =	simm.s32 $0x13E40;
	[sflag:s1] =	ssyncadd.s32 $0xFFFFF9C0  }
.LBB2_22:
0x6a7: {  	[hbm4b:s2+s22] =	stream.strided.scatter [tilespmem:s0], [sflag:$0x4], $0x640, s25, s22, $0x38;
	v63 =	vld [tilespmem:$0x0]  }
0x6a8: {  	s2 =	smov.u32 s31;
	s0 =	smov.u32 s26;
	p0 =	sne.s32 s31, $0x6C80  }
.Ltmp10:
0x6a9: {  	s31 =	sadd.s32 $0x380, s31;
	(pc) =	sbr.rel @p0 .LBB2_22-.Ltmp10, $2  }
0x6aa: {  	_ =	sdelay $0x2  }
0x6ab: {  	s26 =	sadd.s32 $0x640, s26;
	s2 =	sadd.s32 s2, s14  }
0x6ac: {  	[hbm4b:s2+s22] =	stream.strided.scatter [tilespmem:s0], [sflag:$0x4], $0x640, s25, s22, $0x38;
	v63 =	vld [tilespmem:$0x0]  }
0x6ad: {  	_ =	swait.ge [sflag:s24], $0xC800  }
0x6ae: {  	s0 =	simm.s32 $0x13800;
	[sflag:s24] =	ssyncset.done $0x0  }
0x6af: {  	s31 =	simm.s32 $0x4D00;
	s26 =	simm.s32 $0xE0;
	[sflag:s24] =	ssyncadd.s32 $0xFFFF3800  }
0x6b0: {  	[tilespmem:s0], [sflag:$0x2] =	stream.indirect.gather [hbm4b:s3+s23], $0x20, s31, s23, $0xb8;
	v63 =	vld [tilespmem:$0x0]  }
.LBB2_24:
0x6b1: {  	p0 =	sne.s32 s26, $0x1B20  }
.Ltmp11:
0x6b2: {  	_ = 	snop;
	(pc) =	sbr.rel @p0 .LBB2_24-.Ltmp11, $4  }
0x6b3: {  	_ = 	snop  }
0x6b4: {  	s2 =	sshra.s32 s26, $0x2;
	s26 =	sadd.s32 $0xE0, s26  }
0x6b5: {  	s0 =	sadd.s32 $0x640, s0;
	s2 =	sadd.s32 $0x4D00, s2  }
0x6b6: {  	[tilespmem:s0], [sflag:$0x2] =	stream.indirect.gather [hbm4b:s3+s23], $0x20, s2, s23, $0xb8;
	v63 =	vld [tilespmem:$0x0]  }
0x6b7: {  	_ =	swait.ge [sflag:s21], $0x640  }
0x6b8: {  	[sflag:s21] =	ssyncset.done $0x0  }
0x6b9: {  	[sflag:s21] =	ssyncadd.s32 $0xFFFFF9C0  }
0x6ba: {  	_ =	swait.ge [sflag:s21], $0x640  }
0x6bb: {  	[sflag:s21] =	ssyncset.done $0x0  }
0x6bc: {  	[sflag:s21] =	ssyncadd.s32 $0xFFFFF9C0  }
0x6bd: {  	_ =	swait.ge [sflag:s21], $0x640  }
0x6be: {  	[sflag:s21] =	ssyncset.done $0x0  }
0x6bf: {  	[sflag:s21] =	ssyncadd.s32 $0xFFFFF9C0  }
0x6c0: {  	_ =	swait.ge [sflag:s21], $0x640  }
0x6c1: {  	[sflag:s21] =	ssyncset.done $0x0  }
0x6c2: {  	[sflag:s21] =	ssyncadd.s32 $0xFFFFF9C0  }
0x6c3: {  	_ =	swait.ge [sflag:s21], $0x640  }
0x6c4: {  	[sflag:s21] =	ssyncset.done $0x0  }
0x6c5: {  	[sflag:s21] =	ssyncadd.s32 $0xFFFFF9C0  }
0x6c6: {  	_ =	swait.ge [sflag:s21], $0x640  }
0x6c7: {  	[sflag:s21] =	ssyncset.done $0x0  }
0x6c8: {  	[sflag:s21] =	ssyncadd.s32 $0xFFFFF9C0  }
0x6c9: {  	_ =	swait.ge [sflag:s21], $0x640  }
0x6ca: {  	[sflag:s21] =	ssyncset.done $0x0  }
0x6cb: {  	[sflag:s21] =	ssyncadd.s32 $0xFFFFF9C0  }
0x6cc: {  	_ =	swait.ge [sflag:s21], $0x640  }
0x6cd: {  	[sflag:s21] =	ssyncset.done $0x0  }
0x6ce: {  	[sflag:s21] =	ssyncadd.s32 $0xFFFFF9C0  }
0x6cf: {  	_ =	swait.ge [sflag:s21], $0x640  }
0x6d0: {  	[sflag:s21] =	ssyncset.done $0x0  }
0x6d1: {  	[sflag:s21] =	ssyncadd.s32 $0xFFFFF9C0  }
0x6d2: {  	_ =	swait.ge [sflag:s21], $0x640  }
0x6d3: {  	[sflag:s21] =	ssyncset.done $0x0  }
0x6d4: {  	[sflag:s21] =	ssyncadd.s32 $0xFFFFF9C0  }
0x6d5: {  	_ =	swait.ge [sflag:s21], $0x640  }
0x6d6: {  	[sflag:s21] =	ssyncset.done $0x0  }
0x6d7: {  	[sflag:s21] =	ssyncadd.s32 $0xFFFFF9C0  }
0x6d8: {  	_ =	swait.ge [sflag:s21], $0x640  }
0x6d9: {  	[sflag:s21] =	ssyncset.done $0x0  }
0x6da: {  	[sflag:s21] =	ssyncadd.s32 $0xFFFFF9C0  }
0x6db: {  	_ =	swait.ge [sflag:s21], $0x640  }
0x6dc: {  	[sflag:s21] =	ssyncset.done $0x0  }
0x6dd: {  	[sflag:s21] =	ssyncadd.s32 $0xFFFFF9C0  }
0x6de: {  	_ =	swait.ge [sflag:s21], $0x640  }
0x6df: {  	[sflag:s21] =	ssyncset.done $0x0  }
0x6e0: {  	[sflag:s21] =	ssyncadd.s32 $0xFFFFF9C0  }
0x6e1: {  	_ =	swait.ge [sflag:s21], $0x640  }
0x6e2: {  	[sflag:s21] =	ssyncset.done $0x0  }
0x6e3: {  	[sflag:s21] =	ssyncadd.s32 $0xFFFFF9C0  }
0x6e4: {  	_ =	swait.ge [sflag:s21], $0x640  }
0x6e5: {  	[sflag:s21] =	ssyncset.done $0x0  }
0x6e6: {  	[sflag:s21] =	ssyncadd.s32 $0xFFFFF9C0  }
0x6e7: {  	_ =	swait.ge [sflag:s21], $0x640  }
0x6e8: {  	[sflag:s21] =	ssyncset.done $0x0  }
0x6e9: {  	[sflag:s21] =	ssyncadd.s32 $0xFFFFF9C0  }
0x6ea: {  	_ =	swait.ge [sflag:s21], $0x640  }
0x6eb: {  	[sflag:s21] =	ssyncset.done $0x0  }
0x6ec: {  	[sflag:s21] =	ssyncadd.s32 $0xFFFFF9C0  }
0x6ed: {  	_ =	swait.ge [sflag:s21], $0x640  }
0x6ee: {  	[sflag:s21] =	ssyncset.done $0x0  }
0x6ef: {  	[sflag:s21] =	ssyncadd.s32 $0xFFFFF9C0  }
0x6f0: {  	_ =	swait.ge [sflag:s21], $0x640  }
0x6f1: {  	[sflag:s21] =	ssyncset.done $0x0  }
0x6f2: {  	[sflag:s21] =	ssyncadd.s32 $0xFFFFF9C0  }
0x6f3: {  	_ =	swait.ge [sflag:s21], $0x640  }
0x6f4: {  	[sflag:s21] =	ssyncset.done $0x0  }
0x6f5: {  	[sflag:s21] =	ssyncadd.s32 $0xFFFFF9C0  }
0x6f6: {  	_ =	swait.ge [sflag:s21], $0x640  }
0x6f7: {  	[sflag:s21] =	ssyncset.done $0x0  }
0x6f8: {  	[sflag:s21] =	ssyncadd.s32 $0xFFFFF9C0  }
0x6f9: {  	_ =	swait.ge [sflag:s21], $0x640  }
0x6fa: {  	[sflag:s21] =	ssyncset.done $0x0  }
0x6fb: {  	[sflag:s21] =	ssyncadd.s32 $0xFFFFF9C0  }
0x6fc: {  	_ =	swait.ge [sflag:s21], $0x640  }
0x6fd: {  	[sflag:s21] =	ssyncset.done $0x0  }
0x6fe: {  	[sflag:s21] =	ssyncadd.s32 $0xFFFFF9C0  }
0x6ff: {  	_ =	swait.ge [sflag:s21], $0x640  }
0x700: {  	[sflag:s21] =	ssyncset.done $0x0  }
0x701: {  	[sflag:s21] =	ssyncadd.s32 $0xFFFFF9C0  }
0x702: {  	_ =	swait.ge [sflag:s21], $0x640  }
0x703: {  	[sflag:s21] =	ssyncset.done $0x0  }
0x704: {  	[sflag:s21] =	ssyncadd.s32 $0xFFFFF9C0  }
0x705: {  	_ =	swait.ge [sflag:s21], $0x640  }
0x706: {  	[sflag:s21] =	ssyncset.done $0x0  }
0x707: {  	[sflag:s21] =	ssyncadd.s32 $0xFFFFF9C0  }
0x708: {  	_ =	swait.ge [sflag:s21], $0x640  }
0x709: {  	[sflag:s21] =	ssyncset.done $0x0  }
0x70a: {  	[sflag:s21] =	ssyncadd.s32 $0xFFFFF9C0  }
0x70b: {  	_ =	swait.ge [sflag:s21], $0x640  }
0x70c: {  	[sflag:s21] =	ssyncset.done $0x0  }
0x70d: {  	[sflag:s21] =	ssyncadd.s32 $0xFFFFF9C0  }
0x70e: {  	_ =	swait.ge [sflag:s21], $0x640  }
0x70f: {  	[sflag:s21] =	ssyncset.done $0x0  }
0x710: {  	[sflag:s21] =	ssyncadd.s32 $0xFFFFF9C0  }
0x711: {  	_ =	swait.ge [sflag:s21], $0x640  }
0x712: {  	[sflag:s21] =	ssyncset.done $0x0  }
0x713: {  	[sflag:s21] =	ssyncadd.s32 $0xFFFFF9C0  }
0x714: {  	_ =	swait.ge [sflag:s21], $0x640  }
0x715: {  	s0 =	simm.s32 $0x7000;
	s31 =	simm.s32 $0x380;
	[sflag:s21] =	ssyncset.done $0x0  }
0x716: {  	s2 =	sadd.s32 $0x0, s15;
	s26 =	simm.s32 $0x7640;
	[sflag:s21] =	ssyncadd.s32 $0xFFFFF9C0  }
.LBB2_26:
0x717: {  	[hbm4b:s2+s22] =	stream.strided.scatter [tilespmem:s0], [sflag:$0x3], $0x640, s25, s22, $0x38;
	v63 =	vld [tilespmem:$0x0]  }
0x718: {  	s2 =	smov.u32 s31;
	s0 =	smov.u32 s26;
	p0 =	sne.s32 s31, $0x6C80  }
.Ltmp12:
0x719: {  	s31 =	sadd.s32 $0x380, s31;
	(pc) =	sbr.rel @p0 .LBB2_26-.Ltmp12, $2  }
0x71a: {  	_ =	sdelay $0x2  }
0x71b: {  	s26 =	sadd.s32 $0x640, s26;
	s2 =	sadd.s32 s2, s15  }
0x71c: {  	[hbm4b:s2+s22] =	stream.strided.scatter [tilespmem:s0], [sflag:$0x3], $0x640, s25, s22, $0x38;
	v63 =	vld [tilespmem:$0x0]  }
0x71d: {  	_ =	swait.ge [sflag:s28], $0xC800  }
0x71e: {  	s0 =	simm.s32 $0x7000;
	[sflag:s28] =	ssyncset.done $0x0  }
0x71f: {  	s31 =	simm.s32 $0x5400;
	s26 =	simm.s32 $0xE0;
	[sflag:s28] =	ssyncadd.s32 $0xFFFF3800  }
0x720: {  	[tilespmem:s0], [sflag:$0x1] =	stream.indirect.gather [hbm4b:s3+s23], $0x20, s31, s23, $0xb8;
	v63 =	vld [tilespmem:$0x0]  }
.LBB2_28:
0x721: {  	p0 =	sne.s32 s26, $0x1B20  }
.Ltmp13:
0x722: {  	_ = 	snop;
	(pc) =	sbr.rel @p0 .LBB2_28-.Ltmp13, $4  }
0x723: {  	_ = 	snop  }
0x724: {  	s2 =	sshra.s32 s26, $0x2;
	s26 =	sadd.s32 $0xE0, s26  }
0x725: {  	s0 =	sadd.s32 $0x640, s0;
	s2 =	sadd.s32 $0x5400, s2  }
0x726: {  	[tilespmem:s0], [sflag:$0x1] =	stream.indirect.gather [hbm4b:s3+s23], $0x20, s2, s23, $0xb8;
	v63 =	vld [tilespmem:$0x0]  }
0x727: {  	_ =	swait.ge [sflag:s1], $0x640  }
0x728: {  	[sflag:s1] =	ssyncset.done $0x0  }
0x729: {  	[sflag:s1] =	ssyncadd.s32 $0xFFFFF9C0  }
0x72a: {  	_ =	swait.ge [sflag:s1], $0x640  }
0x72b: {  	[sflag:s1] =	ssyncset.done $0x0  }
0x72c: {  	[sflag:s1] =	ssyncadd.s32 $0xFFFFF9C0  }
0x72d: {  	_ =	swait.ge [sflag:s1], $0x640  }
0x72e: {  	[sflag:s1] =	ssyncset.done $0x0  }
0x72f: {  	[sflag:s1] =	ssyncadd.s32 $0xFFFFF9C0  }
0x730: {  	_ =	swait.ge [sflag:s1], $0x640  }
0x731: {  	[sflag:s1] =	ssyncset.done $0x0  }
0x732: {  	[sflag:s1] =	ssyncadd.s32 $0xFFFFF9C0  }
0x733: {  	_ =	swait.ge [sflag:s1], $0x640  }
0x734: {  	[sflag:s1] =	ssyncset.done $0x0  }
0x735: {  	[sflag:s1] =	ssyncadd.s32 $0xFFFFF9C0  }
0x736: {  	_ =	swait.ge [sflag:s1], $0x640  }
0x737: {  	[sflag:s1] =	ssyncset.done $0x0  }
0x738: {  	[sflag:s1] =	ssyncadd.s32 $0xFFFFF9C0  }
0x739: {  	_ =	swait.ge [sflag:s1], $0x640  }
0x73a: {  	[sflag:s1] =	ssyncset.done $0x0  }
0x73b: {  	[sflag:s1] =	ssyncadd.s32 $0xFFFFF9C0  }
0x73c: {  	_ =	swait.ge [sflag:s1], $0x640  }
0x73d: {  	[sflag:s1] =	ssyncset.done $0x0  }
0x73e: {  	[sflag:s1] =	ssyncadd.s32 $0xFFFFF9C0  }
0x73f: {  	_ =	swait.ge [sflag:s1], $0x640  }
0x740: {  	[sflag:s1] =	ssyncset.done $0x0  }
0x741: {  	[sflag:s1] =	ssyncadd.s32 $0xFFFFF9C0  }
0x742: {  	_ =	swait.ge [sflag:s1], $0x640  }
0x743: {  	[sflag:s1] =	ssyncset.done $0x0  }
0x744: {  	[sflag:s1] =	ssyncadd.s32 $0xFFFFF9C0  }
0x745: {  	_ =	swait.ge [sflag:s1], $0x640  }
0x746: {  	[sflag:s1] =	ssyncset.done $0x0  }
0x747: {  	[sflag:s1] =	ssyncadd.s32 $0xFFFFF9C0  }
0x748: {  	_ =	swait.ge [sflag:s1], $0x640  }
0x749: {  	[sflag:s1] =	ssyncset.done $0x0  }
0x74a: {  	[sflag:s1] =	ssyncadd.s32 $0xFFFFF9C0  }
0x74b: {  	_ =	swait.ge [sflag:s1], $0x640  }
0x74c: {  	[sflag:s1] =	ssyncset.done $0x0  }
0x74d: {  	[sflag:s1] =	ssyncadd.s32 $0xFFFFF9C0  }
0x74e: {  	_ =	swait.ge [sflag:s1], $0x640  }
0x74f: {  	[sflag:s1] =	ssyncset.done $0x0  }
0x750: {  	[sflag:s1] =	ssyncadd.s32 $0xFFFFF9C0  }
0x751: {  	_ =	swait.ge [sflag:s1], $0x640  }
0x752: {  	[sflag:s1] =	ssyncset.done $0x0  }
0x753: {  	[sflag:s1] =	ssyncadd.s32 $0xFFFFF9C0  }
0x754: {  	_ =	swait.ge [sflag:s1], $0x640  }
0x755: {  	[sflag:s1] =	ssyncset.done $0x0  }
0x756: {  	[sflag:s1] =	ssyncadd.s32 $0xFFFFF9C0  }
0x757: {  	_ =	swait.ge [sflag:s1], $0x640  }
0x758: {  	[sflag:s1] =	ssyncset.done $0x0  }
0x759: {  	[sflag:s1] =	ssyncadd.s32 $0xFFFFF9C0  }
0x75a: {  	_ =	swait.ge [sflag:s1], $0x640  }
0x75b: {  	[sflag:s1] =	ssyncset.done $0x0  }
0x75c: {  	[sflag:s1] =	ssyncadd.s32 $0xFFFFF9C0  }
0x75d: {  	_ =	swait.ge [sflag:s1], $0x640  }
0x75e: {  	[sflag:s1] =	ssyncset.done $0x0  }
0x75f: {  	[sflag:s1] =	ssyncadd.s32 $0xFFFFF9C0  }
0x760: {  	_ =	swait.ge [sflag:s1], $0x640  }
0x761: {  	[sflag:s1] =	ssyncset.done $0x0  }
0x762: {  	[sflag:s1] =	ssyncadd.s32 $0xFFFFF9C0  }
0x763: {  	_ =	swait.ge [sflag:s1], $0x640  }
0x764: {  	[sflag:s1] =	ssyncset.done $0x0  }
0x765: {  	[sflag:s1] =	ssyncadd.s32 $0xFFFFF9C0  }
0x766: {  	_ =	swait.ge [sflag:s1], $0x640  }
0x767: {  	[sflag:s1] =	ssyncset.done $0x0  }
0x768: {  	[sflag:s1] =	ssyncadd.s32 $0xFFFFF9C0  }
0x769: {  	_ =	swait.ge [sflag:s1], $0x640  }
0x76a: {  	[sflag:s1] =	ssyncset.done $0x0  }
0x76b: {  	[sflag:s1] =	ssyncadd.s32 $0xFFFFF9C0  }
0x76c: {  	_ =	swait.ge [sflag:s1], $0x640  }
0x76d: {  	[sflag:s1] =	ssyncset.done $0x0  }
0x76e: {  	[sflag:s1] =	ssyncadd.s32 $0xFFFFF9C0  }
0x76f: {  	_ =	swait.ge [sflag:s1], $0x640  }
0x770: {  	[sflag:s1] =	ssyncset.done $0x0  }
0x771: {  	[sflag:s1] =	ssyncadd.s32 $0xFFFFF9C0  }
0x772: {  	_ =	swait.ge [sflag:s1], $0x640  }
0x773: {  	[sflag:s1] =	ssyncset.done $0x0  }
0x774: {  	[sflag:s1] =	ssyncadd.s32 $0xFFFFF9C0  }
0x775: {  	_ =	swait.ge [sflag:s1], $0x640  }
0x776: {  	[sflag:s1] =	ssyncset.done $0x0  }
0x777: {  	[sflag:s1] =	ssyncadd.s32 $0xFFFFF9C0  }
0x778: {  	_ =	swait.ge [sflag:s1], $0x640  }
0x779: {  	[sflag:s1] =	ssyncset.done $0x0  }
0x77a: {  	[sflag:s1] =	ssyncadd.s32 $0xFFFFF9C0  }
0x77b: {  	_ =	swait.ge [sflag:s1], $0x640  }
0x77c: {  	[sflag:s1] =	ssyncset.done $0x0  }
0x77d: {  	[sflag:s1] =	ssyncadd.s32 $0xFFFFF9C0  }
0x77e: {  	_ =	swait.ge [sflag:s1], $0x640  }
0x77f: {  	[sflag:s1] =	ssyncset.done $0x0  }
0x780: {  	[sflag:s1] =	ssyncadd.s32 $0xFFFFF9C0  }
0x781: {  	_ =	swait.ge [sflag:s1], $0x640  }
0x782: {  	[sflag:s1] =	ssyncset.done $0x0  }
0x783: {  	[sflag:s1] =	ssyncadd.s32 $0xFFFFF9C0  }
0x784: {  	_ =	swait.ge [sflag:s1], $0x640  }
0x785: {  	s0 =	simm.s32 $0x13800;
	s31 =	simm.s32 $0x380;
	[sflag:s1] =	ssyncset.done $0x0  }
0x786: {  	s2 =	sadd.s32 $0x0, s16;
	s26 =	simm.s32 $0x13E40;
	[sflag:s1] =	ssyncadd.s32 $0xFFFFF9C0  }
.LBB2_30:
0x787: {  	[hbm4b:s2+s22] =	stream.strided.scatter [tilespmem:s0], [sflag:$0x4], $0x640, s25, s22, $0x38;
	v63 =	vld [tilespmem:$0x0]  }
0x788: {  	s2 =	smov.u32 s31;
	s0 =	smov.u32 s26;
	p0 =	sne.s32 s31, $0x6C80  }
.Ltmp14:
0x789: {  	s31 =	sadd.s32 $0x380, s31;
	(pc) =	sbr.rel @p0 .LBB2_30-.Ltmp14, $2  }
0x78a: {  	_ =	sdelay $0x2  }
0x78b: {  	s26 =	sadd.s32 $0x640, s26;
	s2 =	sadd.s32 s2, s16  }
0x78c: {  	[hbm4b:s2+s22] =	stream.strided.scatter [tilespmem:s0], [sflag:$0x4], $0x640, s25, s22, $0x38;
	v63 =	vld [tilespmem:$0x0]  }
0x78d: {  	_ =	swait.ge [sflag:s24], $0xC800  }
0x78e: {  	s0 =	simm.s32 $0x13800;
	[sflag:s24] =	ssyncset.done $0x0  }
0x78f: {  	s31 =	simm.s32 $0x5B00;
	s26 =	simm.s32 $0xE0;
	[sflag:s24] =	ssyncadd.s32 $0xFFFF3800  }
0x790: {  	[tilespmem:s0], [sflag:$0x2] =	stream.indirect.gather [hbm4b:s3+s23], $0x20, s31, s23, $0xb8;
	v63 =	vld [tilespmem:$0x0]  }
.LBB2_32:
0x791: {  	p0 =	sne.s32 s26, $0x1B20  }
.Ltmp15:
0x792: {  	_ = 	snop;
	(pc) =	sbr.rel @p0 .LBB2_32-.Ltmp15, $4  }
0x793: {  	_ = 	snop  }
0x794: {  	s2 =	sshra.s32 s26, $0x2;
	s26 =	sadd.s32 $0xE0, s26  }
0x795: {  	s0 =	sadd.s32 $0x640, s0;
	s2 =	sadd.s32 $0x5B00, s2  }
0x796: {  	[tilespmem:s0], [sflag:$0x2] =	stream.indirect.gather [hbm4b:s3+s23], $0x20, s2, s23, $0xb8;
	v63 =	vld [tilespmem:$0x0]  }
0x797: {  	_ =	swait.ge [sflag:s21], $0x640  }
0x798: {  	[sflag:s21] =	ssyncset.done $0x0  }
0x799: {  	[sflag:s21] =	ssyncadd.s32 $0xFFFFF9C0  }
0x79a: {  	_ =	swait.ge [sflag:s21], $0x640  }
0x79b: {  	[sflag:s21] =	ssyncset.done $0x0  }
0x79c: {  	[sflag:s21] =	ssyncadd.s32 $0xFFFFF9C0  }
0x79d: {  	_ =	swait.ge [sflag:s21], $0x640  }
0x79e: {  	[sflag:s21] =	ssyncset.done $0x0  }
0x79f: {  	[sflag:s21] =	ssyncadd.s32 $0xFFFFF9C0  }
0x7a0: {  	_ =	swait.ge [sflag:s21], $0x640  }
0x7a1: {  	[sflag:s21] =	ssyncset.done $0x0  }
0x7a2: {  	[sflag:s21] =	ssyncadd.s32 $0xFFFFF9C0  }
0x7a3: {  	_ =	swait.ge [sflag:s21], $0x640  }
0x7a4: {  	[sflag:s21] =	ssyncset.done $0x0  }
0x7a5: {  	[sflag:s21] =	ssyncadd.s32 $0xFFFFF9C0  }
0x7a6: {  	_ =	swait.ge [sflag:s21], $0x640  }
0x7a7: {  	[sflag:s21] =	ssyncset.done $0x0  }
0x7a8: {  	[sflag:s21] =	ssyncadd.s32 $0xFFFFF9C0  }
0x7a9: {  	_ =	swait.ge [sflag:s21], $0x640  }
0x7aa: {  	[sflag:s21] =	ssyncset.done $0x0  }
0x7ab: {  	[sflag:s21] =	ssyncadd.s32 $0xFFFFF9C0  }
0x7ac: {  	_ =	swait.ge [sflag:s21], $0x640  }
0x7ad: {  	[sflag:s21] =	ssyncset.done $0x0  }
0x7ae: {  	[sflag:s21] =	ssyncadd.s32 $0xFFFFF9C0  }
0x7af: {  	_ =	swait.ge [sflag:s21], $0x640  }
0x7b0: {  	[sflag:s21] =	ssyncset.done $0x0  }
0x7b1: {  	[sflag:s21] =	ssyncadd.s32 $0xFFFFF9C0  }
0x7b2: {  	_ =	swait.ge [sflag:s21], $0x640  }
0x7b3: {  	[sflag:s21] =	ssyncset.done $0x0  }
0x7b4: {  	[sflag:s21] =	ssyncadd.s32 $0xFFFFF9C0  }
0x7b5: {  	_ =	swait.ge [sflag:s21], $0x640  }
0x7b6: {  	[sflag:s21] =	ssyncset.done $0x0  }
0x7b7: {  	[sflag:s21] =	ssyncadd.s32 $0xFFFFF9C0  }
0x7b8: {  	_ =	swait.ge [sflag:s21], $0x640  }
0x7b9: {  	[sflag:s21] =	ssyncset.done $0x0  }
0x7ba: {  	[sflag:s21] =	ssyncadd.s32 $0xFFFFF9C0  }
0x7bb: {  	_ =	swait.ge [sflag:s21], $0x640  }
0x7bc: {  	[sflag:s21] =	ssyncset.done $0x0  }
0x7bd: {  	[sflag:s21] =	ssyncadd.s32 $0xFFFFF9C0  }
0x7be: {  	_ =	swait.ge [sflag:s21], $0x640  }
0x7bf: {  	[sflag:s21] =	ssyncset.done $0x0  }
0x7c0: {  	[sflag:s21] =	ssyncadd.s32 $0xFFFFF9C0  }
0x7c1: {  	_ =	swait.ge [sflag:s21], $0x640  }
0x7c2: {  	[sflag:s21] =	ssyncset.done $0x0  }
0x7c3: {  	[sflag:s21] =	ssyncadd.s32 $0xFFFFF9C0  }
0x7c4: {  	_ =	swait.ge [sflag:s21], $0x640  }
0x7c5: {  	[sflag:s21] =	ssyncset.done $0x0  }
0x7c6: {  	[sflag:s21] =	ssyncadd.s32 $0xFFFFF9C0  }
0x7c7: {  	_ =	swait.ge [sflag:s21], $0x640  }
0x7c8: {  	[sflag:s21] =	ssyncset.done $0x0  }
0x7c9: {  	[sflag:s21] =	ssyncadd.s32 $0xFFFFF9C0  }
0x7ca: {  	_ =	swait.ge [sflag:s21], $0x640  }
0x7cb: {  	[sflag:s21] =	ssyncset.done $0x0  }
0x7cc: {  	[sflag:s21] =	ssyncadd.s32 $0xFFFFF9C0  }
0x7cd: {  	_ =	swait.ge [sflag:s21], $0x640  }
0x7ce: {  	[sflag:s21] =	ssyncset.done $0x0  }
0x7cf: {  	[sflag:s21] =	ssyncadd.s32 $0xFFFFF9C0  }
0x7d0: {  	_ =	swait.ge [sflag:s21], $0x640  }
0x7d1: {  	[sflag:s21] =	ssyncset.done $0x0  }
0x7d2: {  	[sflag:s21] =	ssyncadd.s32 $0xFFFFF9C0  }
0x7d3: {  	_ =	swait.ge [sflag:s21], $0x640  }
0x7d4: {  	[sflag:s21] =	ssyncset.done $0x0  }
0x7d5: {  	[sflag:s21] =	ssyncadd.s32 $0xFFFFF9C0  }
0x7d6: {  	_ =	swait.ge [sflag:s21], $0x640  }
0x7d7: {  	[sflag:s21] =	ssyncset.done $0x0  }
0x7d8: {  	[sflag:s21] =	ssyncadd.s32 $0xFFFFF9C0  }
0x7d9: {  	_ =	swait.ge [sflag:s21], $0x640  }
0x7da: {  	[sflag:s21] =	ssyncset.done $0x0  }
0x7db: {  	[sflag:s21] =	ssyncadd.s32 $0xFFFFF9C0  }
0x7dc: {  	_ =	swait.ge [sflag:s21], $0x640  }
0x7dd: {  	[sflag:s21] =	ssyncset.done $0x0  }
0x7de: {  	[sflag:s21] =	ssyncadd.s32 $0xFFFFF9C0  }
0x7df: {  	_ =	swait.ge [sflag:s21], $0x640  }
0x7e0: {  	[sflag:s21] =	ssyncset.done $0x0  }
0x7e1: {  	[sflag:s21] =	ssyncadd.s32 $0xFFFFF9C0  }
0x7e2: {  	_ =	swait.ge [sflag:s21], $0x640  }
0x7e3: {  	[sflag:s21] =	ssyncset.done $0x0  }
0x7e4: {  	[sflag:s21] =	ssyncadd.s32 $0xFFFFF9C0  }
0x7e5: {  	_ =	swait.ge [sflag:s21], $0x640  }
0x7e6: {  	[sflag:s21] =	ssyncset.done $0x0  }
0x7e7: {  	[sflag:s21] =	ssyncadd.s32 $0xFFFFF9C0  }
0x7e8: {  	_ =	swait.ge [sflag:s21], $0x640  }
0x7e9: {  	[sflag:s21] =	ssyncset.done $0x0  }
0x7ea: {  	[sflag:s21] =	ssyncadd.s32 $0xFFFFF9C0  }
0x7eb: {  	_ =	swait.ge [sflag:s21], $0x640  }
0x7ec: {  	[sflag:s21] =	ssyncset.done $0x0  }
0x7ed: {  	[sflag:s21] =	ssyncadd.s32 $0xFFFFF9C0  }
0x7ee: {  	_ =	swait.ge [sflag:s21], $0x640  }
0x7ef: {  	[sflag:s21] =	ssyncset.done $0x0  }
0x7f0: {  	[sflag:s21] =	ssyncadd.s32 $0xFFFFF9C0  }
0x7f1: {  	_ =	swait.ge [sflag:s21], $0x640  }
0x7f2: {  	[sflag:s21] =	ssyncset.done $0x0  }
0x7f3: {  	[sflag:s21] =	ssyncadd.s32 $0xFFFFF9C0  }
0x7f4: {  	_ =	swait.ge [sflag:s21], $0x640  }
0x7f5: {  	s0 =	simm.s32 $0x7000;
	s31 =	simm.s32 $0x380;
	[sflag:s21] =	ssyncset.done $0x0  }
0x7f6: {  	s2 =	sadd.s32 $0x0, s17;
	s26 =	simm.s32 $0x7640;
	[sflag:s21] =	ssyncadd.s32 $0xFFFFF9C0  }
.LBB2_34:
0x7f7: {  	[hbm4b:s2+s22] =	stream.strided.scatter [tilespmem:s0], [sflag:$0x3], $0x640, s25, s22, $0x38;
	v63 =	vld [tilespmem:$0x0]  }
0x7f8: {  	s2 =	smov.u32 s31;
	s0 =	smov.u32 s26;
	p0 =	sne.s32 s31, $0x6C80  }
.Ltmp16:
0x7f9: {  	s31 =	sadd.s32 $0x380, s31;
	(pc) =	sbr.rel @p0 .LBB2_34-.Ltmp16, $2  }
0x7fa: {  	_ =	sdelay $0x2  }
0x7fb: {  	s26 =	sadd.s32 $0x640, s26;
	s2 =	sadd.s32 s2, s17  }
0x7fc: {  	[hbm4b:s2+s22] =	stream.strided.scatter [tilespmem:s0], [sflag:$0x3], $0x640, s25, s22, $0x38;
	v63 =	vld [tilespmem:$0x0]  }
0x7fd: {  	_ =	swait.ge [sflag:s28], $0xC800  }
0x7fe: {  	s0 =	simm.s32 $0x7000;
	[sflag:s28] =	ssyncset.done $0x0  }
0x7ff: {  	s31 =	simm.s32 $0x6200;
	s26 =	simm.s32 $0xE0;
	[sflag:s28] =	ssyncadd.s32 $0xFFFF3800  }
0x800: {  	[tilespmem:s0], [sflag:$0x1] =	stream.indirect.gather [hbm4b:s3+s23], $0x20, s31, s23, $0xb8;
	v63 =	vld [tilespmem:$0x0]  }
.LBB2_36:
0x801: {  	p0 =	sne.s32 s26, $0x1B20  }
.Ltmp17:
0x802: {  	_ = 	snop;
	(pc) =	sbr.rel @p0 .LBB2_36-.Ltmp17, $4  }
0x803: {  	_ = 	snop  }
0x804: {  	s2 =	sshra.s32 s26, $0x2;
	s26 =	sadd.s32 $0xE0, s26  }
0x805: {  	s0 =	sadd.s32 $0x640, s0;
	s2 =	sadd.s32 $0x6200, s2  }
0x806: {  	[tilespmem:s0], [sflag:$0x1] =	stream.indirect.gather [hbm4b:s3+s23], $0x20, s2, s23, $0xb8;
	v63 =	vld [tilespmem:$0x0]  }
0x807: {  	_ =	swait.ge [sflag:s1], $0x640  }
0x808: {  	[sflag:s1] =	ssyncset.done $0x0  }
0x809: {  	[sflag:s1] =	ssyncadd.s32 $0xFFFFF9C0  }
0x80a: {  	_ =	swait.ge [sflag:s1], $0x640  }
0x80b: {  	[sflag:s1] =	ssyncset.done $0x0  }
0x80c: {  	[sflag:s1] =	ssyncadd.s32 $0xFFFFF9C0  }
0x80d: {  	_ =	swait.ge [sflag:s1], $0x640  }
0x80e: {  	[sflag:s1] =	ssyncset.done $0x0  }
0x80f: {  	[sflag:s1] =	ssyncadd.s32 $0xFFFFF9C0  }
0x810: {  	_ =	swait.ge [sflag:s1], $0x640  }
0x811: {  	[sflag:s1] =	ssyncset.done $0x0  }
0x812: {  	[sflag:s1] =	ssyncadd.s32 $0xFFFFF9C0  }
0x813: {  	_ =	swait.ge [sflag:s1], $0x640  }
0x814: {  	[sflag:s1] =	ssyncset.done $0x0  }
0x815: {  	[sflag:s1] =	ssyncadd.s32 $0xFFFFF9C0  }
0x816: {  	_ =	swait.ge [sflag:s1], $0x640  }
0x817: {  	[sflag:s1] =	ssyncset.done $0x0  }
0x818: {  	[sflag:s1] =	ssyncadd.s32 $0xFFFFF9C0  }
0x819: {  	_ =	swait.ge [sflag:s1], $0x640  }
0x81a: {  	[sflag:s1] =	ssyncset.done $0x0  }
0x81b: {  	[sflag:s1] =	ssyncadd.s32 $0xFFFFF9C0  }
0x81c: {  	_ =	swait.ge [sflag:s1], $0x640  }
0x81d: {  	[sflag:s1] =	ssyncset.done $0x0  }
0x81e: {  	[sflag:s1] =	ssyncadd.s32 $0xFFFFF9C0  }
0x81f: {  	_ =	swait.ge [sflag:s1], $0x640  }
0x820: {  	[sflag:s1] =	ssyncset.done $0x0  }
0x821: {  	[sflag:s1] =	ssyncadd.s32 $0xFFFFF9C0  }
0x822: {  	_ =	swait.ge [sflag:s1], $0x640  }
0x823: {  	[sflag:s1] =	ssyncset.done $0x0  }
0x824: {  	[sflag:s1] =	ssyncadd.s32 $0xFFFFF9C0  }
0x825: {  	_ =	swait.ge [sflag:s1], $0x640  }
0x826: {  	[sflag:s1] =	ssyncset.done $0x0  }
0x827: {  	[sflag:s1] =	ssyncadd.s32 $0xFFFFF9C0  }
0x828: {  	_ =	swait.ge [sflag:s1], $0x640  }
0x829: {  	[sflag:s1] =	ssyncset.done $0x0  }
0x82a: {  	[sflag:s1] =	ssyncadd.s32 $0xFFFFF9C0  }
0x82b: {  	_ =	swait.ge [sflag:s1], $0x640  }
0x82c: {  	[sflag:s1] =	ssyncset.done $0x0  }
0x82d: {  	[sflag:s1] =	ssyncadd.s32 $0xFFFFF9C0  }
0x82e: {  	_ =	swait.ge [sflag:s1], $0x640  }
0x82f: {  	[sflag:s1] =	ssyncset.done $0x0  }
0x830: {  	[sflag:s1] =	ssyncadd.s32 $0xFFFFF9C0  }
0x831: {  	_ =	swait.ge [sflag:s1], $0x640  }
0x832: {  	[sflag:s1] =	ssyncset.done $0x0  }
0x833: {  	[sflag:s1] =	ssyncadd.s32 $0xFFFFF9C0  }
0x834: {  	_ =	swait.ge [sflag:s1], $0x640  }
0x835: {  	[sflag:s1] =	ssyncset.done $0x0  }
0x836: {  	[sflag:s1] =	ssyncadd.s32 $0xFFFFF9C0  }
0x837: {  	_ =	swait.ge [sflag:s1], $0x640  }
0x838: {  	[sflag:s1] =	ssyncset.done $0x0  }
0x839: {  	[sflag:s1] =	ssyncadd.s32 $0xFFFFF9C0  }
0x83a: {  	_ =	swait.ge [sflag:s1], $0x640  }
0x83b: {  	[sflag:s1] =	ssyncset.done $0x0  }
0x83c: {  	[sflag:s1] =	ssyncadd.s32 $0xFFFFF9C0  }
0x83d: {  	_ =	swait.ge [sflag:s1], $0x640  }
0x83e: {  	[sflag:s1] =	ssyncset.done $0x0  }
0x83f: {  	[sflag:s1] =	ssyncadd.s32 $0xFFFFF9C0  }
0x840: {  	_ =	swait.ge [sflag:s1], $0x640  }
0x841: {  	[sflag:s1] =	ssyncset.done $0x0  }
0x842: {  	[sflag:s1] =	ssyncadd.s32 $0xFFFFF9C0  }
0x843: {  	_ =	swait.ge [sflag:s1], $0x640  }
0x844: {  	[sflag:s1] =	ssyncset.done $0x0  }
0x845: {  	[sflag:s1] =	ssyncadd.s32 $0xFFFFF9C0  }
0x846: {  	_ =	swait.ge [sflag:s1], $0x640  }
0x847: {  	[sflag:s1] =	ssyncset.done $0x0  }
0x848: {  	[sflag:s1] =	ssyncadd.s32 $0xFFFFF9C0  }
0x849: {  	_ =	swait.ge [sflag:s1], $0x640  }
0x84a: {  	[sflag:s1] =	ssyncset.done $0x0  }
0x84b: {  	[sflag:s1] =	ssyncadd.s32 $0xFFFFF9C0  }
0x84c: {  	_ =	swait.ge [sflag:s1], $0x640  }
0x84d: {  	[sflag:s1] =	ssyncset.done $0x0  }
0x84e: {  	[sflag:s1] =	ssyncadd.s32 $0xFFFFF9C0  }
0x84f: {  	_ =	swait.ge [sflag:s1], $0x640  }
0x850: {  	[sflag:s1] =	ssyncset.done $0x0  }
0x851: {  	[sflag:s1] =	ssyncadd.s32 $0xFFFFF9C0  }
0x852: {  	_ =	swait.ge [sflag:s1], $0x640  }
0x853: {  	[sflag:s1] =	ssyncset.done $0x0  }
0x854: {  	[sflag:s1] =	ssyncadd.s32 $0xFFFFF9C0  }
0x855: {  	_ =	swait.ge [sflag:s1], $0x640  }
0x856: {  	[sflag:s1] =	ssyncset.done $0x0  }
0x857: {  	[sflag:s1] =	ssyncadd.s32 $0xFFFFF9C0  }
0x858: {  	_ =	swait.ge [sflag:s1], $0x640  }
0x859: {  	[sflag:s1] =	ssyncset.done $0x0  }
0x85a: {  	[sflag:s1] =	ssyncadd.s32 $0xFFFFF9C0  }
0x85b: {  	_ =	swait.ge [sflag:s1], $0x640  }
0x85c: {  	[sflag:s1] =	ssyncset.done $0x0  }
0x85d: {  	[sflag:s1] =	ssyncadd.s32 $0xFFFFF9C0  }
0x85e: {  	_ =	swait.ge [sflag:s1], $0x640  }
0x85f: {  	[sflag:s1] =	ssyncset.done $0x0  }
0x860: {  	[sflag:s1] =	ssyncadd.s32 $0xFFFFF9C0  }
0x861: {  	_ =	swait.ge [sflag:s1], $0x640  }
0x862: {  	[sflag:s1] =	ssyncset.done $0x0  }
0x863: {  	[sflag:s1] =	ssyncadd.s32 $0xFFFFF9C0  }
0x864: {  	_ =	swait.ge [sflag:s1], $0x640  }
0x865: {  	s0 =	simm.s32 $0x13800;
	s31 =	simm.s32 $0x380;
	[sflag:s1] =	ssyncset.done $0x0  }
0x866: {  	s2 =	sadd.s32 $0x0, s18;
	s26 =	simm.s32 $0x13E40;
	[sflag:s1] =	ssyncadd.s32 $0xFFFFF9C0  }
.LBB2_38:
0x867: {  	[hbm4b:s2+s22] =	stream.strided.scatter [tilespmem:s0], [sflag:$0x4], $0x640, s25, s22, $0x38;
	v63 =	vld [tilespmem:$0x0]  }
0x868: {  	s2 =	smov.u32 s31;
	s0 =	smov.u32 s26;
	p0 =	sne.s32 s31, $0x6C80  }
.Ltmp18:
0x869: {  	s31 =	sadd.s32 $0x380, s31;
	(pc) =	sbr.rel @p0 .LBB2_38-.Ltmp18, $2  }
0x86a: {  	_ =	sdelay $0x2  }
0x86b: {  	s26 =	sadd.s32 $0x640, s26;
	s2 =	sadd.s32 s2, s18  }
0x86c: {  	[hbm4b:s2+s22] =	stream.strided.scatter [tilespmem:s0], [sflag:$0x4], $0x640, s25, s22, $0x38;
	v63 =	vld [tilespmem:$0x0]  }
0x86d: {  	_ =	swait.ge [sflag:s24], $0xC800  }
0x86e: {  	s0 =	simm.s32 $0x13800;
	[sflag:s24] =	ssyncset.done $0x0  }
0x86f: {  	s31 =	simm.s32 $0x6900;
	s26 =	simm.s32 $0xE0;
	[sflag:s24] =	ssyncadd.s32 $0xFFFF3800  }
0x870: {  	[tilespmem:s0], [sflag:$0x2] =	stream.indirect.gather [hbm4b:s3+s23], $0x20, s31, s23, $0xb8;
	v63 =	vld [tilespmem:$0x0]  }
.LBB2_40:
0x871: {  	p0 =	sne.s32 s26, $0x1B20  }
.Ltmp19:
0x872: {  	_ = 	snop;
	(pc) =	sbr.rel @p0 .LBB2_40-.Ltmp19, $4  }
0x873: {  	_ = 	snop  }
0x874: {  	s2 =	sshra.s32 s26, $0x2;
	s26 =	sadd.s32 $0xE0, s26  }
0x875: {  	s0 =	sadd.s32 $0x640, s0;
	s2 =	sadd.s32 $0x6900, s2  }
0x876: {  	[tilespmem:s0], [sflag:$0x2] =	stream.indirect.gather [hbm4b:s3+s23], $0x20, s2, s23, $0xb8;
	v63 =	vld [tilespmem:$0x0]  }
0x877: {  	_ =	swait.ge [sflag:s21], $0x640  }
0x878: {  	[sflag:s21] =	ssyncset.done $0x0  }
0x879: {  	[sflag:s21] =	ssyncadd.s32 $0xFFFFF9C0  }
0x87a: {  	_ =	swait.ge [sflag:s21], $0x640  }
0x87b: {  	[sflag:s21] =	ssyncset.done $0x0  }
0x87c: {  	[sflag:s21] =	ssyncadd.s32 $0xFFFFF9C0  }
0x87d: {  	_ =	swait.ge [sflag:s21], $0x640  }
0x87e: {  	[sflag:s21] =	ssyncset.done $0x0  }
0x87f: {  	[sflag:s21] =	ssyncadd.s32 $0xFFFFF9C0  }
0x880: {  	_ =	swait.ge [sflag:s21], $0x640  }
0x881: {  	[sflag:s21] =	ssyncset.done $0x0  }
0x882: {  	[sflag:s21] =	ssyncadd.s32 $0xFFFFF9C0  }
0x883: {  	_ =	swait.ge [sflag:s21], $0x640  }
0x884: {  	[sflag:s21] =	ssyncset.done $0x0  }
0x885: {  	[sflag:s21] =	ssyncadd.s32 $0xFFFFF9C0  }
0x886: {  	_ =	swait.ge [sflag:s21], $0x640  }
0x887: {  	[sflag:s21] =	ssyncset.done $0x0  }
0x888: {  	[sflag:s21] =	ssyncadd.s32 $0xFFFFF9C0  }
0x889: {  	_ =	swait.ge [sflag:s21], $0x640  }
0x88a: {  	[sflag:s21] =	ssyncset.done $0x0  }
0x88b: {  	[sflag:s21] =	ssyncadd.s32 $0xFFFFF9C0  }
0x88c: {  	_ =	swait.ge [sflag:s21], $0x640  }
0x88d: {  	[sflag:s21] =	ssyncset.done $0x0  }
0x88e: {  	[sflag:s21] =	ssyncadd.s32 $0xFFFFF9C0  }
0x88f: {  	_ =	swait.ge [sflag:s21], $0x640  }
0x890: {  	[sflag:s21] =	ssyncset.done $0x0  }
0x891: {  	[sflag:s21] =	ssyncadd.s32 $0xFFFFF9C0  }
0x892: {  	_ =	swait.ge [sflag:s21], $0x640  }
0x893: {  	[sflag:s21] =	ssyncset.done $0x0  }
0x894: {  	[sflag:s21] =	ssyncadd.s32 $0xFFFFF9C0  }
0x895: {  	_ =	swait.ge [sflag:s21], $0x640  }
0x896: {  	[sflag:s21] =	ssyncset.done $0x0  }
0x897: {  	[sflag:s21] =	ssyncadd.s32 $0xFFFFF9C0  }
0x898: {  	_ =	swait.ge [sflag:s21], $0x640  }
0x899: {  	[sflag:s21] =	ssyncset.done $0x0  }
0x89a: {  	[sflag:s21] =	ssyncadd.s32 $0xFFFFF9C0  }
0x89b: {  	_ =	swait.ge [sflag:s21], $0x640  }
0x89c: {  	[sflag:s21] =	ssyncset.done $0x0  }
0x89d: {  	[sflag:s21] =	ssyncadd.s32 $0xFFFFF9C0  }
0x89e: {  	_ =	swait.ge [sflag:s21], $0x640  }
0x89f: {  	[sflag:s21] =	ssyncset.done $0x0  }
0x8a0: {  	[sflag:s21] =	ssyncadd.s32 $0xFFFFF9C0  }
0x8a1: {  	_ =	swait.ge [sflag:s21], $0x640  }
0x8a2: {  	[sflag:s21] =	ssyncset.done $0x0  }
0x8a3: {  	[sflag:s21] =	ssyncadd.s32 $0xFFFFF9C0  }
0x8a4: {  	_ =	swait.ge [sflag:s21], $0x640  }
0x8a5: {  	[sflag:s21] =	ssyncset.done $0x0  }
0x8a6: {  	[sflag:s21] =	ssyncadd.s32 $0xFFFFF9C0  }
0x8a7: {  	_ =	swait.ge [sflag:s21], $0x640  }
0x8a8: {  	[sflag:s21] =	ssyncset.done $0x0  }
0x8a9: {  	[sflag:s21] =	ssyncadd.s32 $0xFFFFF9C0  }
0x8aa: {  	_ =	swait.ge [sflag:s21], $0x640  }
0x8ab: {  	[sflag:s21] =	ssyncset.done $0x0  }
0x8ac: {  	[sflag:s21] =	ssyncadd.s32 $0xFFFFF9C0  }
0x8ad: {  	_ =	swait.ge [sflag:s21], $0x640  }
0x8ae: {  	[sflag:s21] =	ssyncset.done $0x0  }
0x8af: {  	[sflag:s21] =	ssyncadd.s32 $0xFFFFF9C0  }
0x8b0: {  	_ =	swait.ge [sflag:s21], $0x640  }
0x8b1: {  	[sflag:s21] =	ssyncset.done $0x0  }
0x8b2: {  	[sflag:s21] =	ssyncadd.s32 $0xFFFFF9C0  }
0x8b3: {  	_ =	swait.ge [sflag:s21], $0x640  }
0x8b4: {  	[sflag:s21] =	ssyncset.done $0x0  }
0x8b5: {  	[sflag:s21] =	ssyncadd.s32 $0xFFFFF9C0  }
0x8b6: {  	_ =	swait.ge [sflag:s21], $0x640  }
0x8b7: {  	[sflag:s21] =	ssyncset.done $0x0  }
0x8b8: {  	[sflag:s21] =	ssyncadd.s32 $0xFFFFF9C0  }
0x8b9: {  	_ =	swait.ge [sflag:s21], $0x640  }
0x8ba: {  	[sflag:s21] =	ssyncset.done $0x0  }
0x8bb: {  	[sflag:s21] =	ssyncadd.s32 $0xFFFFF9C0  }
0x8bc: {  	_ =	swait.ge [sflag:s21], $0x640  }
0x8bd: {  	[sflag:s21] =	ssyncset.done $0x0  }
0x8be: {  	[sflag:s21] =	ssyncadd.s32 $0xFFFFF9C0  }
0x8bf: {  	_ =	swait.ge [sflag:s21], $0x640  }
0x8c0: {  	[sflag:s21] =	ssyncset.done $0x0  }
0x8c1: {  	[sflag:s21] =	ssyncadd.s32 $0xFFFFF9C0  }
0x8c2: {  	_ =	swait.ge [sflag:s21], $0x640  }
0x8c3: {  	[sflag:s21] =	ssyncset.done $0x0  }
0x8c4: {  	[sflag:s21] =	ssyncadd.s32 $0xFFFFF9C0  }
0x8c5: {  	_ =	swait.ge [sflag:s21], $0x640  }
0x8c6: {  	[sflag:s21] =	ssyncset.done $0x0  }
0x8c7: {  	[sflag:s21] =	ssyncadd.s32 $0xFFFFF9C0  }
0x8c8: {  	_ =	swait.ge [sflag:s21], $0x640  }
0x8c9: {  	[sflag:s21] =	ssyncset.done $0x0  }
0x8ca: {  	[sflag:s21] =	ssyncadd.s32 $0xFFFFF9C0  }
0x8cb: {  	_ =	swait.ge [sflag:s21], $0x640  }
0x8cc: {  	[sflag:s21] =	ssyncset.done $0x0  }
0x8cd: {  	[sflag:s21] =	ssyncadd.s32 $0xFFFFF9C0  }
0x8ce: {  	_ =	swait.ge [sflag:s21], $0x640  }
0x8cf: {  	[sflag:s21] =	ssyncset.done $0x0  }
0x8d0: {  	[sflag:s21] =	ssyncadd.s32 $0xFFFFF9C0  }
0x8d1: {  	_ =	swait.ge [sflag:s21], $0x640  }
0x8d2: {  	[sflag:s21] =	ssyncset.done $0x0  }
0x8d3: {  	[sflag:s21] =	ssyncadd.s32 $0xFFFFF9C0  }
0x8d4: {  	_ =	swait.ge [sflag:s21], $0x640  }
0x8d5: {  	s0 =	simm.s32 $0x7000;
	s31 =	simm.s32 $0x380;
	[sflag:s21] =	ssyncset.done $0x0  }
0x8d6: {  	s2 =	sadd.s32 $0x0, s19;
	s26 =	simm.s32 $0x7640;
	[sflag:s21] =	ssyncadd.s32 $0xFFFFF9C0  }
.LBB2_42:
0x8d7: {  	[hbm4b:s2+s22] =	stream.strided.scatter [tilespmem:s0], [sflag:$0x3], $0x640, s25, s22, $0x38;
	v63 =	vld [tilespmem:$0x0]  }
0x8d8: {  	s2 =	smov.u32 s31;
	s0 =	smov.u32 s26;
	p0 =	sne.s32 s31, $0x6C80  }
.Ltmp20:
0x8d9: {  	s31 =	sadd.s32 $0x380, s31;
	(pc) =	sbr.rel @p0 .LBB2_42-.Ltmp20, $2  }
0x8da: {  	_ =	sdelay $0x2  }
0x8db: {  	s26 =	sadd.s32 $0x640, s26;
	s2 =	sadd.s32 s2, s19  }
0x8dc: {  	[hbm4b:s2+s22] =	stream.strided.scatter [tilespmem:s0], [sflag:$0x3], $0x640, s25, s22, $0x38;
	v63 =	vld [tilespmem:$0x0]  }
0x8dd: {  	_ =	swait.ge [sflag:s1], $0x640  }
0x8de: {  	[sflag:s1] =	ssyncset.done $0x0  }
0x8df: {  	[sflag:s1] =	ssyncadd.s32 $0xFFFFF9C0  }
0x8e0: {  	_ =	swait.ge [sflag:s1], $0x640  }
0x8e1: {  	[sflag:s1] =	ssyncset.done $0x0  }
0x8e2: {  	[sflag:s1] =	ssyncadd.s32 $0xFFFFF9C0  }
0x8e3: {  	_ =	swait.ge [sflag:s1], $0x640  }
0x8e4: {  	[sflag:s1] =	ssyncset.done $0x0  }
0x8e5: {  	[sflag:s1] =	ssyncadd.s32 $0xFFFFF9C0  }
0x8e6: {  	_ =	swait.ge [sflag:s1], $0x640  }
0x8e7: {  	[sflag:s1] =	ssyncset.done $0x0  }
0x8e8: {  	[sflag:s1] =	ssyncadd.s32 $0xFFFFF9C0  }
0x8e9: {  	_ =	swait.ge [sflag:s1], $0x640  }
0x8ea: {  	[sflag:s1] =	ssyncset.done $0x0  }
0x8eb: {  	[sflag:s1] =	ssyncadd.s32 $0xFFFFF9C0  }
0x8ec: {  	_ =	swait.ge [sflag:s1], $0x640  }
0x8ed: {  	[sflag:s1] =	ssyncset.done $0x0  }
0x8ee: {  	[sflag:s1] =	ssyncadd.s32 $0xFFFFF9C0  }
0x8ef: {  	_ =	swait.ge [sflag:s1], $0x640  }
0x8f0: {  	[sflag:s1] =	ssyncset.done $0x0  }
0x8f1: {  	[sflag:s1] =	ssyncadd.s32 $0xFFFFF9C0  }
0x8f2: {  	_ =	swait.ge [sflag:s1], $0x640  }
0x8f3: {  	[sflag:s1] =	ssyncset.done $0x0  }
0x8f4: {  	[sflag:s1] =	ssyncadd.s32 $0xFFFFF9C0  }
0x8f5: {  	_ =	swait.ge [sflag:s1], $0x640  }
0x8f6: {  	[sflag:s1] =	ssyncset.done $0x0  }
0x8f7: {  	[sflag:s1] =	ssyncadd.s32 $0xFFFFF9C0  }
0x8f8: {  	_ =	swait.ge [sflag:s1], $0x640  }
0x8f9: {  	[sflag:s1] =	ssyncset.done $0x0  }
0x8fa: {  	[sflag:s1] =	ssyncadd.s32 $0xFFFFF9C0  }
0x8fb: {  	_ =	swait.ge [sflag:s1], $0x640  }
0x8fc: {  	[sflag:s1] =	ssyncset.done $0x0  }
0x8fd: {  	[sflag:s1] =	ssyncadd.s32 $0xFFFFF9C0  }
0x8fe: {  	_ =	swait.ge [sflag:s1], $0x640  }
0x8ff: {  	[sflag:s1] =	ssyncset.done $0x0  }
0x900: {  	[sflag:s1] =	ssyncadd.s32 $0xFFFFF9C0  }
0x901: {  	_ =	swait.ge [sflag:s1], $0x640  }
0x902: {  	[sflag:s1] =	ssyncset.done $0x0  }
0x903: {  	[sflag:s1] =	ssyncadd.s32 $0xFFFFF9C0  }
0x904: {  	_ =	swait.ge [sflag:s1], $0x640  }
0x905: {  	[sflag:s1] =	ssyncset.done $0x0  }
0x906: {  	[sflag:s1] =	ssyncadd.s32 $0xFFFFF9C0  }
0x907: {  	_ =	swait.ge [sflag:s1], $0x640  }
0x908: {  	[sflag:s1] =	ssyncset.done $0x0  }
0x909: {  	[sflag:s1] =	ssyncadd.s32 $0xFFFFF9C0  }
0x90a: {  	_ =	swait.ge [sflag:s1], $0x640  }
0x90b: {  	[sflag:s1] =	ssyncset.done $0x0  }
0x90c: {  	[sflag:s1] =	ssyncadd.s32 $0xFFFFF9C0  }
0x90d: {  	_ =	swait.ge [sflag:s1], $0x640  }
0x90e: {  	[sflag:s1] =	ssyncset.done $0x0  }
0x90f: {  	[sflag:s1] =	ssyncadd.s32 $0xFFFFF9C0  }
0x910: {  	_ =	swait.ge [sflag:s1], $0x640  }
0x911: {  	[sflag:s1] =	ssyncset.done $0x0  }
0x912: {  	[sflag:s1] =	ssyncadd.s32 $0xFFFFF9C0  }
0x913: {  	_ =	swait.ge [sflag:s1], $0x640  }
0x914: {  	[sflag:s1] =	ssyncset.done $0x0  }
0x915: {  	[sflag:s1] =	ssyncadd.s32 $0xFFFFF9C0  }
0x916: {  	_ =	swait.ge [sflag:s1], $0x640  }
0x917: {  	[sflag:s1] =	ssyncset.done $0x0  }
0x918: {  	[sflag:s1] =	ssyncadd.s32 $0xFFFFF9C0  }
0x919: {  	_ =	swait.ge [sflag:s1], $0x640  }
0x91a: {  	[sflag:s1] =	ssyncset.done $0x0  }
0x91b: {  	[sflag:s1] =	ssyncadd.s32 $0xFFFFF9C0  }
0x91c: {  	_ =	swait.ge [sflag:s1], $0x640  }
0x91d: {  	[sflag:s1] =	ssyncset.done $0x0  }
0x91e: {  	[sflag:s1] =	ssyncadd.s32 $0xFFFFF9C0  }
0x91f: {  	_ =	swait.ge [sflag:s1], $0x640  }
0x920: {  	[sflag:s1] =	ssyncset.done $0x0  }
0x921: {  	[sflag:s1] =	ssyncadd.s32 $0xFFFFF9C0  }
0x922: {  	_ =	swait.ge [sflag:s1], $0x640  }
0x923: {  	[sflag:s1] =	ssyncset.done $0x0  }
0x924: {  	[sflag:s1] =	ssyncadd.s32 $0xFFFFF9C0  }
0x925: {  	_ =	swait.ge [sflag:s1], $0x640  }
0x926: {  	[sflag:s1] =	ssyncset.done $0x0  }
0x927: {  	[sflag:s1] =	ssyncadd.s32 $0xFFFFF9C0  }
0x928: {  	_ =	swait.ge [sflag:s1], $0x640  }
0x929: {  	[sflag:s1] =	ssyncset.done $0x0  }
0x92a: {  	[sflag:s1] =	ssyncadd.s32 $0xFFFFF9C0  }
0x92b: {  	_ =	swait.ge [sflag:s1], $0x640  }
0x92c: {  	[sflag:s1] =	ssyncset.done $0x0  }
0x92d: {  	[sflag:s1] =	ssyncadd.s32 $0xFFFFF9C0  }
0x92e: {  	_ =	swait.ge [sflag:s1], $0x640  }
0x92f: {  	[sflag:s1] =	ssyncset.done $0x0  }
0x930: {  	[sflag:s1] =	ssyncadd.s32 $0xFFFFF9C0  }
0x931: {  	_ =	swait.ge [sflag:s1], $0x640  }
0x932: {  	[sflag:s1] =	ssyncset.done $0x0  }
0x933: {  	[sflag:s1] =	ssyncadd.s32 $0xFFFFF9C0  }
0x934: {  	_ =	swait.ge [sflag:s1], $0x640  }
0x935: {  	[sflag:s1] =	ssyncset.done $0x0  }
0x936: {  	[sflag:s1] =	ssyncadd.s32 $0xFFFFF9C0  }
0x937: {  	_ =	swait.ge [sflag:s1], $0x640  }
0x938: {  	[sflag:s1] =	ssyncset.done $0x0  }
0x939: {  	[sflag:s1] =	ssyncadd.s32 $0xFFFFF9C0  }
0x93a: {  	_ =	swait.ge [sflag:s1], $0x640  }
0x93b: {  	s0 =	simm.s32 $0x13800;
	s31 =	simm.s32 $0x380;
	[sflag:s1] =	ssyncset.done $0x0  }
0x93c: {  	s2 =	sadd.s32 $0x0, s20;
	s26 =	simm.s32 $0x13E40;
	[sflag:s1] =	ssyncadd.s32 $0xFFFFF9C0  }
.LBB2_44:
0x93d: {  	[hbm4b:s2+s22] =	stream.strided.scatter [tilespmem:s0], [sflag:$0x4], $0x640, s25, s22, $0x38;
	v63 =	vld [tilespmem:$0x0]  }
0x93e: {  	s2 =	smov.u32 s31;
	s0 =	smov.u32 s26;
	p0 =	sne.s32 s31, $0x6C80  }
.Ltmp21:
0x93f: {  	s31 =	sadd.s32 $0x380, s31;
	(pc) =	sbr.rel @p0 .LBB2_44-.Ltmp21, $2  }
0x940: {  	_ =	sdelay $0x2  }
0x941: {  	s26 =	sadd.s32 $0x640, s26;
	s2 =	sadd.s32 s2, s20  }
0x942: {  	[hbm4b:s2+s22] =	stream.strided.scatter [tilespmem:s0], [sflag:$0x4], $0x640, s25, s22, $0x38;
	v63 =	vld [tilespmem:$0x0]  }
0x943: {  	_ =	swait.ge [sflag:s28], $0xC800  }
0x944: {  	[sflag:s28] =	ssyncset.done $0x0  }
0x945: {  	[sflag:s28] =	ssyncadd.s32 $0xFFFF3800  }
0x946: {  	_ =	swait.ge [sflag:s24], $0xC800  }
0x947: {  	s29 =	sadd.s32 $0x1, s29;
	s31 =	rddreg [dreg:$0x4]  }
0x948: {  	p0 =	sne.s32 s29, s31  }
.Ltmp22:
0x949: {  	_ = 	snop;
	(pc) =	sbr.rel @p0 .LBB2_1-.Ltmp22, $3  }
0x94a: {  	_ =	sdelay $0x1  }
0x94b: {  	[sflag:s24] =	ssyncset.done $0x0  }
0x94c: {  	[sflag:s24] =	ssyncadd.s32 $0xFFFF3800  }
0x94d: {  	_ =	sfence.sel $0x180000  }
0x94e: {  	[bflag:$0x0] =	sbarrier.arrive $0xFFFF  }
0x94f: {  	_ =	strace $0x90000047  }
0x950: {  	s0 =	stileid.u32;
	[bflag:$0x2] =	sbarrier.arrive $0xFFFF  }
0x951: {  	p0 =	sne.s32 s0, $0x0;
	s0 =	rddreg [dreg:$0x2]  }
0x952: {  	s0 =	sadd.s32 @!p0 $0x100000, s0  }
0x953: {  	[sflag:s0] =	ssyncadd.tile.s32 @!p0 $0x1;
	_ =	shalt  }
.Lfunc_end2:
_tile_overlayer_lowered:
.L_overlay_start_2:
0x954: {  	(tag) =	ssettag $0x2  }
0x955: {  	s0 =	rddreg [dreg:$0x0];
	s2 =	stileid.u32  }
0x956: {  	s1 =	rddreg [dreg:$0x1];
	p0 =	sne.s32 s2, $0x0  }
0x957: {  	s3 =	rddreg [dreg:$0x2];
	[bflag:$0x3] =	sbarrier.arrive $0xFFFF;
	s2 =	simm.s32 @!p0 $0x1C05  }
0x958: {  	[timem:s3], [sflag:s2] =	dma.local @!p0 [hbm:s0], s1  }
0x959: {  	s0 =	simm.s32 @!p0 $0x5  }
0x95a: {  	_ =	swait.ge @!p0 [sflag:s0], s1  }
0x95b: {  	s1 =	ssub.s32 @!p0 $0x0, s1;
	[sflag:s0] =	ssyncset.done @!p0 $0x0  }
0x95c: {  	[sflag:s0] =	ssyncadd.s32 @!p0 s1  }
0x95d: {  	[bflag:$0x3] =	sbarrier.arrive $0xFFFF  }
0x95e: {  	_ =	shalt  }

// kernel: sparse-core-data-format-call.cloned.1.call-start
scs
called_computation_lowered:
.L_overlay_start_0:
0x0: {  	s2 =	sld [smem:$0x3FD9]  }
0x1: {  	s3 =	sld [smem:$0x3FFE];
	_ =	sdelay $0x1  }
0x2: {  	s1 =	srdreg.scid  }
0x3: {  	s0 =	sand.u32 $0x1, s1  }
0x4: {  	s18 =	sshll.u32 s0, $0xA;
	s2 =	sadd.s32 s3, s2  }
0x5: {  	s2 =	sadd.s32 s2, s18  }
0x6: {  	[smem:$0x3FC6] =	sst s2  }
0x7: {  	_ = 	snop  }
0x8: {  	s2 =	sld [smem:$0x3FD0];
	(tm) =	ssettm $0x1  }
0x9: {  	s19 =	sld [smem:$0x3FFB];
	_ =	sdelay $0x3  }
0xa: {  	_ =	strace s19  }
0xb: {  	s3 =	sld [smem:$0x3FFC];
	_ =	sdelay $0x3  }
0xc: {  	_ =	strace s3  }
0xd: {  	s3 =	sld [smem:$0x3FFD];
	_ =	sdelay $0x3  }
0xe: {  	_ =	strace s3  }
0xf: {  	_ =	strace $0x8FFFFFFF  }
0x10: {  	s20 =	sld [smem:$0x3FDB];
	_ =	sdelay $0x1  }
0x11: {  	s4 =	simm.s32 $_scs_section_size  }
0x12: {  	s5 =	simm.s32 $_size__tile_overlayer_lowered;
	s6 =	simm.s32 $_tile_overlayer_lowered  }
0x13: {  	s23 =	simm.s32 $0x1BFF;
	s22 =	sshll.u32 s6, $0x1;
	s3 =	sadd.s32 s4, s20  }
0x14: {  	s7 =	simm.s32 $0x0;
	s21 =	sshll.u32 s5, $0x1;
	s5 =	sadd.s32 s22, s3  }
0x15: {  	[timem:s7], [sflag:s23] =	dma.local [hbm:s5], s21  }
0x16: {  	_ =	swait.ge [sflag:s23], s21  }
0x17: {  	s4 =	ssub.s32 $0x0, s21;
	[sflag:s23] =	ssyncset.done $0x0  }
0x18: {  	[sflag:s23] =	ssyncadd.s32 s4;
	_ =	sdelay $0x1  }
0x19: {  	s24 =	simm.s32 $0x1B8B  }
0x1a: {  	_ =	swait.ge [sflag:s24], $0x1  }
0x1b: {  	[sflag:s24] =	ssyncset.done $0x0  }
0x1c: {  	s26 =	simm.s32 $0x1B8E;
	s25 =	sld [smem:$0x3FFE];
	[sflag:s24] =	ssyncadd.s32 $0xFFFFFFFF  }
0x1d: {  	s27 =	simm.s32 $execute0_lowered;
	[smem:$0x3FD2] =	sst s26  }
0x1e: {  	s5 =	sshll.u32 s27, $0x1;
	_ =	strace $0x80000049;
	[dreg:$0x1] =	wrdreg $0xFFFFFFFF  }
0x1f: {  	s28 =	simm.s32 $_size_execute0_lowered;
	s3 =	sadd.s32 s3, s5;
	[dreg:$0x0] =	wrdreg $0x0  }
0x20: {  	s5 =	sshll.u32 s28, $0x1;
	[dreg:$0x2] =	wrdreg s3  }
0x21: {  	[dreg:$0x3] =	wrdreg s5  }
0x22: {  	[dreg:$0x4] =	wrdreg $0xC0  }
0x23: {  	_ =	task [dreg:s7], $0x5FFFF  }
0x24: {  	[dreg:$0x1] =	wrdreg $0xFFFFFFFF  }
0x25: {  	[dreg:$0x0] =	wrdreg $0x60  }
0x26: {  	[dreg:$0x2] =	wrdreg s25  }
0x27: {  	[dreg:$0x3] =	wrdreg s2  }
0x28: {  	[dreg:$0x4] =	wrdreg $0x9  }
0x29: {  	_ =	task.clear_ibuf [dreg:s7], $0x5FFFF;
	_ =	strace $0x90000049  }
0x2a: {  	s29 =	simm.s32 $0x9;
	_ =	strace $0x8000004B  }
0x2b: {  	_ =	swait.ge [sflag:s29], $0x1  }
0x2c: {  	[sflag:s29] =	ssyncadd.s32 $0xFFFFFFFF  }
0x2d: {  	_ =	strace $0x9000004B  }
0x2e: {  	_ =	sfence  }
0x2f: {  	s30 =	sld [smem:$0x0];
	_ =	sdelay $0x2  }
0x30: {  	s31 =	sshll.u32 s1, $0xD;
	s1 =	sshrl.u32 s1, $0x2  }
0x31: {  	s3 =	sand.u32 $0x4000, s31;
	s1 =	sadd.s32 s1, s30  }
0x32: {  	s0 =	sor.u32 s3, s0;
	s1 =	sshll.u32 s1, $0x11  }
0x33: {  	s0 =	sor.u32 s1, s0  }
0x34: {  	s0 =	sadd.s32 $0x8F2B, s0  }
0x35: {  	[sflag:s0] =	ssyncadd.remote.s32 $0x1  }
0x36: {  	_ =	sfence.sel $0xFFFF  }
0x37: {  	[dreg:$0x0] =	wrdreg $0xFFFFFFFF;
	(pc) =	sbr.abs _section_cstart, $3  }
0x38: {  	[dreg:$0x1] =	wrdreg $0xFFFFFFFF  }
0x39: {  	_ =	task.clear_ibuf [dreg:s7], $0x2FFFF;
	_ =	strace $0x9FFFFFFF  }
0x3a: {  	(tm) =	ssettm $0x7FFFFFFF  }
0x3b: {  	_ =	shalt  }
tec
execute0_lowered:
.L_overlay_start_1:
0x0: {  	(tag) =	ssettag $0x1  }
0x1: {  	s0 =	srdreg.scid  }
0x2: {  	s1 =	sshll.u32 s0, $0x4  }
0x3: {  	s0 =	stileid.u32;
	s1 =	sand.u32 $0x10, s1  }
0x4: {  	s1 =	sor.u32 s0, s1  }
0x5: {  	s6 =	rddreg [dreg:$0x0];
	s4 =	simm.s32 $0x1;
	s2 =	sshll.u32 s1, $0x7  }
0x6: {  	s7 =	simm.s32 $0x2;
	s12 =	simm.s32 $0x0;
	s1 =	ssub.s32 $0x4000, s2  }
0x7: {  	s8 =	simm.s32 $0x20000;
	s13 =	simm.s32 $0x0;
	s3 =	sand.u32 $0xF80, s1  }
0x8: {  	s9 =	simm.s32 $0x0;
	s5 =	sshrl.u32 s1, $0xC;
	p0 =	sne.s32 s3, $0x0  }
.Ltmp0:
0x9: {  	s1 =	rddreg [dreg:$0x2];
	s4 =	simm.s32 @!p0 $0x0;
	(pc) =	sbr.rel .LBB1_1-.Ltmp0, $4  }
0xa: {  	s11 =	simm.s32 $0x0;
	s3 =	rddreg [dreg:$0x1];
	s5 =	sadd.s32 s4, s5  }
0xb: {  	_ =	strace $0x8000004A;
	s4 =	simm.s32 $0x1;
	s5 =	smul.u32 $0x32, s5  }
0xc: {  	s6 =	sadd.s32 $0xA00, s6;
	s10 =	smov.u32 s2;
	[sflag:s4] =	ssyncpa.u1 $0x0  }
0xd: {  	p0 =	por $0x0, $0x0;
	[sflag:s7] =	ssyncpa.u1 $0x0;
	s7 =	sor.u32 $0x1, s5  }
.LBB1_4:
0xe: {  	s16 =	sshll.u32 s13, $0x3;
	s17 =	sand.u32 $0x78, s13  }
0xf: {  	s30 =	sand.u32 $0xF800, s13;
	s12 =	sshll.u32 s12, $0x10;
	s16 =	sand.u32 $0x3C00, s16  }
0x10: {  	s31 =	sand.u32 $0x7, s13;
	s16 =	sor.u32 s17, s16;
	s17 =	sadd.s32 s3, s30  }
0x11: {  	s13 =	sshll.u32 s31, $0x12;
	s16 =	sshrl.u32 s16, $0x3;
	s12 =	sadd.s32 s12, s17  }
0x12: {  	[tilespmem:s15+$0x0 ss:$0x81] =	vst.msk $0xffff, v0;
	s13 =	sor.u32 $0x400, s13;
	s12 =	sadd.s32 s16, s12  }
0x13: {  	[hbm4b:s12+s13] =	stream.strided.scatter [tilespmem:s14], [sflag:$0x2], $0x1000, s8, s13, $0x20;
	[tilespmem:$0x4040] =	vst v63  }
.LBB1_5:
0x14: {  	s14 =	sadd.s32 $0x1, s9  }
0x15: {  	s12 =	sadd.s32 $0x1000, s10;
	s16 =	smov.u32 s10;
	p2 =	sgt.s32 s14, $0x31  }
0x16: {  	s16 =	smov.u32 @p2 s12  }
0x17: {  	s14 =	simm.s32 @p2 $0x0;
	p2 =	sgt.s32 s16, $0x3FFF  }
0x18: {  	s16 =	smov.u32 @p2 s2;
	p2 =	sne.s32 s11, s7  }
.Ltmp1:
0x19: {  	p1 =	slt.u32 s11, $0x2;
	(pc) =	sbr.rel @!p2 .LBB1_6-.Ltmp1, $4  }
0x1a: {  	s15 =	simm.s32 @!p1 $0x2  }
0x1b: {  	s13 =	smov.u32 s10;
	p0 =	por !p0, !p0;
	_ =	swait.ge @!p1 [sflag:s15], $0x1000  }
0x1c: {  	s12 =	smov.u32 s9;
	[sflag:s15] =	ssyncset.done @!p1 $0x0;
	s9 =	smov.u32 s14  }
0x1d: {  	s11 =	sadd.s32 $0x1, s11;
	[sflag:s15] =	ssyncadd.s32 @!p1 $0xFFFFF000;
	s10 =	smov.u32 s16  }
.LBB1_1:
0x1e: {  	p1 =	sge.u32 s11, s5  }
0x1f: {  	s14 =	sand.u32 @!p1 $0x1FFFFFF, s9  }
0x20: {  	s15 =	smulhi.u32 @!p1 $0x4924925, s14;
	_ =	sdelay $0x1  }
0x21: {  	s15 =	smul.u32 @!p1 $0x38, s15  }
0x22: {  	s16 =	sxor.u32 @!p1 $0xFFFFFFFF, s11;
	s17 =	smul.u32 @!p1 $0x380, s10  }
0x23: {  	s31 =	sadd.s32 $0xFFFFFFFF, s11;
	s16 =	sshll.u32 @!p1 s16, $0xC;
	s14 =	ssub.s32 @!p1 s14, s15  }
0x24: {  	s15 =	sand.u32 @!p1 $0x1000, s16;
	s16 =	sadd.s32 @!p1 s6, s17;
	s14 =	sshll.u32 @!p1 s14, $0x4  }
0x25: {  	s17 =	simm.s32 @!p1 $0x1C00;
	s14 =	sadd.s32 @!p1 s14, s16;
	s16 =	simm.s32 @!p1 $0x20  }
0x26: {  	[tilespmem:s15], [sflag:$0x1] =	stream.strided.gather @!p1 [hbm4b:s14+s16], $0x1000, s17, s16, $0x38;
	[tilespmem:$0x4040] =	vst v63  }
0x27: {  	p1 =	sge.u32 s31, s5  }
.Ltmp2:
0x28: {  	_ = 	snop;
	(pc) =	sbr.rel @p1 .LBB1_5-.Ltmp2, $1  }
0x29: {  	_ =	sdelay $0x3  }
0x2a: {  	s14 =	simm.s32 $0x1  }
0x2b: {  	_ =	swait.ge [sflag:s4], $0x1000;
	s14 =	simm.s32 @!p0 $0x0  }
0x2c: {  	[sflag:s4] =	ssyncset.done $0x0;
	s15 =	sshll.u32 s14, $0xC  }
0x2d: {  	[sflag:s4] =	ssyncadd.s32 $0xFFFFF000;
	s18 =	sor.u32 $0x10, s15  }
0x2e: {  	s14 =	smul.u32 $0x4080, s14;
	v1 =	vld [tilespmem:s18+$0x0]  }
0x2f: {  	s30 =	sand.u32 $0x1, s11;
	v0 =	vld [tilespmem:s18+$0xFFFFFFF0]  }
0x30: {  	s15 =	smul.u32 $0x4080, s30;
	s14 =	sshrl.u32 s14, $0x2  }
0x31: {  	s16 =	sor.u32 $0x2000, s14  }
0x32: {  	s31 =	sshrl.u32 s15, $0x2;
	s15 =	sadd.s32 $0x0, s16  }
0x33: {  	s17 =	simm.s32 $0x4;
	s18 =	sadd.s32 $0x20, s18;
	s14 =	sor.u32 $0x2000, s31;
	[tilespmem:s15+$0x810 ss:$0x81] =	vst.msk $0xffff, v1  }
.LBB1_3:
0x34: {  	v1 =	vld [tilespmem:s18+$0x0];
	p1 =	sne.s32 s17, $0x1FC;
	[tilespmem:s15+$0x0 ss:$0x81] =	vst.msk $0xffff, v0;
	s15 =	smov.u32 s17;
	s17 =	sadd.s32 $0x4, s17  }
.Ltmp3:
0x35: {  	v0 =	vld [tilespmem:s18+$0xFFFFFFF0];
	(pc) =	sbr.rel @p1 .LBB1_3-.Ltmp3, $4  }
0x36: {  	_ = 	snop  }
0x37: {  	s15 =	sshra.s32 s15, $0x2  }
0x38: {  	s15 =	sadd.s32 s15, s16  }
0x39: {  	s18 =	sadd.s32 $0x20, s18;
	[tilespmem:s15+$0x810 ss:$0x81] =	vst.msk $0xffff, v1  }
.Ltmp4:
0x3a: {  	_ = 	snop;
	(pc) =	sbr.rel .LBB1_4-.Ltmp4, $1  }
0x3b: {  	_ =	sdelay $0x3  }
.LBB1_6:
0x3c: {  	_ =	sfence.sel $0x180000  }
0x3d: {  	s2 =	simm.s32 $0x1;
	[bflag:$0x0] =	sbarrier.arrive $0xFFFF  }
0x3e: {  	s31 =	simm.s32 $0x2;
	[sflag:s2] =	ssyncpa.u1 $0x1  }
0x3f: {  	[sflag:s31] =	ssyncpa.u1 $0x1  }
0x40: {  	p0 =	sne.s32 s0, $0x0;
	_ =	strace $0x9000004A  }
0x41: {  	s0 =	sadd.s32 @!p0 $0x100000, s1;
	[bflag:$0x2] =	sbarrier.arrive $0xFFFF  }
0x42: {  	[sflag:s0] =	ssyncadd.tile.s32 @!p0 $0x1;
	_ =	shalt  }
.Lfunc_end1:
_tile_overlayer_lowered:
.L_overlay_start_2:
0x43: {  	(tag) =	ssettag $0x2  }
0x44: {  	s0 =	rddreg [dreg:$0x0];
	s2 =	stileid.u32  }
0x45: {  	s1 =	rddreg [dreg:$0x1];
	p0 =	sne.s32 s2, $0x0  }
0x46: {  	s3 =	rddreg [dreg:$0x2];
	[bflag:$0x3] =	sbarrier.arrive $0xFFFF;
	s2 =	simm.s32 @!p0 $0x1C01  }
0x47: {  	[timem:s3], [sflag:s2] =	dma.local @!p0 [hbm:s0], s1  }
0x48: {  	s0 =	simm.s32 @!p0 $0x1  }
0x49: {  	_ =	swait.ge @!p0 [sflag:s0], s1  }
0x4a: {  	s1 =	ssub.s32 @!p0 $0x0, s1;
	[sflag:s0] =	ssyncset.done @!p0 $0x0  }
0x4b: {  	[sflag:s0] =	ssyncadd.s32 @!p0 s1  }
0x4c: {  	[bflag:$0x3] =	sbarrier.arrive $0xFFFF  }
0x4d: {  	_ =	shalt  }

</sc_bundles>
